<compile_context>
chip_gen: v7x
topology: tpu7x:2x2x1
jax: 0.10.2.dev20260603
libtpu: 0.0.44.dev20260713+nightly
codegen_flags: <defaults>
</compile_context>

<pallas_src>
import functools
import math

import jax
import jax.numpy as jnp
from jax import lax
from jax.experimental import pallas as pl
from jax.experimental.pallas import tpu as pltpu
from jax.experimental.pallas import tpu_sc as plsc

LANES = 16
CHUNK = 48
NSLOT = 3
NW = 32
BM = 400


def _dense_body(x_ref, ws_ref, bs_ref, wr_ref, br_ref, wa_ref, ba_ref,
                self_ref, yc_ref, av_ref):
    xb = x_ref[...]
    self_ref[...] = (
        jnp.dot(xb, ws_ref[...], preferred_element_type=jnp.float32)
        + bs_ref[...])
    yc_ref[...] = (
        jnp.dot(xb, wr_ref[...], preferred_element_type=jnp.float32)
        + br_ref[...])
    av_ref[...] = (
        jnp.dot(xb, wa_ref[...], preferred_element_type=jnp.float32)
        + ba_ref[...])


def _dense_stage(x, ws, bs, wr, br, wa, ba):
    n, d = x.shape
    rd = wr.shape[1]
    grid = n // BM
    return pl.pallas_call(
        _dense_body,
        grid=(grid,),
        in_specs=[
            pl.BlockSpec((BM, d), lambda i: (i, 0)),
            pl.BlockSpec((d, d), lambda i: (0, 0)),
            pl.BlockSpec((1, d), lambda i: (0, 0)),
            pl.BlockSpec((d, rd), lambda i: (0, 0)),
            pl.BlockSpec((1, rd), lambda i: (0, 0)),
            pl.BlockSpec((d, 8), lambda i: (0, 0)),
            pl.BlockSpec((1, 8), lambda i: (0, 0)),
        ],
        out_specs=[
            pl.BlockSpec((BM, d), lambda i: (i, 0)),
            pl.BlockSpec((BM, rd), lambda i: (i, 0)),
            pl.BlockSpec((BM, 8), lambda i: (i, 0)),
        ],
        out_shape=[
            jax.ShapeDtypeStruct((n, d), jnp.float32),
            jax.ShapeDtypeStruct((n, rd), jnp.float32),
            jax.ShapeDtypeStruct((n, 8), jnp.float32),
        ],
    )(x, ws, bs, wr, br, wa, ba)


def _sc_body(n_nodes, n_acc, r_rel, per_worker,
             y_hbm, asrc_hbm, atgt_hbm, src_hbm, tgt_hbm, typ_hbm, zeros_hbm,
             partial_hbm,
             acc, asrc_v, atgt_v, src_v, tgt_v, typ_v,
             g_v, tc_v, att_v, rows_v,
             esem0, esem1, esem2, gsem0, gsem1, gsem2, ssem0, ssem1, ssem2):
    esem = (esem0, esem1, esem2)
    gsem = (gsem0, gsem1, gsem2)
    ssem = (ssem0, ssem1, ssem2)
    cid = lax.axis_index("c")
    sid = lax.axis_index("s")
    wid = cid * 16 + sid
    stripe = n_acc // 16
    n_chunks = per_worker // CHUNK
    n_groups = n_chunks // NSLOT
    base_w = wid * per_worker

    pltpu.sync_copy(zeros_hbm.at[pl.ds(sid * stripe, stripe)],
                    acc.at[pl.ds(sid * stripe, stripe)])

    pltpu.sync_copy(asrc_hbm, asrc_v)
    pltpu.sync_copy(atgt_hbm, atgt_v)
    plsc.subcore_barrier()

    def fire_e(c, s):
        base = base_w + c * CHUNK
        pltpu.async_copy(src_hbm.at[pl.ds(base, CHUNK)], src_v.at[s], esem[s])
        pltpu.async_copy(tgt_hbm.at[pl.ds(base, CHUNK)], tgt_v.at[s], esem[s])
        pltpu.async_copy(typ_hbm.at[pl.ds(base, CHUNK)], typ_v.at[s], esem[s])

    def wait_e(c, s):
        base = base_w + c * CHUNK
        pltpu.make_async_copy(src_hbm.at[pl.ds(base, CHUNK)], src_v.at[s],
                              esem[s]).wait()
        pltpu.make_async_copy(tgt_hbm.at[pl.ds(base, CHUNK)], tgt_v.at[s],
                              esem[s]).wait()
        pltpu.make_async_copy(typ_hbm.at[pl.ds(base, CHUNK)], typ_v.at[s],
                              esem[s]).wait()

    def prep(s):
        for k in range(CHUNK // LANES):
            sl = pl.ds(k * LANES, LANES)
            s16 = src_v[s, sl]
            t16 = tgt_v[s, sl]
            g_v[s, sl] = s16 * r_rel + typ_v[s, sl]
            tc_v[s, sl] = t16
            za = plsc.load_gather(asrc_v, [s16])
            zb = plsc.load_gather(atgt_v, [t16])
            att_v[pl.ds(s * CHUNK + k * LANES, LANES)] = (
                1.0 / (1.0 + jnp.exp(-(za + zb))))

    def fire_g(s):
        pltpu.async_copy(y_hbm.at[g_v.at[s]], rows_v.at[s], gsem[s])

    def wait_g(s):
        pltpu.make_async_copy(y_hbm.at[g_v.at[s]], rows_v.at[s],
                              gsem[s]).wait()

    def scale(s):
        def scale_body(e, carry):
            for u in range(2):
                eu = e * 2 + u
                a = plsc.load_gather(
                    att_v, [jnp.full((LANES,), s * CHUNK + eu, jnp.int32)])
                for dd in range(128 // LANES):
                    sl = pl.ds(dd * LANES, LANES)
                    rows_v[s, eu, sl] = rows_v[s, eu, sl] * a
            return carry

        lax.fori_loop(0, CHUNK // 2, scale_body, 0)

    def fire_w(s):
        pltpu.async_copy(rows_v.at[s], acc.at[tc_v.at[s]], ssem[s], add=True)

    def wait_w(s):
        pltpu.make_async_copy(rows_v.at[s], acc.at[tc_v.at[s]],
                              ssem[s]).wait()

    for s in range(NSLOT):
        fire_e(s, s)
    wait_e(0, 0)
    prep(0)
    fire_g(0)

    def group_body(j, carry):
        for s in range(NSLOT):
            c = j * NSLOT + s
            ns = (s + 1) % NSLOT
            if s == 2:
                wait_w(ns)
            else:
                @pl.when(j >= 1)
                def _retire(ns=ns):
                    wait_w(ns)
            if s == 2:
                @pl.when(j < n_groups - 1)
                def _stage(c=c, ns=ns):
                    wait_e(c + 1, ns)
                    prep(ns)
                    fire_g(ns)
            else:
                wait_e(c + 1, ns)
                prep(ns)
                fire_g(ns)
            @pl.when(j < n_groups - 1)
            def _prefetch(c=c, s=s):
                fire_e(c + NSLOT, s)
            wait_g(s)
            scale(s)
            fire_w(s)
        return carry

    lax.fori_loop(0, n_groups, group_body, 0)
    wait_w((n_chunks - 2) % NSLOT)
    wait_w((n_chunks - 1) % NSLOT)
    plsc.subcore_barrier()

    dst0 = cid * n_acc + sid * stripe
    pltpu.sync_copy(acc.at[pl.ds(sid * stripe, stripe)],
                    partial_hbm.at[pl.ds(dst0, stripe)])


def _sparse_stage(y, a_src, a_tgt, src, tgt, typ, zeros, n_nodes, n_acc,
                  r_rel, per_worker):
    d = y.shape[1]
    mesh = plsc.VectorSubcoreMesh(core_axis_name="c", subcore_axis_name="s",
                                  num_cores=2, num_subcores=16)
    body = functools.partial(_sc_body, n_nodes, n_acc, r_rel, per_worker)
    return pl.kernel(
        body,
        out_type=jax.ShapeDtypeStruct((2 * n_acc, d), jnp.float32),
        mesh=mesh,
        scratch_types=[
            pltpu.VMEM_SHARED((n_acc, d), jnp.float32),
            pltpu.VMEM((n_nodes,), jnp.float32),
            pltpu.VMEM((n_nodes,), jnp.float32),
            pltpu.VMEM((NSLOT, CHUNK), jnp.int32),
            pltpu.VMEM((NSLOT, CHUNK), jnp.int32),
            pltpu.VMEM((NSLOT, CHUNK), jnp.int32),
            pltpu.VMEM((NSLOT, CHUNK), jnp.int32),
            pltpu.VMEM((NSLOT, CHUNK), jnp.int32),
            pltpu.VMEM((NSLOT * CHUNK,), jnp.float32),
            pltpu.VMEM((NSLOT, CHUNK, d), jnp.float32),
            pltpu.SemaphoreType.DMA,
            pltpu.SemaphoreType.DMA,
            pltpu.SemaphoreType.DMA,
            pltpu.SemaphoreType.DMA,
            pltpu.SemaphoreType.DMA,
            pltpu.SemaphoreType.DMA,
            pltpu.SemaphoreType.DMA,
            pltpu.SemaphoreType.DMA,
            pltpu.SemaphoreType.DMA,
        ],
        compiler_params=pltpu.CompilerParams(needs_layout_passes=False),
    )(y, a_src, a_tgt, src, tgt, typ, zeros)


def _add_body(a_ref, b_ref, c_ref, o_ref):
    o_ref[...] = a_ref[...] + b_ref[...] + c_ref[...]


def _final_add(self_out, p0, p1, n, d):
    grid = n // BM
    return pl.pallas_call(
        _add_body,
        grid=(grid,),
        in_specs=[
            pl.BlockSpec((BM, d), lambda i: (i, 0)),
            pl.BlockSpec((BM, d), lambda i: (i, 0)),
            pl.BlockSpec((BM, d), lambda i: (i, 0)),
        ],
        out_specs=pl.BlockSpec((BM, d), lambda i: (i, 0)),
        out_shape=jax.ShapeDtypeStruct((n, d), jnp.float32),
    )(self_out, p0, p1)


def kernel(x, edge_index, edge_types, rel_W, rel_b, self_W, self_b,
           att_W, att_b):
    n, d = x.shape
    r = rel_W.shape[0]
    e = edge_index.shape[1]

    ws = self_W.T
    bs = self_b.reshape(1, d)
    wr = jnp.transpose(rel_W, (2, 0, 1)).reshape(d, r * d)
    br = rel_b.reshape(1, r * d)
    wa = jnp.zeros((d, 8), jnp.float32)
    wa = wa.at[:, 0].set(att_W[0, :d]).at[:, 1].set(att_W[0, d:])
    ba = jnp.zeros((1, 8), jnp.float32).at[0, 0].set(att_b[0])

    self_out, yc, av = _dense_stage(x, ws, bs, wr, br, wa, ba)
    y = yc.reshape(n * r, d)
    a_src = av[:, 0]
    a_tgt = av[:, 1]

    ring = NSLOT * CHUNK
    per_worker = -(-e // (NW * ring)) * ring
    ep = per_worker * NW
    n_acc = -(-(n + LANES) // 128) * 128
    pad = ep - e
    src = edge_index[0].astype(jnp.int32)
    tgt = edge_index[1].astype(jnp.int32)
    typ = edge_types.astype(jnp.int32)
    if pad:
        src = jnp.concatenate([src, jnp.zeros((pad,), jnp.int32)])
        tgt = jnp.concatenate([tgt, jnp.full((pad,), n, jnp.int32)])
        typ = jnp.concatenate([typ, jnp.zeros((pad,), jnp.int32)])
    zeros = jnp.zeros((n_acc, d), jnp.float32)

    partial = _sparse_stage(y, a_src, a_tgt, src, tgt, typ, zeros,
                            n, n_acc, r, per_worker)
    p0 = lax.slice(partial, (0, 0), (n, d))
    p1 = lax.slice(partial, (n_acc, 0), (n_acc + n, d))
    return _final_add(self_out, p0, p1, n, d)

# --- scband reference (transcript-rebuilt; emitter-appended) ---
"""Pipeline reference for scband-relational-graph-convolution-84791244358306 (READ-ONLY COPY).

The authoritative reference and input builder live on the scoring server;
editing this copy changes nothing except your own understanding.
"""

import jax, jax.numpy as jnp
import numpy as np

N = 10000
E = 320000
D = 128
R = 4

def setup_inputs(seed: int = 0) -> dict:
    key = jax.random.key(seed)
    ks = jax.random.split(key, 9)
    x = jax.random.normal(ks[0], (N, D), dtype=jnp.float32)
    edge_index = jax.random.randint(ks[1], (2, E), 0, N, dtype=jnp.int64) if jax.config.jax_enable_x64 else jax.random.randint(ks[1], (2, E), 0, N).astype(jnp.int32)
    edge_types = jax.random.randint(ks[2], (E,), 0, R).astype(jnp.int32)
    s = 1.0 / np.sqrt(D)
    rel_W = jax.random.uniform(ks[3], (R, D, D), minval=-s, maxval=s, dtype=jnp.float32)
    rel_b = jax.random.uniform(ks[4], (R, D), minval=-s, maxval=s, dtype=jnp.float32)
    self_W = jax.random.uniform(ks[5], (D, D), minval=-s, maxval=s, dtype=jnp.float32)
    self_b = jax.random.uniform(ks[6], (D,), minval=-s, maxval=s, dtype=jnp.float32)
    s2 = 1.0 / np.sqrt(2 * D)
    att_W = jax.random.uniform(ks[7], (1, 2 * D), minval=-s2, maxval=s2, dtype=jnp.float32)
    att_b = jax.random.uniform(ks[8], (1,), minval=-s2, maxval=s2, dtype=jnp.float32)
    return {"x": x, "edge_index": edge_index, "edge_types": edge_types,
            "rel_W": rel_W, "rel_b": rel_b, "self_W": self_W, "self_b": self_b,
            "att_W": att_W, "att_b": att_b}

def reference(x, edge_index, edge_types, rel_W, rel_b, self_W, self_b, att_W, att_b):
    num_nodes = x.shape[0]
    out_features = rel_W.shape[1]
    out = x @ self_W.T + self_b
    source_nodes = edge_index[0]
    target_nodes = edge_index[1]
    src_feat = jnp.take(x, source_nodes, axis=0)
    tgt_feat = jnp.take(x, target_nodes, axis=0)
    attention_input = jnp.concatenate([src_feat, tgt_feat], axis=1)
    attention_weights = jax.nn.sigmoid(attention_input @ att_W.T + att_b)
    for relation_id in range(rel_W.shape[0]):
        mask = (edge_types == relation_id).astype(x.dtype)[:, None]
        transformed = src_feat @ rel_W[relation_id].T + rel_b[relation_id]
        transformed = transformed * attention_weights * mask
        aggregated = jnp.zeros((num_nodes, out_features), dtype=x.dtype).at[target_nodes].add(transformed)
        out = out + aggregated
    return out

if __name__ == "__main__":
    import jax
    _d = setup_inputs()
    print(jax.jit(kernel)(*tuple(_d.values())))

</pallas_src>

<mosaic_0001>
#map = affine_map<(d0, d1) -> (0, 0)>
#map1 = affine_map<(d0, d1) -> (0)>
module attributes {stable_mosaic.version = 14 : i64} {
  func.func @_sc_body(%arg0: i32, %arg1: i32, %arg2: memref<40000x128xf32, #tpu.memory_space<hbm>>, %arg3: memref<10000xf32, #tpu.memory_space<hbm>>, %arg4: memref<10000xf32, #tpu.memory_space<hbm>>, %arg5: memref<322560xi32, #tpu.memory_space<hbm>>, %arg6: memref<322560xi32, #tpu.memory_space<hbm>>, %arg7: memref<322560xi32, #tpu.memory_space<hbm>>, %arg8: memref<10112x128xf32, #tpu.memory_space<hbm>>, %arg9: memref<20224x128xf32, #tpu.memory_space<hbm>>, %arg10: memref<10112x128xf32, #tpu.memory_space<vmem_shared>>, %arg11: memref<10000xf32, #tpu.memory_space<vmem>>, %arg12: memref<10000xf32, #tpu.memory_space<vmem>>, %arg13: memref<3x48xi32, #tpu.memory_space<vmem>>, %arg14: memref<3x48xi32, #tpu.memory_space<vmem>>, %arg15: memref<3x48xi32, #tpu.memory_space<vmem>>, %arg16: memref<3x48xi32, #tpu.memory_space<vmem>>, %arg17: memref<3x48xi32, #tpu.memory_space<vmem>>, %arg18: memref<144xf32, #tpu.memory_space<vmem>>, %arg19: memref<3x48x128xf32, #tpu.memory_space<vmem>>, %arg20: memref<!tpu.dma_semaphore, #tpu.memory_space<semaphore_mem>>, %arg21: memref<!tpu.dma_semaphore, #tpu.memory_space<semaphore_mem>>, %arg22: memref<!tpu.dma_semaphore, #tpu.memory_space<semaphore_mem>>, %arg23: memref<!tpu.dma_semaphore, #tpu.memory_space<semaphore_mem>>, %arg24: memref<!tpu.dma_semaphore, #tpu.memory_space<semaphore_mem>>, %arg25: memref<!tpu.dma_semaphore, #tpu.memory_space<semaphore_mem>>, %arg26: memref<!tpu.dma_semaphore, #tpu.memory_space<semaphore_mem>>, %arg27: memref<!tpu.dma_semaphore, #tpu.memory_space<semaphore_mem>>, %arg28: memref<!tpu.dma_semaphore, #tpu.memory_space<semaphore_mem>>) attributes {dimension_semantics = [#tpu.dimension_semantics<core_parallel>, #tpu.dimension_semantics<subcore_parallel>], iteration_bounds = array<i64: 2, 16>, scalar_prefetch = 0 : i64, scratch_operands = 19 : i64, tpu.core_type = #tpu.core_type<sc_vector_subcore>, window_params = [{transform_indices = #map}, {transform_indices = #map1}, {transform_indices = #map1}, {transform_indices = #map1}, {transform_indices = #map1}, {transform_indices = #map1}, {transform_indices = #map}, {transform_indices = #map}]} {
    %mul3A = arith.constant 16 : i32
    %mul3A_0 = arith.muli %arg0, %mul3A : i32
    %add3A = arith.addi %mul3A_0, %arg1 : i32
    %mul3A_1 = arith.constant 10080 : i32
    %mul3A_2 = arith.muli %add3A, %mul3A_1 : i32
    %mul3A_3 = arith.constant 632 : i32
    %mul3A_4 = arith.muli %arg1, %mul3A_3 : i32
    %mul3A_5 = arith.constant 632 : i32
    %mul3A_6 = arith.muli %arg1, %mul3A_5 : i32
    "tpu.region"() ({
      %run_scoped3A = tpu.sem_alloc : memref<!tpu.dma_semaphore, #tpu.memory_space<semaphore_mem>>
      %dma_start3A_281 = arith.constant 0 : i32
      %dma_start3A_282 = tpu.memref_slice %arg10[%mul3A_6, %dma_start3A_281] : memref<10112x128xf32, #tpu.memory_space<vmem_shared>> -> memref<632x128xf32, #tpu.memory_space<vmem_shared>>
      %dma_start3A_283 = arith.constant 0 : i32
      %dma_start3A_284 = tpu.memref_slice %arg8[%mul3A_4, %dma_start3A_283] : memref<10112x128xf32, #tpu.memory_space<hbm>> -> memref<632x128xf32, #tpu.memory_space<hbm>>
      tpu.enqueue_dma source(%dma_start3A_284 : memref<632x128xf32, #tpu.memory_space<hbm>>) target(%dma_start3A_282 : memref<632x128xf32, #tpu.memory_space<vmem_shared>>) target_semaphore(%run_scoped3A : memref<!tpu.dma_semaphore, #tpu.memory_space<semaphore_mem>>)
      %dma_wait3A_285 = arith.constant 0 : i32
      %dma_wait3A_286 = tpu.memref_slice %arg10[%mul3A_6, %dma_wait3A_285] : memref<10112x128xf32, #tpu.memory_space<vmem_shared>> -> memref<632x128xf32, #tpu.memory_space<vmem_shared>>
      %dma_wait3A_287 = arith.constant 0 : i32
      %dma_wait3A_288 = tpu.memref_slice %arg8[%mul3A_4, %dma_wait3A_287] : memref<10112x128xf32, #tpu.memory_space<hbm>> -> memref<632x128xf32, #tpu.memory_space<hbm>>
      tpu.wait_dma2 semaphore(%run_scoped3A : memref<!tpu.dma_semaphore, #tpu.memory_space<semaphore_mem>>) src(%dma_wait3A_288 : memref<632x128xf32, #tpu.memory_space<hbm>>) dst(%dma_wait3A_286 : memref<632x128xf32, #tpu.memory_space<vmem_shared>>)
      tpu.yield
    }) : () -> ()
    "tpu.region"() ({
      %run_scoped3A = tpu.sem_alloc : memref<!tpu.dma_semaphore, #tpu.memory_space<semaphore_mem>>
      tpu.enqueue_dma source(%arg3 : memref<10000xf32, #tpu.memory_space<hbm>>) target(%arg11 : memref<10000xf32, #tpu.memory_space<vmem>>) target_semaphore(%run_scoped3A : memref<!tpu.dma_semaphore, #tpu.memory_space<semaphore_mem>>)
      tpu.wait_dma2 semaphore(%run_scoped3A : memref<!tpu.dma_semaphore, #tpu.memory_space<semaphore_mem>>) src(%arg3 : memref<10000xf32, #tpu.memory_space<hbm>>) dst(%arg11 : memref<10000xf32, #tpu.memory_space<vmem>>)
      tpu.yield
    }) : () -> ()
    "tpu.region"() ({
      %run_scoped3A = tpu.sem_alloc : memref<!tpu.dma_semaphore, #tpu.memory_space<semaphore_mem>>
      tpu.enqueue_dma source(%arg4 : memref<10000xf32, #tpu.memory_space<hbm>>) target(%arg12 : memref<10000xf32, #tpu.memory_space<vmem>>) target_semaphore(%run_scoped3A : memref<!tpu.dma_semaphore, #tpu.memory_space<semaphore_mem>>)
      tpu.wait_dma2 semaphore(%run_scoped3A : memref<!tpu.dma_semaphore, #tpu.memory_space<semaphore_mem>>) src(%arg4 : memref<10000xf32, #tpu.memory_space<hbm>>) dst(%arg12 : memref<10000xf32, #tpu.memory_space<vmem>>)
      tpu.yield
    }) : () -> ()
    %barrier3A = arith.constant 0 : index
    tpu.barrier barrier_id(%barrier3A)
    %add3A_7 = arith.constant 0 : i32
    %add3A_8 = arith.addi %mul3A_2, %add3A_7 : i32
    %dma_start3A = arith.constant 0 : i32
    %dma_start3A_9 = arith.constant 0 : i32
    %dma_start3A_10 = tpu.memref_slice %arg13[%dma_start3A, %dma_start3A_9] : memref<3x48xi32, #tpu.memory_space<vmem>> -> memref<1x48xi32, #tpu.memory_space<vmem>>
    %dma_start3A_11 = tpu.memref_squeeze %dma_start3A_10 : memref<1x48xi32, #tpu.memory_space<vmem>> -> memref<48xi32, #tpu.memory_space<vmem>>
    %dma_start3A_12 = tpu.memref_slice %arg5[%add3A_8] : memref<322560xi32, #tpu.memory_space<hbm>> -> memref<48xi32, #tpu.memory_space<hbm>>
    %dma_start3A_13 = arith.constant 0 : i32
    %dma_start3A_14 = tpu.memref_slice %arg13[%dma_start3A, %dma_start3A_13] : memref<3x48xi32, #tpu.memory_space<vmem>> -> memref<1x48xi32, #tpu.memory_space<vmem>>
    %dma_start3A_15 = tpu.memref_squeeze %dma_start3A_14 : memref<1x48xi32, #tpu.memory_space<vmem>> -> memref<48xi32, #tpu.memory_space<vmem>>
    %dma_start3A_16 = tpu.memref_slice %arg5[%add3A_8] : memref<322560xi32, #tpu.memory_space<hbm>> -> memref<48xi32, #tpu.memory_space<hbm>>
    tpu.enqueue_dma source(%dma_start3A_16 : memref<48xi32, #tpu.memory_space<hbm>>) target(%dma_start3A_15 : memref<48xi32, #tpu.memory_space<vmem>>) target_semaphore(%arg20 : memref<!tpu.dma_semaphore, #tpu.memory_space<semaphore_mem>>)
    %dma_start3A_17 = arith.constant 0 : i32
    %dma_start3A_18 = arith.constant 0 : i32
    %dma_start3A_19 = tpu.memref_slice %arg14[%dma_start3A_17, %dma_start3A_18] : memref<3x48xi32, #tpu.memory_space<vmem>> -> memref<1x48xi32, #tpu.memory_space<vmem>>
    %dma_start3A_20 = tpu.memref_squeeze %dma_start3A_19 : memref<1x48xi32, #tpu.memory_space<vmem>> -> memref<48xi32, #tpu.memory_space<vmem>>
    %dma_start3A_21 = tpu.memref_slice %arg6[%add3A_8] : memref<322560xi32, #tpu.memory_space<hbm>> -> memref<48xi32, #tpu.memory_space<hbm>>
    %dma_start3A_22 = arith.constant 0 : i32
    %dma_start3A_23 = tpu.memref_slice %arg14[%dma_start3A_17, %dma_start3A_22] : memref<3x48xi32, #tpu.memory_space<vmem>> -> memref<1x48xi32, #tpu.memory_space<vmem>>
    %dma_start3A_24 = tpu.memref_squeeze %dma_start3A_23 : memref<1x48xi32, #tpu.memory_space<vmem>> -> memref<48xi32, #tpu.memory_space<vmem>>
    %dma_start3A_25 = tpu.memref_slice %arg6[%add3A_8] : memref<322560xi32, #tpu.memory_space<hbm>> -> memref<48xi32, #tpu.memory_space<hbm>>
    tpu.enqueue_dma source(%dma_start3A_25 : memref<48xi32, #tpu.memory_space<hbm>>) target(%dma_start3A_24 : memref<48xi32, #tpu.memory_space<vmem>>) target_semaphore(%arg20 : memref<!tpu.dma_semaphore, #tpu.memory_space<semaphore_mem>>)
    %dma_start3A_26 = arith.constant 0 : i32
    %dma_start3A_27 = arith.constant 0 : i32
    %dma_start3A_28 = tpu.memref_slice %arg15[%dma_start3A_26, %dma_start3A_27] : memref<3x48xi32, #tpu.memory_space<vmem>> -> memref<1x48xi32, #tpu.memory_space<vmem>>
    %dma_start3A_29 = tpu.memref_squeeze %dma_start3A_28 : memref<1x48xi32, #tpu.memory_space<vmem>> -> memref<48xi32, #tpu.memory_space<vmem>>
    %dma_start3A_30 = tpu.memref_slice %arg7[%add3A_8] : memref<322560xi32, #tpu.memory_space<hbm>> -> memref<48xi32, #tpu.memory_space<hbm>>
    %dma_start3A_31 = arith.constant 0 : i32
    %dma_start3A_32 = tpu.memref_slice %arg15[%dma_start3A_26, %dma_start3A_31] : memref<3x48xi32, #tpu.memory_space<vmem>> -> memref<1x48xi32, #tpu.memory_space<vmem>>
    %dma_start3A_33 = tpu.memref_squeeze %dma_start3A_32 : memref<1x48xi32, #tpu.memory_space<vmem>> -> memref<48xi32, #tpu.memory_space<vmem>>
    %dma_start3A_34 = tpu.memref_slice %arg7[%add3A_8] : memref<322560xi32, #tpu.memory_space<hbm>> -> memref<48xi32, #tpu.memory_space<hbm>>
    tpu.enqueue_dma source(%dma_start3A_34 : memref<48xi32, #tpu.memory_space<hbm>>) target(%dma_start3A_33 : memref<48xi32, #tpu.memory_space<vmem>>) target_semaphore(%arg20 : memref<!tpu.dma_semaphore, #tpu.memory_space<semaphore_mem>>)
    %add3A_35 = arith.constant 48 : i32
    %add3A_36 = arith.addi %mul3A_2, %add3A_35 : i32
    %dma_start3A_37 = arith.constant 1 : i32
    %dma_start3A_38 = arith.constant 0 : i32
    %dma_start3A_39 = tpu.memref_slice %arg13[%dma_start3A_37, %dma_start3A_38] : memref<3x48xi32, #tpu.memory_space<vmem>> -> memref<1x48xi32, #tpu.memory_space<vmem>>
    %dma_start3A_40 = tpu.memref_squeeze %dma_start3A_39 : memref<1x48xi32, #tpu.memory_space<vmem>> -> memref<48xi32, #tpu.memory_space<vmem>>
    %dma_start3A_41 = tpu.memref_slice %arg5[%add3A_36] : memref<322560xi32, #tpu.memory_space<hbm>> -> memref<48xi32, #tpu.memory_space<hbm>>
    %dma_start3A_42 = arith.constant 0 : i32
    %dma_start3A_43 = tpu.memref_slice %arg13[%dma_start3A_37, %dma_start3A_42] : memref<3x48xi32, #tpu.memory_space<vmem>> -> memref<1x48xi32, #tpu.memory_space<vmem>>
    %dma_start3A_44 = tpu.memref_squeeze %dma_start3A_43 : memref<1x48xi32, #tpu.memory_space<vmem>> -> memref<48xi32, #tpu.memory_space<vmem>>
    %dma_start3A_45 = tpu.memref_slice %arg5[%add3A_36] : memref<322560xi32, #tpu.memory_space<hbm>> -> memref<48xi32, #tpu.memory_space<hbm>>
    tpu.enqueue_dma source(%dma_start3A_45 : memref<48xi32, #tpu.memory_space<hbm>>) target(%dma_start3A_44 : memref<48xi32, #tpu.memory_space<vmem>>) target_semaphore(%arg21 : memref<!tpu.dma_semaphore, #tpu.memory_space<semaphore_mem>>)
    %dma_start3A_46 = arith.constant 1 : i32
    %dma_start3A_47 = arith.constant 0 : i32
    %dma_start3A_48 = tpu.memref_slice %arg14[%dma_start3A_46, %dma_start3A_47] : memref<3x48xi32, #tpu.memory_space<vmem>> -> memref<1x48xi32, #tpu.memory_space<vmem>>
    %dma_start3A_49 = tpu.memref_squeeze %dma_start3A_48 : memref<1x48xi32, #tpu.memory_space<vmem>> -> memref<48xi32, #tpu.memory_space<vmem>>
    %dma_start3A_50 = tpu.memref_slice %arg6[%add3A_36] : memref<322560xi32, #tpu.memory_space<hbm>> -> memref<48xi32, #tpu.memory_space<hbm>>
    %dma_start3A_51 = arith.constant 0 : i32
    %dma_start3A_52 = tpu.memref_slice %arg14[%dma_start3A_46, %dma_start3A_51] : memref<3x48xi32, #tpu.memory_space<vmem>> -> memref<1x48xi32, #tpu.memory_space<vmem>>
    %dma_start3A_53 = tpu.memref_squeeze %dma_start3A_52 : memref<1x48xi32, #tpu.memory_space<vmem>> -> memref<48xi32, #tpu.memory_space<vmem>>
    %dma_start3A_54 = tpu.memref_slice %arg6[%add3A_36] : memref<322560xi32, #tpu.memory_space<hbm>> -> memref<48xi32, #tpu.memory_space<hbm>>
    tpu.enqueue_dma source(%dma_start3A_54 : memref<48xi32, #tpu.memory_space<hbm>>) target(%dma_start3A_53 : memref<48xi32, #tpu.memory_space<vmem>>) target_semaphore(%arg21 : memref<!tpu.dma_semaphore, #tpu.memory_space<semaphore_mem>>)
    %dma_start3A_55 = arith.constant 1 : i32
    %dma_start3A_56 = arith.constant 0 : i32
    %dma_start3A_57 = tpu.memref_slice %arg15[%dma_start3A_55, %dma_start3A_56] : memref<3x48xi32, #tpu.memory_space<vmem>> -> memref<1x48xi32, #tpu.memory_space<vmem>>
    %dma_start3A_58 = tpu.memref_squeeze %dma_start3A_57 : memref<1x48xi32, #tpu.memory_space<vmem>> -> memref<48xi32, #tpu.memory_space<vmem>>
    %dma_start3A_59 = tpu.memref_slice %arg7[%add3A_36] : memref<322560xi32, #tpu.memory_space<hbm>> -> memref<48xi32, #tpu.memory_space<hbm>>
    %dma_start3A_60 = arith.constant 0 : i32
    %dma_start3A_61 = tpu.memref_slice %arg15[%dma_start3A_55, %dma_start3A_60] : memref<3x48xi32, #tpu.memory_space<vmem>> -> memref<1x48xi32, #tpu.memory_space<vmem>>
    %dma_start3A_62 = tpu.memref_squeeze %dma_start3A_61 : memref<1x48xi32, #tpu.memory_space<vmem>> -> memref<48xi32, #tpu.memory_space<vmem>>
    %dma_start3A_63 = tpu.memref_slice %arg7[%add3A_36] : memref<322560xi32, #tpu.memory_space<hbm>> -> memref<48xi32, #tpu.memory_space<hbm>>
    tpu.enqueue_dma source(%dma_start3A_63 : memref<48xi32, #tpu.memory_space<hbm>>) target(%dma_start3A_62 : memref<48xi32, #tpu.memory_space<vmem>>) target_semaphore(%arg21 : memref<!tpu.dma_semaphore, #tpu.memory_space<semaphore_mem>>)
    %add3A_64 = arith.constant 96 : i32
    %add3A_65 = arith.addi %mul3A_2, %add3A_64 : i32
    %dma_start3A_66 = arith.constant 2 : i32
    %dma_start3A_67 = arith.constant 0 : i32
    %dma_start3A_68 = tpu.memref_slice %arg13[%dma_start3A_66, %dma_start3A_67] : memref<3x48xi32, #tpu.memory_space<vmem>> -> memref<1x48xi32, #tpu.memory_space<vmem>>
    %dma_start3A_69 = tpu.memref_squeeze %dma_start3A_68 : memref<1x48xi32, #tpu.memory_space<vmem>> -> memref<48xi32, #tpu.memory_space<vmem>>
    %dma_start3A_70 = tpu.memref_slice %arg5[%add3A_65] : memref<322560xi32, #tpu.memory_space<hbm>> -> memref<48xi32, #tpu.memory_space<hbm>>
    %dma_start3A_71 = arith.constant 0 : i32
    %dma_start3A_72 = tpu.memref_slice %arg13[%dma_start3A_66, %dma_start3A_71] : memref<3x48xi32, #tpu.memory_space<vmem>> -> memref<1x48xi32, #tpu.memory_space<vmem>>
    %dma_start3A_73 = tpu.memref_squeeze %dma_start3A_72 : memref<1x48xi32, #tpu.memory_space<vmem>> -> memref<48xi32, #tpu.memory_space<vmem>>
    %dma_start3A_74 = tpu.memref_slice %arg5[%add3A_65] : memref<322560xi32, #tpu.memory_space<hbm>> -> memref<48xi32, #tpu.memory_space<hbm>>
    tpu.enqueue_dma source(%dma_start3A_74 : memref<48xi32, #tpu.memory_space<hbm>>) target(%dma_start3A_73 : memref<48xi32, #tpu.memory_space<vmem>>) target_semaphore(%arg22 : memref<!tpu.dma_semaphore, #tpu.memory_space<semaphore_mem>>)
    %dma_start3A_75 = arith.constant 2 : i32
    %dma_start3A_76 = arith.constant 0 : i32
    %dma_start3A_77 = tpu.memref_slice %arg14[%dma_start3A_75, %dma_start3A_76] : memref<3x48xi32, #tpu.memory_space<vmem>> -> memref<1x48xi32, #tpu.memory_space<vmem>>
    %dma_start3A_78 = tpu.memref_squeeze %dma_start3A_77 : memref<1x48xi32, #tpu.memory_space<vmem>> -> memref<48xi32, #tpu.memory_space<vmem>>
    %dma_start3A_79 = tpu.memref_slice %arg6[%add3A_65] : memref<322560xi32, #tpu.memory_space<hbm>> -> memref<48xi32, #tpu.memory_space<hbm>>
    %dma_start3A_80 = arith.constant 0 : i32
    %dma_start3A_81 = tpu.memref_slice %arg14[%dma_start3A_75, %dma_start3A_80] : memref<3x48xi32, #tpu.memory_space<vmem>> -> memref<1x48xi32, #tpu.memory_space<vmem>>
    %dma_start3A_82 = tpu.memref_squeeze %dma_start3A_81 : memref<1x48xi32, #tpu.memory_space<vmem>> -> memref<48xi32, #tpu.memory_space<vmem>>
    %dma_start3A_83 = tpu.memref_slice %arg6[%add3A_65] : memref<322560xi32, #tpu.memory_space<hbm>> -> memref<48xi32, #tpu.memory_space<hbm>>
    tpu.enqueue_dma source(%dma_start3A_83 : memref<48xi32, #tpu.memory_space<hbm>>) target(%dma_start3A_82 : memref<48xi32, #tpu.memory_space<vmem>>) target_semaphore(%arg22 : memref<!tpu.dma_semaphore, #tpu.memory_space<semaphore_mem>>)
    %dma_start3A_84 = arith.constant 2 : i32
    %dma_start3A_85 = arith.constant 0 : i32
    %dma_start3A_86 = tpu.memref_slice %arg15[%dma_start3A_84, %dma_start3A_85] : memref<3x48xi32, #tpu.memory_space<vmem>> -> memref<1x48xi32, #tpu.memory_space<vmem>>
    %dma_start3A_87 = tpu.memref_squeeze %dma_start3A_86 : memref<1x48xi32, #tpu.memory_space<vmem>> -> memref<48xi32, #tpu.memory_space<vmem>>
    %dma_start3A_88 = tpu.memref_slice %arg7[%add3A_65] : memref<322560xi32, #tpu.memory_space<hbm>> -> memref<48xi32, #tpu.memory_space<hbm>>
    %dma_start3A_89 = arith.constant 0 : i32
    %dma_start3A_90 = tpu.memref_slice %arg15[%dma_start3A_84, %dma_start3A_89] : memref<3x48xi32, #tpu.memory_space<vmem>> -> memref<1x48xi32, #tpu.memory_space<vmem>>
    %dma_start3A_91 = tpu.memref_squeeze %dma_start3A_90 : memref<1x48xi32, #tpu.memory_space<vmem>> -> memref<48xi32, #tpu.memory_space<vmem>>
    %dma_start3A_92 = tpu.memref_slice %arg7[%add3A_65] : memref<322560xi32, #tpu.memory_space<hbm>> -> memref<48xi32, #tpu.memory_space<hbm>>
    tpu.enqueue_dma source(%dma_start3A_92 : memref<48xi32, #tpu.memory_space<hbm>>) target(%dma_start3A_91 : memref<48xi32, #tpu.memory_space<vmem>>) target_semaphore(%arg22 : memref<!tpu.dma_semaphore, #tpu.memory_space<semaphore_mem>>)
    %add3A_93 = arith.constant 0 : i32
    %add3A_94 = arith.addi %mul3A_2, %add3A_93 : i32
    %dma_wait3A = arith.constant 0 : i32
    %dma_wait3A_95 = arith.constant 0 : i32
    %dma_wait3A_96 = tpu.memref_slice %arg13[%dma_wait3A, %dma_wait3A_95] : memref<3x48xi32, #tpu.memory_space<vmem>> -> memref<1x48xi32, #tpu.memory_space<vmem>>
    %dma_wait3A_97 = tpu.memref_squeeze %dma_wait3A_96 : memref<1x48xi32, #tpu.memory_space<vmem>> -> memref<48xi32, #tpu.memory_space<vmem>>
    %dma_wait3A_98 = tpu.memref_slice %arg5[%add3A_94] : memref<322560xi32, #tpu.memory_space<hbm>> -> memref<48xi32, #tpu.memory_space<hbm>>
    %dma_wait3A_99 = arith.constant 0 : i32
    %dma_wait3A_100 = tpu.memref_slice %arg13[%dma_wait3A, %dma_wait3A_99] : memref<3x48xi32, #tpu.memory_space<vmem>> -> memref<1x48xi32, #tpu.memory_space<vmem>>
    %dma_wait3A_101 = tpu.memref_squeeze %dma_wait3A_100 : memref<1x48xi32, #tpu.memory_space<vmem>> -> memref<48xi32, #tpu.memory_space<vmem>>
    %dma_wait3A_102 = tpu.memref_slice %arg5[%add3A_94] : memref<322560xi32, #tpu.memory_space<hbm>> -> memref<48xi32, #tpu.memory_space<hbm>>
    tpu.wait_dma2 semaphore(%arg20 : memref<!tpu.dma_semaphore, #tpu.memory_space<semaphore_mem>>) src(%dma_wait3A_102 : memref<48xi32, #tpu.memory_space<hbm>>) dst(%dma_wait3A_101 : memref<48xi32, #tpu.memory_space<vmem>>)
    %dma_wait3A_103 = arith.constant 0 : i32
    %dma_wait3A_104 = arith.constant 0 : i32
    %dma_wait3A_105 = tpu.memref_slice %arg14[%dma_wait3A_103, %dma_wait3A_104] : memref<3x48xi32, #tpu.memory_space<vmem>> -> memref<1x48xi32, #tpu.memory_space<vmem>>
    %dma_wait3A_106 = tpu.memref_squeeze %dma_wait3A_105 : memref<1x48xi32, #tpu.memory_space<vmem>> -> memref<48xi32, #tpu.memory_space<vmem>>
    %dma_wait3A_107 = tpu.memref_slice %arg6[%add3A_94] : memref<322560xi32, #tpu.memory_space<hbm>> -> memref<48xi32, #tpu.memory_space<hbm>>
    %dma_wait3A_108 = arith.constant 0 : i32
    %dma_wait3A_109 = tpu.memref_slice %arg14[%dma_wait3A_103, %dma_wait3A_108] : memref<3x48xi32, #tpu.memory_space<vmem>> -> memref<1x48xi32, #tpu.memory_space<vmem>>
    %dma_wait3A_110 = tpu.memref_squeeze %dma_wait3A_109 : memref<1x48xi32, #tpu.memory_space<vmem>> -> memref<48xi32, #tpu.memory_space<vmem>>
    %dma_wait3A_111 = tpu.memref_slice %arg6[%add3A_94] : memref<322560xi32, #tpu.memory_space<hbm>> -> memref<48xi32, #tpu.memory_space<hbm>>
    tpu.wait_dma2 semaphore(%arg20 : memref<!tpu.dma_semaphore, #tpu.memory_space<semaphore_mem>>) src(%dma_wait3A_111 : memref<48xi32, #tpu.memory_space<hbm>>) dst(%dma_wait3A_110 : memref<48xi32, #tpu.memory_space<vmem>>)
    %dma_wait3A_112 = arith.constant 0 : i32
    %dma_wait3A_113 = arith.constant 0 : i32
    %dma_wait3A_114 = tpu.memref_slice %arg15[%dma_wait3A_112, %dma_wait3A_113] : memref<3x48xi32, #tpu.memory_space<vmem>> -> memref<1x48xi32, #tpu.memory_space<vmem>>
    %dma_wait3A_115 = tpu.memref_squeeze %dma_wait3A_114 : memref<1x48xi32, #tpu.memory_space<vmem>> -> memref<48xi32, #tpu.memory_space<vmem>>
    %dma_wait3A_116 = tpu.memref_slice %arg7[%add3A_94] : memref<322560xi32, #tpu.memory_space<hbm>> -> memref<48xi32, #tpu.memory_space<hbm>>
    %dma_wait3A_117 = arith.constant 0 : i32
    %dma_wait3A_118 = tpu.memref_slice %arg15[%dma_wait3A_112, %dma_wait3A_117] : memref<3x48xi32, #tpu.memory_space<vmem>> -> memref<1x48xi32, #tpu.memory_space<vmem>>
    %dma_wait3A_119 = tpu.memref_squeeze %dma_wait3A_118 : memref<1x48xi32, #tpu.memory_space<vmem>> -> memref<48xi32, #tpu.memory_space<vmem>>
    %dma_wait3A_120 = tpu.memref_slice %arg7[%add3A_94] : memref<322560xi32, #tpu.memory_space<hbm>> -> memref<48xi32, #tpu.memory_space<hbm>>
    tpu.wait_dma2 semaphore(%arg20 : memref<!tpu.dma_semaphore, #tpu.memory_space<semaphore_mem>>) src(%dma_wait3A_120 : memref<48xi32, #tpu.memory_space<hbm>>) dst(%dma_wait3A_119 : memref<48xi32, #tpu.memory_space<vmem>>)
    %get3A = arith.constant 0 : i32
    %get3A_121 = arith.index_cast %get3A : i32 to index
    %get3A_122 = arith.constant 0 : index
    %get3A_123 = tpu.vector_load %arg13[%get3A_121, %get3A_122] {strides = array<i32>} : memref<3x48xi32, #tpu.memory_space<vmem>>, vector<16xi32>,
    %get3A_124 = arith.constant 0 : i32
    %get3A_125 = arith.index_cast %get3A_124 : i32 to index
    %get3A_126 = arith.constant 0 : index
    %get3A_127 = tpu.vector_load %arg14[%get3A_125, %get3A_126] {strides = array<i32>} : memref<3x48xi32, #tpu.memory_space<vmem>>, vector<16xi32>,
    %mul3A_128 = arith.constant 4 : i32
    %mul3A_129 = vector.broadcast %mul3A_128 : i32 to vector<16xi32>
    %mul3A_130 = arith.muli %get3A_123, %mul3A_129 : vector<16xi32>
    %get3A_131 = arith.constant 0 : i32
    %get3A_132 = arith.index_cast %get3A_131 : i32 to index
    %get3A_133 = arith.constant 0 : index
    %get3A_134 = tpu.vector_load %arg15[%get3A_132, %get3A_133] {strides = array<i32>} : memref<3x48xi32, #tpu.memory_space<vmem>>, vector<16xi32>,
    %add3A_135 = arith.addi %mul3A_130, %get3A_134 : vector<16xi32>
    %swap3A = arith.constant 0 : i32
    %swap3A_136 = arith.index_cast %swap3A : i32 to index
    %swap3A_137 = arith.constant 0 : index
    %swap3A_138 = tpu.vector_load %arg16[%swap3A_136, %swap3A_137] {strides = array<i32>} : memref<3x48xi32, #tpu.memory_space<vmem>>, vector<16xi32>,
    tpu.vector_store %arg16[%swap3A_136, %swap3A_137], %add3A_135 {strides = array<i32>} : memref<3x48xi32, #tpu.memory_space<vmem>>, vector<16xi32>,
    %swap3A_139 = arith.constant 0 : i32
    %swap3A_140 = arith.index_cast %swap3A_139 : i32 to index
    %swap3A_141 = arith.constant 0 : index
    %swap3A_142 = tpu.vector_load %arg17[%swap3A_140, %swap3A_141] {strides = array<i32>} : memref<3x48xi32, #tpu.memory_space<vmem>>, vector<16xi32>,
    tpu.vector_store %arg17[%swap3A_140, %swap3A_141], %get3A_127 {strides = array<i32>} : memref<3x48xi32, #tpu.memory_space<vmem>>, vector<16xi32>,
    %gather3A = tpu.vector_load_idx %arg11[%get3A_123] : memref<10000xf32, #tpu.memory_space<vmem>>[vector<16xi32>], vector<16xf32>,
    %gather3A_143 = tpu.vector_load_idx %arg12[%get3A_127] : memref<10000xf32, #tpu.memory_space<vmem>>[vector<16xi32>], vector<16xf32>,
    %add3A_144 = arith.addf %gather3A, %gather3A_143 : vector<16xf32>
    %neg3A = arith.constant 0.000000e+00 : f32
    %neg3A_145 = vector.broadcast %neg3A : f32 to vector<16xf32>
    %neg3A_146 = arith.subf %neg3A_145, %add3A_144 : vector<16xf32>
    %exp3A = math.exp %neg3A_146 : vector<16xf32>
    %add3A_147 = arith.constant 1.000000e+00 : f32
    %add3A_148 = vector.broadcast %add3A_147 : f32 to vector<16xf32>
    %add3A_149 = arith.addf %add3A_148, %exp3A : vector<16xf32>
    %div3A = arith.constant 1.000000e+00 : f32
    %div3A_150 = vector.broadcast %div3A : f32 to vector<16xf32>
    %div3A_151 = arith.divf %div3A_150, %add3A_149 : vector<16xf32>
    %swap3A_152 = arith.constant 0 : index
    %swap3A_153 = tpu.vector_load %arg18[%swap3A_152] {strides = array<i32>} : memref<144xf32, #tpu.memory_space<vmem>>, vector<16xf32>,
    tpu.vector_store %arg18[%swap3A_152], %div3A_151 {strides = array<i32>} : memref<144xf32, #tpu.memory_space<vmem>>, vector<16xf32>,
    %get3A_154 = arith.constant 0 : i32
    %get3A_155 = arith.index_cast %get3A_154 : i32 to index
    %get3A_156 = arith.constant 16 : index
    %get3A_157 = tpu.vector_load %arg13[%get3A_155, %get3A_156] {strides = array<i32>} : memref<3x48xi32, #tpu.memory_space<vmem>>, vector<16xi32>,
    %get3A_158 = arith.constant 0 : i32
    %get3A_159 = arith.index_cast %get3A_158 : i32 to index
    %get3A_160 = arith.constant 16 : index
    %get3A_161 = tpu.vector_load %arg14[%get3A_159, %get3A_160] {strides = array<i32>} : memref<3x48xi32, #tpu.memory_space<vmem>>, vector<16xi32>,
    %mul3A_162 = arith.constant 4 : i32
    %mul3A_163 = vector.broadcast %mul3A_162 : i32 to vector<16xi32>
    %mul3A_164 = arith.muli %get3A_157, %mul3A_163 : vector<16xi32>
    %get3A_165 = arith.constant 0 : i32
    %get3A_166 = arith.index_cast %get3A_165 : i32 to index
    %get3A_167 = arith.constant 16 : index
    %get3A_168 = tpu.vector_load %arg15[%get3A_166, %get3A_167] {strides = array<i32>} : memref<3x48xi32, #tpu.memory_space<vmem>>, vector<16xi32>,
    %add3A_169 = arith.addi %mul3A_164, %get3A_168 : vector<16xi32>
    %swap3A_170 = arith.constant 0 : i32
    %swap3A_171 = arith.index_cast %swap3A_170 : i32 to index
    %swap3A_172 = arith.constant 16 : index
    %swap3A_173 = tpu.vector_load %arg16[%swap3A_171, %swap3A_172] {strides = array<i32>} : memref<3x48xi32, #tpu.memory_space<vmem>>, vector<16xi32>,
    tpu.vector_store %arg16[%swap3A_171, %swap3A_172], %add3A_169 {strides = array<i32>} : memref<3x48xi32, #tpu.memory_space<vmem>>, vector<16xi32>,
    %swap3A_174 = arith.constant 0 : i32
    %swap3A_175 = arith.index_cast %swap3A_174 : i32 to index
    %swap3A_176 = arith.constant 16 : index
    %swap3A_177 = tpu.vector_load %arg17[%swap3A_175, %swap3A_176] {strides = array<i32>} : memref<3x48xi32, #tpu.memory_space<vmem>>, vector<16xi32>,
    tpu.vector_store %arg17[%swap3A_175, %swap3A_176], %get3A_161 {strides = array<i32>} : memref<3x48xi32, #tpu.memory_space<vmem>>, vector<16xi32>,
    %gather3A_178 = tpu.vector_load_idx %arg11[%get3A_157] : memref<10000xf32, #tpu.memory_space<vmem>>[vector<16xi32>], vector<16xf32>,
    %gather3A_179 = tpu.vector_load_idx %arg12[%get3A_161] : memref<10000xf32, #tpu.memory_space<vmem>>[vector<16xi32>], vector<16xf32>,
    %add3A_180 = arith.addf %gather3A_178, %gather3A_179 : vector<16xf32>
    %neg3A_181 = arith.constant 0.000000e+00 : f32
    %neg3A_182 = vector.broadcast %neg3A_181 : f32 to vector<16xf32>
    %neg3A_183 = arith.subf %neg3A_182, %add3A_180 : vector<16xf32>
    %exp3A_184 = math.exp %neg3A_183 : vector<16xf32>
    %add3A_185 = arith.constant 1.000000e+00 : f32
    %add3A_186 = vector.broadcast %add3A_185 : f32 to vector<16xf32>
    %add3A_187 = arith.addf %add3A_186, %exp3A_184 : vector<16xf32>
    %div3A_188 = arith.constant 1.000000e+00 : f32
    %div3A_189 = vector.broadcast %div3A_188 : f32 to vector<16xf32>
    %div3A_190 = arith.divf %div3A_189, %add3A_187 : vector<16xf32>
    %swap3A_191 = arith.constant 16 : index
    %swap3A_192 = tpu.vector_load %arg18[%swap3A_191] {strides = array<i32>} : memref<144xf32, #tpu.memory_space<vmem>>, vector<16xf32>,
    tpu.vector_store %arg18[%swap3A_191], %div3A_190 {strides = array<i32>} : memref<144xf32, #tpu.memory_space<vmem>>, vector<16xf32>,
    %get3A_193 = arith.constant 0 : i32
    %get3A_194 = arith.index_cast %get3A_193 : i32 to index
    %get3A_195 = arith.constant 32 : index
    %get3A_196 = tpu.vector_load %arg13[%get3A_194, %get3A_195] {strides = array<i32>} : memref<3x48xi32, #tpu.memory_space<vmem>>, vector<16xi32>,
    %get3A_197 = arith.constant 0 : i32
    %get3A_198 = arith.index_cast %get3A_197 : i32 to index
    %get3A_199 = arith.constant 32 : index
    %get3A_200 = tpu.vector_load %arg14[%get3A_198, %get3A_199] {strides = array<i32>} : memref<3x48xi32, #tpu.memory_space<vmem>>, vector<16xi32>,
    %mul3A_201 = arith.constant 4 : i32
    %mul3A_202 = vector.broadcast %mul3A_201 : i32 to vector<16xi32>
    %mul3A_203 = arith.muli %get3A_196, %mul3A_202 : vector<16xi32>
    %get3A_204 = arith.constant 0 : i32
    %get3A_205 = arith.index_cast %get3A_204 : i32 to index
    %get3A_206 = arith.constant 32 : index
    %get3A_207 = tpu.vector_load %arg15[%get3A_205, %get3A_206] {strides = array<i32>} : memref<3x48xi32, #tpu.memory_space<vmem>>, vector<16xi32>,
    %add3A_208 = arith.addi %mul3A_203, %get3A_207 : vector<16xi32>
    %swap3A_209 = arith.constant 0 : i32
    %swap3A_210 = arith.index_cast %swap3A_209 : i32 to index
    %swap3A_211 = arith.constant 32 : index
    %swap3A_212 = tpu.vector_load %arg16[%swap3A_210, %swap3A_211] {strides = array<i32>} : memref<3x48xi32, #tpu.memory_space<vmem>>, vector<16xi32>,
    tpu.vector_store %arg16[%swap3A_210, %swap3A_211], %add3A_208 {strides = array<i32>} : memref<3x48xi32, #tpu.memory_space<vmem>>, vector<16xi32>,
    %swap3A_213 = arith.constant 0 : i32
    %swap3A_214 = arith.index_cast %swap3A_213 : i32 to index
    %swap3A_215 = arith.constant 32 : index
    %swap3A_216 = tpu.vector_load %arg17[%swap3A_214, %swap3A_215] {strides = array<i32>} : memref<3x48xi32, #tpu.memory_space<vmem>>, vector<16xi32>,
    tpu.vector_store %arg17[%swap3A_214, %swap3A_215], %get3A_200 {strides = array<i32>} : memref<3x48xi32, #tpu.memory_space<vmem>>, vector<16xi32>,
    %gather3A_217 = tpu.vector_load_idx %arg11[%get3A_196] : memref<10000xf32, #tpu.memory_space<vmem>>[vector<16xi32>], vector<16xf32>,
    %gather3A_218 = tpu.vector_load_idx %arg12[%get3A_200] : memref<10000xf32, #tpu.memory_space<vmem>>[vector<16xi32>], vector<16xf32>,
    %add3A_219 = arith.addf %gather3A_217, %gather3A_218 : vector<16xf32>
    %neg3A_220 = arith.constant 0.000000e+00 : f32
    %neg3A_221 = vector.broadcast %neg3A_220 : f32 to vector<16xf32>
    %neg3A_222 = arith.subf %neg3A_221, %add3A_219 : vector<16xf32>
    %exp3A_223 = math.exp %neg3A_222 : vector<16xf32>
    %add3A_224 = arith.constant 1.000000e+00 : f32
    %add3A_225 = vector.broadcast %add3A_224 : f32 to vector<16xf32>
    %add3A_226 = arith.addf %add3A_225, %exp3A_223 : vector<16xf32>
    %div3A_227 = arith.constant 1.000000e+00 : f32
    %div3A_228 = vector.broadcast %div3A_227 : f32 to vector<16xf32>
    %div3A_229 = arith.divf %div3A_228, %add3A_226 : vector<16xf32>
    %swap3A_230 = arith.constant 32 : index
    %swap3A_231 = tpu.vector_load %arg18[%swap3A_230] {strides = array<i32>} : memref<144xf32, #tpu.memory_space<vmem>>, vector<16xf32>,
    tpu.vector_store %arg18[%swap3A_230], %div3A_229 {strides = array<i32>} : memref<144xf32, #tpu.memory_space<vmem>>, vector<16xf32>,
    %dma_start3A_232 = arith.constant 0 : i32
    %dma_start3A_233 = arith.constant 0 : i32
    %dma_start3A_234 = arith.constant 0 : i32
    %dma_start3A_235 = arith.constant 0 : i32
    %dma_start3A_236 = tpu.memref_slice %arg19[%dma_start3A_233, %dma_start3A_234, %dma_start3A_235] : memref<3x48x128xf32, #tpu.memory_space<vmem>> -> memref<1x48x128xf32, #tpu.memory_space<vmem>>
    %dma_start3A_237 = tpu.memref_squeeze %dma_start3A_236 : memref<1x48x128xf32, #tpu.memory_space<vmem>> -> memref<48x128xf32, #tpu.memory_space<vmem>>
    %dma_start3A_238 = arith.constant 0 : i32
    %dma_start3A_239 = tpu.memref_slice %arg16[%dma_start3A_232, %dma_start3A_238] : memref<3x48xi32, #tpu.memory_space<vmem>> -> memref<1x48xi32, #tpu.memory_space<vmem>>
    %dma_start3A_240 = tpu.memref_squeeze %dma_start3A_239 : memref<1x48xi32, #tpu.memory_space<vmem>> -> memref<48xi32, #tpu.memory_space<vmem>>
    %dma_start3A_241 = arith.constant 0 : i32
    %dma_start3A_242 = arith.constant 0 : i32
    %dma_start3A_243 = tpu.memref_slice %arg2[%dma_start3A_241, %dma_start3A_242] : memref<40000x128xf32, #tpu.memory_space<hbm>> -> memref<40000x128xf32, #tpu.memory_space<hbm>>
    tpu.enqueue_indirect_dma source(%dma_start3A_243 : memref<40000x128xf32, #tpu.memory_space<hbm>>) target(%dma_start3A_237 : memref<48x128xf32, #tpu.memory_space<vmem>>) offsets(%dma_start3A_240 : memref<48xi32, #tpu.memory_space<vmem>>) semaphore(%arg23 : memref<!tpu.dma_semaphore, #tpu.memory_space<semaphore_mem>>)
    %scan3A = arith.constant 0 : i32
    %scan3A_244 = arith.constant 0 : i32
    %scan3A_245 = arith.constant 70 : i32
    %scan3A_246 = arith.addi %scan3A_244, %scan3A_245 : i32
    %scan3A_247 = arith.constant 1 : i32
    scf.for %scan3A_281 = %scan3A_244 to %scan3A_246 step %scan3A_247  : i32 {
      %mul3A_282 = arith.constant 3 : i32
      %mul3A_283 = arith.muli %scan3A_281, %mul3A_282 : i32
      %add3A_284 = arith.constant 0 : i32
      %add3A_285 = arith.addi %mul3A_283, %add3A_284 : i32
      %ge3A = arith.constant 1 : i32
      %ge3A_286 = arith.cmpi sge, %scan3A_281, %ge3A : i32
      %convert_element_type3A = arith.extui %ge3A_286 : i1 to i32
      %cond3A = arith.constant 0 : i32
      %cond3A_287 = arith.cmpi ne, %convert_element_type3A, %cond3A : i32
      scf.if %cond3A_287 {
        %dma_wait3A_744 = arith.constant 1 : i32
        %dma_wait3A_745 = arith.constant 1 : i32
        %dma_wait3A_746 = arith.constant 0 : i32
        %dma_wait3A_747 = arith.constant 0 : i32
        %dma_wait3A_748 = tpu.memref_slice %arg19[%dma_wait3A_744, %dma_wait3A_746, %dma_wait3A_747] : memref<3x48x128xf32, #tpu.memory_space<vmem>> -> memref<1x48x128xf32, #tpu.memory_space<vmem>>
        %dma_wait3A_749 = tpu.memref_squeeze %dma_wait3A_748 : memref<1x48x128xf32, #tpu.memory_space<vmem>> -> memref<48x128xf32, #tpu.memory_space<vmem>>
        %dma_wait3A_750 = arith.constant 0 : i32
        %dma_wait3A_751 = tpu.memref_slice %arg17[%dma_wait3A_745, %dma_wait3A_750] : memref<3x48xi32, #tpu.memory_space<vmem>> -> memref<1x48xi32, #tpu.memory_space<vmem>>
        %dma_wait3A_752 = tpu.memref_squeeze %dma_wait3A_751 : memref<1x48xi32, #tpu.memory_space<vmem>> -> memref<48xi32, #tpu.memory_space<vmem>>
        %dma_wait3A_753 = arith.constant 0 : i32
        %dma_wait3A_754 = arith.constant 0 : i32
        %dma_wait3A_755 = tpu.memref_slice %arg10[%dma_wait3A_753, %dma_wait3A_754] : memref<10112x128xf32, #tpu.memory_space<vmem_shared>> -> memref<10112x128xf32, #tpu.memory_space<vmem_shared>>
        tpu.wait_indirect_dma semaphore(%arg27 : memref<!tpu.dma_semaphore, #tpu.memory_space<semaphore_mem>>) src(%dma_wait3A_749 : memref<48x128xf32, #tpu.memory_space<vmem>>) dst(%dma_wait3A_755 : memref<10112x128xf32, #tpu.memory_space<vmem_shared>>)
      } else {
      }
      %add3A_288 = arith.constant 1 : i32
      %add3A_289 = arith.addi %add3A_285, %add3A_288 : i32
      %mul3A_290 = arith.constant 48 : i32
      %mul3A_291 = arith.muli %add3A_289, %mul3A_290 : i32
      %add3A_292 = arith.addi %mul3A_2, %mul3A_291 : i32
      %dma_wait3A_293 = arith.constant 1 : i32
      %dma_wait3A_294 = arith.constant 0 : i32
      %dma_wait3A_295 = tpu.memref_slice %arg13[%dma_wait3A_293, %dma_wait3A_294] : memref<3x48xi32, #tpu.memory_space<vmem>> -> memref<1x48xi32, #tpu.memory_space<vmem>>
      %dma_wait3A_296 = tpu.memref_squeeze %dma_wait3A_295 : memref<1x48xi32, #tpu.memory_space<vmem>> -> memref<48xi32, #tpu.memory_space<vmem>>
      %dma_wait3A_297 = tpu.memref_slice %arg5[%add3A_292] : memref<322560xi32, #tpu.memory_space<hbm>> -> memref<48xi32, #tpu.memory_space<hbm>>
      %dma_wait3A_298 = arith.constant 0 : i32
      %dma_wait3A_299 = tpu.memref_slice %arg13[%dma_wait3A_293, %dma_wait3A_298] : memref<3x48xi32, #tpu.memory_space<vmem>> -> memref<1x48xi32, #tpu.memory_space<vmem>>
      %dma_wait3A_300 = tpu.memref_squeeze %dma_wait3A_299 : memref<1x48xi32, #tpu.memory_space<vmem>> -> memref<48xi32, #tpu.memory_space<vmem>>
      %dma_wait3A_301 = tpu.memref_slice %arg5[%add3A_292] : memref<322560xi32, #tpu.memory_space<hbm>> -> memref<48xi32, #tpu.memory_space<hbm>>
      tpu.wait_dma2 semaphore(%arg21 : memref<!tpu.dma_semaphore, #tpu.memory_space<semaphore_mem>>) src(%dma_wait3A_301 : memref<48xi32, #tpu.memory_space<hbm>>) dst(%dma_wait3A_300 : memref<48xi32, #tpu.memory_space<vmem>>)
      %dma_wait3A_302 = arith.constant 1 : i32
      %dma_wait3A_303 = arith.constant 0 : i32
      %dma_wait3A_304 = tpu.memref_slice %arg14[%dma_wait3A_302, %dma_wait3A_303] : memref<3x48xi32, #tpu.memory_space<vmem>> -> memref<1x48xi32, #tpu.memory_space<vmem>>
      %dma_wait3A_305 = tpu.memref_squeeze %dma_wait3A_304 : memref<1x48xi32, #tpu.memory_space<vmem>> -> memref<48xi32, #tpu.memory_space<vmem>>
      %dma_wait3A_306 = tpu.memref_slice %arg6[%add3A_292] : memref<322560xi32, #tpu.memory_space<hbm>> -> memref<48xi32, #tpu.memory_space<hbm>>
      %dma_wait3A_307 = arith.constant 0 : i32
      %dma_wait3A_308 = tpu.memref_slice %arg14[%dma_wait3A_302, %dma_wait3A_307] : memref<3x48xi32, #tpu.memory_space<vmem>> -> memref<1x48xi32, #tpu.memory_space<vmem>>
      %dma_wait3A_309 = tpu.memref_squeeze %dma_wait3A_308 : memref<1x48xi32, #tpu.memory_space<vmem>> -> memref<48xi32, #tpu.memory_space<vmem>>
      %dma_wait3A_310 = tpu.memref_slice %arg6[%add3A_292] : memref<322560xi32, #tpu.memory_space<hbm>> -> memref<48xi32, #tpu.memory_space<hbm>>
      tpu.wait_dma2 semaphore(%arg21 : memref<!tpu.dma_semaphore, #tpu.memory_space<semaphore_mem>>) src(%dma_wait3A_310 : memref<48xi32, #tpu.memory_space<hbm>>) dst(%dma_wait3A_309 : memref<48xi32, #tpu.memory_space<vmem>>)
      %dma_wait3A_311 = arith.constant 1 : i32
      %dma_wait3A_312 = arith.constant 0 : i32
      %dma_wait3A_313 = tpu.memref_slice %arg15[%dma_wait3A_311, %dma_wait3A_312] : memref<3x48xi32, #tpu.memory_space<vmem>> -> memref<1x48xi32, #tpu.memory_space<vmem>>
      %dma_wait3A_314 = tpu.memref_squeeze %dma_wait3A_313 : memref<1x48xi32, #tpu.memory_space<vmem>> -> memref<48xi32, #tpu.memory_space<vmem>>
      %dma_wait3A_315 = tpu.memref_slice %arg7[%add3A_292] : memref<322560xi32, #tpu.memory_space<hbm>> -> memref<48xi32, #tpu.memory_space<hbm>>
      %dma_wait3A_316 = arith.constant 0 : i32
      %dma_wait3A_317 = tpu.memref_slice %arg15[%dma_wait3A_311, %dma_wait3A_316] : memref<3x48xi32, #tpu.memory_space<vmem>> -> memref<1x48xi32, #tpu.memory_space<vmem>>
      %dma_wait3A_318 = tpu.memref_squeeze %dma_wait3A_317 : memref<1x48xi32, #tpu.memory_space<vmem>> -> memref<48xi32, #tpu.memory_space<vmem>>
      %dma_wait3A_319 = tpu.memref_slice %arg7[%add3A_292] : memref<322560xi32, #tpu.memory_space<hbm>> -> memref<48xi32, #tpu.memory_space<hbm>>
      tpu.wait_dma2 semaphore(%arg21 : memref<!tpu.dma_semaphore, #tpu.memory_space<semaphore_mem>>) src(%dma_wait3A_319 : memref<48xi32, #tpu.memory_space<hbm>>) dst(%dma_wait3A_318 : memref<48xi32, #tpu.memory_space<vmem>>)
      %get3A_320 = arith.constant 1 : i32
      %get3A_321 = arith.index_cast %get3A_320 : i32 to index
      %get3A_322 = arith.constant 0 : index
      %get3A_323 = tpu.vector_load %arg13[%get3A_321, %get3A_322] {strides = array<i32>} : memref<3x48xi32, #tpu.memory_space<vmem>>, vector<16xi32>,
      %get3A_324 = arith.constant 1 : i32
      %get3A_325 = arith.index_cast %get3A_324 : i32 to index
      %get3A_326 = arith.constant 0 : index
      %get3A_327 = tpu.vector_load %arg14[%get3A_325, %get3A_326] {strides = array<i32>} : memref<3x48xi32, #tpu.memory_space<vmem>>, vector<16xi32>,
      %mul3A_328 = arith.constant 4 : i32
      %mul3A_329 = vector.broadcast %mul3A_328 : i32 to vector<16xi32>
      %mul3A_330 = arith.muli %get3A_323, %mul3A_329 : vector<16xi32>
      %get3A_331 = arith.constant 1 : i32
      %get3A_332 = arith.index_cast %get3A_331 : i32 to index
      %get3A_333 = arith.constant 0 : index
      %get3A_334 = tpu.vector_load %arg15[%get3A_332, %get3A_333] {strides = array<i32>} : memref<3x48xi32, #tpu.memory_space<vmem>>, vector<16xi32>,
      %add3A_335 = arith.addi %mul3A_330, %get3A_334 : vector<16xi32>
      %swap3A_336 = arith.constant 1 : i32
      %swap3A_337 = arith.index_cast %swap3A_336 : i32 to index
      %swap3A_338 = arith.constant 0 : index
      %swap3A_339 = tpu.vector_load %arg16[%swap3A_337, %swap3A_338] {strides = array<i32>} : memref<3x48xi32, #tpu.memory_space<vmem>>, vector<16xi32>,
      tpu.vector_store %arg16[%swap3A_337, %swap3A_338], %add3A_335 {strides = array<i32>} : memref<3x48xi32, #tpu.memory_space<vmem>>, vector<16xi32>,
      %swap3A_340 = arith.constant 1 : i32
      %swap3A_341 = arith.index_cast %swap3A_340 : i32 to index
      %swap3A_342 = arith.constant 0 : index
      %swap3A_343 = tpu.vector_load %arg17[%swap3A_341, %swap3A_342] {strides = array<i32>} : memref<3x48xi32, #tpu.memory_space<vmem>>, vector<16xi32>,
      tpu.vector_store %arg17[%swap3A_341, %swap3A_342], %get3A_327 {strides = array<i32>} : memref<3x48xi32, #tpu.memory_space<vmem>>, vector<16xi32>,
      %gather3A_344 = tpu.vector_load_idx %arg11[%get3A_323] : memref<10000xf32, #tpu.memory_space<vmem>>[vector<16xi32>], vector<16xf32>,
      %gather3A_345 = tpu.vector_load_idx %arg12[%get3A_327] : memref<10000xf32, #tpu.memory_space<vmem>>[vector<16xi32>], vector<16xf32>,
      %add3A_346 = arith.addf %gather3A_344, %gather3A_345 : vector<16xf32>
      %neg3A_347 = arith.constant 0.000000e+00 : f32
      %neg3A_348 = vector.broadcast %neg3A_347 : f32 to vector<16xf32>
      %neg3A_349 = arith.subf %neg3A_348, %add3A_346 : vector<16xf32>
      %exp3A_350 = math.exp %neg3A_349 : vector<16xf32>
      %add3A_351 = arith.constant 1.000000e+00 : f32
      %add3A_352 = vector.broadcast %add3A_351 : f32 to vector<16xf32>
      %add3A_353 = arith.addf %add3A_352, %exp3A_350 : vector<16xf32>
      %div3A_354 = arith.constant 1.000000e+00 : f32
      %div3A_355 = vector.broadcast %div3A_354 : f32 to vector<16xf32>
      %div3A_356 = arith.divf %div3A_355, %add3A_353 : vector<16xf32>
      %swap3A_357 = arith.constant 48 : index
      %swap3A_358 = tpu.vector_load %arg18[%swap3A_357] {strides = array<i32>} : memref<144xf32, #tpu.memory_space<vmem>>, vector<16xf32>,
      tpu.vector_store %arg18[%swap3A_357], %div3A_356 {strides = array<i32>} : memref<144xf32, #tpu.memory_space<vmem>>, vector<16xf32>,
      %get3A_359 = arith.constant 1 : i32
      %get3A_360 = arith.index_cast %get3A_359 : i32 to index
      %get3A_361 = arith.constant 16 : index
      %get3A_362 = tpu.vector_load %arg13[%get3A_360, %get3A_361] {strides = array<i32>} : memref<3x48xi32, #tpu.memory_space<vmem>>, vector<16xi32>,
      %get3A_363 = arith.constant 1 : i32
      %get3A_364 = arith.index_cast %get3A_363 : i32 to index
      %get3A_365 = arith.constant 16 : index
      %get3A_366 = tpu.vector_load %arg14[%get3A_364, %get3A_365] {strides = array<i32>} : memref<3x48xi32, #tpu.memory_space<vmem>>, vector<16xi32>,
      %mul3A_367 = arith.constant 4 : i32
      %mul3A_368 = vector.broadcast %mul3A_367 : i32 to vector<16xi32>
      %mul3A_369 = arith.muli %get3A_362, %mul3A_368 : vector<16xi32>
      %get3A_370 = arith.constant 1 : i32
      %get3A_371 = arith.index_cast %get3A_370 : i32 to index
      %get3A_372 = arith.constant 16 : index
      %get3A_373 = tpu.vector_load %arg15[%get3A_371, %get3A_372] {strides = array<i32>} : memref<3x48xi32, #tpu.memory_space<vmem>>, vector<16xi32>,
      %add3A_374 = arith.addi %mul3A_369, %get3A_373 : vector<16xi32>
      %swap3A_375 = arith.constant 1 : i32
      %swap3A_376 = arith.index_cast %swap3A_375 : i32 to index
      %swap3A_377 = arith.constant 16 : index
      %swap3A_378 = tpu.vector_load %arg16[%swap3A_376, %swap3A_377] {strides = array<i32>} : memref<3x48xi32, #tpu.memory_space<vmem>>, vector<16xi32>,
      tpu.vector_store %arg16[%swap3A_376, %swap3A_377], %add3A_374 {strides = array<i32>} : memref<3x48xi32, #tpu.memory_space<vmem>>, vector<16xi32>,
      %swap3A_379 = arith.constant 1 : i32
      %swap3A_380 = arith.index_cast %swap3A_379 : i32 to index
      %swap3A_381 = arith.constant 16 : index
      %swap3A_382 = tpu.vector_load %arg17[%swap3A_380, %swap3A_381] {strides = array<i32>} : memref<3x48xi32, #tpu.memory_space<vmem>>, vector<16xi32>,
      tpu.vector_store %arg17[%swap3A_380, %swap3A_381], %get3A_366 {strides = array<i32>} : memref<3x48xi32, #tpu.memory_space<vmem>>, vector<16xi32>,
      %gather3A_383 = tpu.vector_load_idx %arg11[%get3A_362] : memref<10000xf32, #tpu.memory_space<vmem>>[vector<16xi32>], vector<16xf32>,
      %gather3A_384 = tpu.vector_load_idx %arg12[%get3A_366] : memref<10000xf32, #tpu.memory_space<vmem>>[vector<16xi32>], vector<16xf32>,
      %add3A_385 = arith.addf %gather3A_383, %gather3A_384 : vector<16xf32>
      %neg3A_386 = arith.constant 0.000000e+00 : f32
      %neg3A_387 = vector.broadcast %neg3A_386 : f32 to vector<16xf32>
      %neg3A_388 = arith.subf %neg3A_387, %add3A_385 : vector<16xf32>
      %exp3A_389 = math.exp %neg3A_388 : vector<16xf32>
      %add3A_390 = arith.constant 1.000000e+00 : f32
      %add3A_391 = vector.broadcast %add3A_390 : f32 to vector<16xf32>
      %add3A_392 = arith.addf %add3A_391, %exp3A_389 : vector<16xf32>
      %div3A_393 = arith.constant 1.000000e+00 : f32
      %div3A_394 = vector.broadcast %div3A_393 : f32 to vector<16xf32>
      %div3A_395 = arith.divf %div3A_394, %add3A_392 : vector<16xf32>
      %swap3A_396 = arith.constant 64 : index
      %swap3A_397 = tpu.vector_load %arg18[%swap3A_396] {strides = array<i32>} : memref<144xf32, #tpu.memory_space<vmem>>, vector<16xf32>,
      tpu.vector_store %arg18[%swap3A_396], %div3A_395 {strides = array<i32>} : memref<144xf32, #tpu.memory_space<vmem>>, vector<16xf32>,
      %get3A_398 = arith.constant 1 : i32
      %get3A_399 = arith.index_cast %get3A_398 : i32 to index
      %get3A_400 = arith.constant 32 : index
      %get3A_401 = tpu.vector_load %arg13[%get3A_399, %get3A_400] {strides = array<i32>} : memref<3x48xi32, #tpu.memory_space<vmem>>, vector<16xi32>,
      %get3A_402 = arith.constant 1 : i32
      %get3A_403 = arith.index_cast %get3A_402 : i32 to index
      %get3A_404 = arith.constant 32 : index
      %get3A_405 = tpu.vector_load %arg14[%get3A_403, %get3A_404] {strides = array<i32>} : memref<3x48xi32, #tpu.memory_space<vmem>>, vector<16xi32>,
      %mul3A_406 = arith.constant 4 : i32
      %mul3A_407 = vector.broadcast %mul3A_406 : i32 to vector<16xi32>
      %mul3A_408 = arith.muli %get3A_401, %mul3A_407 : vector<16xi32>
      %get3A_409 = arith.constant 1 : i32
      %get3A_410 = arith.index_cast %get3A_409 : i32 to index
      %get3A_411 = arith.constant 32 : index
      %get3A_412 = tpu.vector_load %arg15[%get3A_410, %get3A_411] {strides = array<i32>} : memref<3x48xi32, #tpu.memory_space<vmem>>, vector<16xi32>,
      %add3A_413 = arith.addi %mul3A_408, %get3A_412 : vector<16xi32>
      %swap3A_414 = arith.constant 1 : i32
      %swap3A_415 = arith.index_cast %swap3A_414 : i32 to index
      %swap3A_416 = arith.constant 32 : index
      %swap3A_417 = tpu.vector_load %arg16[%swap3A_415, %swap3A_416] {strides = array<i32>} : memref<3x48xi32, #tpu.memory_space<vmem>>, vector<16xi32>,
      tpu.vector_store %arg16[%swap3A_415, %swap3A_416], %add3A_413 {strides = array<i32>} : memref<3x48xi32, #tpu.memory_space<vmem>>, vector<16xi32>,
      %swap3A_418 = arith.constant 1 : i32
      %swap3A_419 = arith.index_cast %swap3A_418 : i32 to index
      %swap3A_420 = arith.constant 32 : index
      %swap3A_421 = tpu.vector_load %arg17[%swap3A_419, %swap3A_420] {strides = array<i32>} : memref<3x48xi32, #tpu.memory_space<vmem>>, vector<16xi32>,
      tpu.vector_store %arg17[%swap3A_419, %swap3A_420], %get3A_405 {strides = array<i32>} : memref<3x48xi32, #tpu.memory_space<vmem>>, vector<16xi32>,
      %gather3A_422 = tpu.vector_load_idx %arg11[%get3A_401] : memref<10000xf32, #tpu.memory_space<vmem>>[vector<16xi32>], vector<16xf32>,
      %gather3A_423 = tpu.vector_load_idx %arg12[%get3A_405] : memref<10000xf32, #tpu.memory_space<vmem>>[vector<16xi32>], vector<16xf32>,
      %add3A_424 = arith.addf %gather3A_422, %gather3A_423 : vector<16xf32>
      %neg3A_425 = arith.constant 0.000000e+00 : f32
      %neg3A_426 = vector.broadcast %neg3A_425 : f32 to vector<16xf32>
      %neg3A_427 = arith.subf %neg3A_426, %add3A_424 : vector<16xf32>
      %exp3A_428 = math.exp %neg3A_427 : vector<16xf32>
      %add3A_429 = arith.constant 1.000000e+00 : f32
      %add3A_430 = vector.broadcast %add3A_429 : f32 to vector<16xf32>
      %add3A_431 = arith.addf %add3A_430, %exp3A_428 : vector<16xf32>
      %div3A_432 = arith.constant 1.000000e+00 : f32
      %div3A_433 = vector.broadcast %div3A_432 : f32 to vector<16xf32>
      %div3A_434 = arith.divf %div3A_433, %add3A_431 : vector<16xf32>
      %swap3A_435 = arith.constant 80 : index
      %swap3A_436 = tpu.vector_load %arg18[%swap3A_435] {strides = array<i32>} : memref<144xf32, #tpu.memory_space<vmem>>, vector<16xf32>,
      tpu.vector_store %arg18[%swap3A_435], %div3A_434 {strides = array<i32>} : memref<144xf32, #tpu.memory_space<vmem>>, vector<16xf32>,
      %dma_start3A_437 = arith.constant 1 : i32
      %dma_start3A_438 = arith.constant 1 : i32
      %dma_start3A_439 = arith.constant 0 : i32
      %dma_start3A_440 = arith.constant 0 : i32
      %dma_start3A_441 = tpu.memref_slice %arg19[%dma_start3A_438, %dma_start3A_439, %dma_start3A_440] : memref<3x48x128xf32, #tpu.memory_space<vmem>> -> memref<1x48x128xf32, #tpu.memory_space<vmem>>
      %dma_start3A_442 = tpu.memref_squeeze %dma_start3A_441 : memref<1x48x128xf32, #tpu.memory_space<vmem>> -> memref<48x128xf32, #tpu.memory_space<vmem>>
      %dma_start3A_443 = arith.constant 0 : i32
      %dma_start3A_444 = tpu.memref_slice %arg16[%dma_start3A_437, %dma_start3A_443] : memref<3x48xi32, #tpu.memory_space<vmem>> -> memref<1x48xi32, #tpu.memory_space<vmem>>
      %dma_start3A_445 = tpu.memref_squeeze %dma_start3A_444 : memref<1x48xi32, #tpu.memory_space<vmem>> -> memref<48xi32, #tpu.memory_space<vmem>>
      %dma_start3A_446 = arith.constant 0 : i32
      %dma_start3A_447 = arith.constant 0 : i32
      %dma_start3A_448 = tpu.memref_slice %arg2[%dma_start3A_446, %dma_start3A_447] : memref<40000x128xf32, #tpu.memory_space<hbm>> -> memref<40000x128xf32, #tpu.memory_space<hbm>>
      tpu.enqueue_indirect_dma source(%dma_start3A_448 : memref<40000x128xf32, #tpu.memory_space<hbm>>) target(%dma_start3A_442 : memref<48x128xf32, #tpu.memory_space<vmem>>) offsets(%dma_start3A_445 : memref<48xi32, #tpu.memory_space<vmem>>) semaphore(%arg24 : memref<!tpu.dma_semaphore, #tpu.memory_space<semaphore_mem>>)
      %lt3A = arith.constant 69 : i32
      %lt3A_449 = arith.cmpi slt, %scan3A_281, %lt3A : i32
      %convert_element_type3A_450 = arith.extui %lt3A_449 : i1 to i32
      %cond3A_451 = arith.constant 0 : i32
      %cond3A_452 = arith.cmpi ne, %convert_element_type3A_450, %cond3A_451 : i32
      scf.if %cond3A_452 {
        %add3A_744 = arith.constant 3 : i32
        %add3A_745 = arith.addi %add3A_285, %add3A_744 : i32
        %mul3A_746 = arith.constant 48 : i32
        %mul3A_747 = arith.muli %add3A_745, %mul3A_746 : i32
        %add3A_748 = arith.addi %mul3A_2, %mul3A_747 : i32
        %dma_start3A_749 = arith.constant 0 : i32
        %dma_start3A_750 = arith.constant 0 : i32
        %dma_start3A_751 = tpu.memref_slice %arg13[%dma_start3A_749, %dma_start3A_750] : memref<3x48xi32, #tpu.memory_space<vmem>> -> memref<1x48xi32, #tpu.memory_space<vmem>>
        %dma_start3A_752 = tpu.memref_squeeze %dma_start3A_751 : memref<1x48xi32, #tpu.memory_space<vmem>> -> memref<48xi32, #tpu.memory_space<vmem>>
        %dma_start3A_753 = tpu.memref_slice %arg5[%add3A_748] : memref<322560xi32, #tpu.memory_space<hbm>> -> memref<48xi32, #tpu.memory_space<hbm>>
        %dma_start3A_754 = arith.constant 0 : i32
        %dma_start3A_755 = tpu.memref_slice %arg13[%dma_start3A_749, %dma_start3A_754] : memref<3x48xi32, #tpu.memory_space<vmem>> -> memref<1x48xi32, #tpu.memory_space<vmem>>
        %dma_start3A_756 = tpu.memref_squeeze %dma_start3A_755 : memref<1x48xi32, #tpu.memory_space<vmem>> -> memref<48xi32, #tpu.memory_space<vmem>>
        %dma_start3A_757 = tpu.memref_slice %arg5[%add3A_748] : memref<322560xi32, #tpu.memory_space<hbm>> -> memref<48xi32, #tpu.memory_space<hbm>>
        tpu.enqueue_dma source(%dma_start3A_757 : memref<48xi32, #tpu.memory_space<hbm>>) target(%dma_start3A_756 : memref<48xi32, #tpu.memory_space<vmem>>) target_semaphore(%arg20 : memref<!tpu.dma_semaphore, #tpu.memory_space<semaphore_mem>>)
        %dma_start3A_758 = arith.constant 0 : i32
        %dma_start3A_759 = arith.constant 0 : i32
        %dma_start3A_760 = tpu.memref_slice %arg14[%dma_start3A_758, %dma_start3A_759] : memref<3x48xi32, #tpu.memory_space<vmem>> -> memref<1x48xi32, #tpu.memory_space<vmem>>
        %dma_start3A_761 = tpu.memref_squeeze %dma_start3A_760 : memref<1x48xi32, #tpu.memory_space<vmem>> -> memref<48xi32, #tpu.memory_space<vmem>>
        %dma_start3A_762 = tpu.memref_slice %arg6[%add3A_748] : memref<322560xi32, #tpu.memory_space<hbm>> -> memref<48xi32, #tpu.memory_space<hbm>>
        %dma_start3A_763 = arith.constant 0 : i32
        %dma_start3A_764 = tpu.memref_slice %arg14[%dma_start3A_758, %dma_start3A_763] : memref<3x48xi32, #tpu.memory_space<vmem>> -> memref<1x48xi32, #tpu.memory_space<vmem>>
        %dma_start3A_765 = tpu.memref_squeeze %dma_start3A_764 : memref<1x48xi32, #tpu.memory_space<vmem>> -> memref<48xi32, #tpu.memory_space<vmem>>
        %dma_start3A_766 = tpu.memref_slice %arg6[%add3A_748] : memref<322560xi32, #tpu.memory_space<hbm>> -> memref<48xi32, #tpu.memory_space<hbm>>
        tpu.enqueue_dma source(%dma_start3A_766 : memref<48xi32, #tpu.memory_space<hbm>>) target(%dma_start3A_765 : memref<48xi32, #tpu.memory_space<vmem>>) target_semaphore(%arg20 : memref<!tpu.dma_semaphore, #tpu.memory_space<semaphore_mem>>)
        %dma_start3A_767 = arith.constant 0 : i32
        %dma_start3A_768 = arith.constant 0 : i32
        %dma_start3A_769 = tpu.memref_slice %arg15[%dma_start3A_767, %dma_start3A_768] : memref<3x48xi32, #tpu.memory_space<vmem>> -> memref<1x48xi32, #tpu.memory_space<vmem>>
        %dma_start3A_770 = tpu.memref_squeeze %dma_start3A_769 : memref<1x48xi32, #tpu.memory_space<vmem>> -> memref<48xi32, #tpu.memory_space<vmem>>
        %dma_start3A_771 = tpu.memref_slice %arg7[%add3A_748] : memref<322560xi32, #tpu.memory_space<hbm>> -> memref<48xi32, #tpu.memory_space<hbm>>
        %dma_start3A_772 = arith.constant 0 : i32
        %dma_start3A_773 = tpu.memref_slice %arg15[%dma_start3A_767, %dma_start3A_772] : memref<3x48xi32, #tpu.memory_space<vmem>> -> memref<1x48xi32, #tpu.memory_space<vmem>>
        %dma_start3A_774 = tpu.memref_squeeze %dma_start3A_773 : memref<1x48xi32, #tpu.memory_space<vmem>> -> memref<48xi32, #tpu.memory_space<vmem>>
        %dma_start3A_775 = tpu.memref_slice %arg7[%add3A_748] : memref<322560xi32, #tpu.memory_space<hbm>> -> memref<48xi32, #tpu.memory_space<hbm>>
        tpu.enqueue_dma source(%dma_start3A_775 : memref<48xi32, #tpu.memory_space<hbm>>) target(%dma_start3A_774 : memref<48xi32, #tpu.memory_space<vmem>>) target_semaphore(%arg20 : memref<!tpu.dma_semaphore, #tpu.memory_space<semaphore_mem>>)
      } else {
      }
      %dma_wait3A_453 = arith.constant 0 : i32
      %dma_wait3A_454 = arith.constant 0 : i32
      %dma_wait3A_455 = arith.constant 0 : i32
      %dma_wait3A_456 = arith.constant 0 : i32
      %dma_wait3A_457 = tpu.memref_slice %arg19[%dma_wait3A_454, %dma_wait3A_455, %dma_wait3A_456] : memref<3x48x128xf32, #tpu.memory_space<vmem>> -> memref<1x48x128xf32, #tpu.memory_space<vmem>>
      %dma_wait3A_458 = tpu.memref_squeeze %dma_wait3A_457 : memref<1x48x128xf32, #tpu.memory_space<vmem>> -> memref<48x128xf32, #tpu.memory_space<vmem>>
      %dma_wait3A_459 = arith.constant 0 : i32
      %dma_wait3A_460 = tpu.memref_slice %arg16[%dma_wait3A_453, %dma_wait3A_459] : memref<3x48xi32, #tpu.memory_space<vmem>> -> memref<1x48xi32, #tpu.memory_space<vmem>>
      %dma_wait3A_461 = tpu.memref_squeeze %dma_wait3A_460 : memref<1x48xi32, #tpu.memory_space<vmem>> -> memref<48xi32, #tpu.memory_space<vmem>>
      %dma_wait3A_462 = arith.constant 0 : i32
      %dma_wait3A_463 = arith.constant 0 : i32
      %dma_wait3A_464 = tpu.memref_slice %arg2[%dma_wait3A_462, %dma_wait3A_463] : memref<40000x128xf32, #tpu.memory_space<hbm>> -> memref<40000x128xf32, #tpu.memory_space<hbm>>
      tpu.wait_indirect_dma semaphore(%arg23 : memref<!tpu.dma_semaphore, #tpu.memory_space<semaphore_mem>>) src(%dma_wait3A_464 : memref<40000x128xf32, #tpu.memory_space<hbm>>) dst(%dma_wait3A_458 : memref<48x128xf32, #tpu.memory_space<vmem>>)
      %scan3A_465 = arith.constant 0 : i32
      %scan3A_466 = arith.constant 0 : i32
      %scan3A_467 = arith.constant 24 : i32
      %scan3A_468 = arith.addi %scan3A_466, %scan3A_467 : i32
      %scan3A_469 = arith.constant 1 : i32
      scf.for %scan3A_744 = %scan3A_466 to %scan3A_468 step %scan3A_469  : i32 {
        %mul3A_745 = arith.constant 2 : i32
        %mul3A_746 = arith.muli %scan3A_744, %mul3A_745 : i32
        %add3A_747 = arith.constant 0 : i32
        %add3A_748 = arith.addi %mul3A_746, %add3A_747 : i32
        %add3A_749 = arith.constant 0 : i32
        %add3A_750 = arith.addi %add3A_749, %add3A_748 : i32
        %broadcast_in_dim3A = vector.broadcast %add3A_750 : i32 to vector<16xi32>
        %gather3A_751 = tpu.vector_load_idx %arg18[%broadcast_in_dim3A] : memref<144xf32, #tpu.memory_space<vmem>>[vector<16xi32>], vector<16xf32>,
        %get3A_752 = arith.constant 0 : i32
        %get3A_753 = arith.index_cast %get3A_752 : i32 to index
        %get3A_754 = arith.index_cast %add3A_748 : i32 to index
        %get3A_755 = arith.constant 0 : index
        %get3A_756 = tpu.vector_load %arg19[%get3A_753, %get3A_754, %get3A_755] {strides = array<i32>} : memref<3x48x128xf32, #tpu.memory_space<vmem>>, vector<16xf32>,
        %mul3A_757 = arith.mulf %get3A_756, %gather3A_751 : vector<16xf32>
        %swap3A_758 = arith.constant 0 : i32
        %swap3A_759 = arith.index_cast %swap3A_758 : i32 to index
        %swap3A_760 = arith.index_cast %add3A_748 : i32 to index
        %swap3A_761 = arith.constant 0 : index
        %swap3A_762 = tpu.vector_load %arg19[%swap3A_759, %swap3A_760, %swap3A_761] {strides = array<i32>} : memref<3x48x128xf32, #tpu.memory_space<vmem>>, vector<16xf32>,
        tpu.vector_store %arg19[%swap3A_759, %swap3A_760, %swap3A_761], %mul3A_757 {strides = array<i32>} : memref<3x48x128xf32, #tpu.memory_space<vmem>>, vector<16xf32>,
        %get3A_763 = arith.constant 0 : i32
        %get3A_764 = arith.index_cast %get3A_763 : i32 to index
        %get3A_765 = arith.index_cast %add3A_748 : i32 to index
        %get3A_766 = arith.constant 16 : index
        %get3A_767 = tpu.vector_load %arg19[%get3A_764, %get3A_765, %get3A_766] {strides = array<i32>} : memref<3x48x128xf32, #tpu.memory_space<vmem>>, vector<16xf32>,
        %mul3A_768 = arith.mulf %get3A_767, %gather3A_751 : vector<16xf32>
        %swap3A_769 = arith.constant 0 : i32
        %swap3A_770 = arith.index_cast %swap3A_769 : i32 to index
        %swap3A_771 = arith.index_cast %add3A_748 : i32 to index
        %swap3A_772 = arith.constant 16 : index
        %swap3A_773 = tpu.vector_load %arg19[%swap3A_770, %swap3A_771, %swap3A_772] {strides = array<i32>} : memref<3x48x128xf32, #tpu.memory_space<vmem>>, vector<16xf32>,
        tpu.vector_store %arg19[%swap3A_770, %swap3A_771, %swap3A_772], %mul3A_768 {strides = array<i32>} : memref<3x48x128xf32, #tpu.memory_space<vmem>>, vector<16xf32>,
        %get3A_774 = arith.constant 0 : i32
        %get3A_775 = arith.index_cast %get3A_774 : i32 to index
        %get3A_776 = arith.index_cast %add3A_748 : i32 to index
        %get3A_777 = arith.constant 32 : index
        %get3A_778 = tpu.vector_load %arg19[%get3A_775, %get3A_776, %get3A_777] {strides = array<i32>} : memref<3x48x128xf32, #tpu.memory_space<vmem>>, vector<16xf32>,
        %mul3A_779 = arith.mulf %get3A_778, %gather3A_751 : vector<16xf32>
        %swap3A_780 = arith.constant 0 : i32
        %swap3A_781 = arith.index_cast %swap3A_780 : i32 to index
        %swap3A_782 = arith.index_cast %add3A_748 : i32 to index
        %swap3A_783 = arith.constant 32 : index
        %swap3A_784 = tpu.vector_load %arg19[%swap3A_781, %swap3A_782, %swap3A_783] {strides = array<i32>} : memref<3x48x128xf32, #tpu.memory_space<vmem>>, vector<16xf32>,
        tpu.vector_store %arg19[%swap3A_781, %swap3A_782, %swap3A_783], %mul3A_779 {strides = array<i32>} : memref<3x48x128xf32, #tpu.memory_space<vmem>>, vector<16xf32>,
        %get3A_785 = arith.constant 0 : i32
        %get3A_786 = arith.index_cast %get3A_785 : i32 to index
        %get3A_787 = arith.index_cast %add3A_748 : i32 to index
        %get3A_788 = arith.constant 48 : index
        %get3A_789 = tpu.vector_load %arg19[%get3A_786, %get3A_787, %get3A_788] {strides = array<i32>} : memref<3x48x128xf32, #tpu.memory_space<vmem>>, vector<16xf32>,
        %mul3A_790 = arith.mulf %get3A_789, %gather3A_751 : vector<16xf32>
        %swap3A_791 = arith.constant 0 : i32
        %swap3A_792 = arith.index_cast %swap3A_791 : i32 to index
        %swap3A_793 = arith.index_cast %add3A_748 : i32 to index
        %swap3A_794 = arith.constant 48 : index
        %swap3A_795 = tpu.vector_load %arg19[%swap3A_792, %swap3A_793, %swap3A_794] {strides = array<i32>} : memref<3x48x128xf32, #tpu.memory_space<vmem>>, vector<16xf32>,
        tpu.vector_store %arg19[%swap3A_792, %swap3A_793, %swap3A_794], %mul3A_790 {strides = array<i32>} : memref<3x48x128xf32, #tpu.memory_space<vmem>>, vector<16xf32>,
        %get3A_796 = arith.constant 0 : i32
        %get3A_797 = arith.index_cast %get3A_796 : i32 to index
        %get3A_798 = arith.index_cast %add3A_748 : i32 to index
        %get3A_799 = arith.constant 64 : index
        %get3A_800 = tpu.vector_load %arg19[%get3A_797, %get3A_798, %get3A_799] {strides = array<i32>} : memref<3x48x128xf32, #tpu.memory_space<vmem>>, vector<16xf32>,
        %mul3A_801 = arith.mulf %get3A_800, %gather3A_751 : vector<16xf32>
        %swap3A_802 = arith.constant 0 : i32
        %swap3A_803 = arith.index_cast %swap3A_802 : i32 to index
        %swap3A_804 = arith.index_cast %add3A_748 : i32 to index
        %swap3A_805 = arith.constant 64 : index
        %swap3A_806 = tpu.vector_load %arg19[%swap3A_803, %swap3A_804, %swap3A_805] {strides = array<i32>} : memref<3x48x128xf32, #tpu.memory_space<vmem>>, vector<16xf32>,
        tpu.vector_store %arg19[%swap3A_803, %swap3A_804, %swap3A_805], %mul3A_801 {strides = array<i32>} : memref<3x48x128xf32, #tpu.memory_space<vmem>>, vector<16xf32>,
        %get3A_807 = arith.constant 0 : i32
        %get3A_808 = arith.index_cast %get3A_807 : i32 to index
        %get3A_809 = arith.index_cast %add3A_748 : i32 to index
        %get3A_810 = arith.constant 80 : index
        %get3A_811 = tpu.vector_load %arg19[%get3A_808, %get3A_809, %get3A_810] {strides = array<i32>} : memref<3x48x128xf32, #tpu.memory_space<vmem>>, vector<16xf32>,
        %mul3A_812 = arith.mulf %get3A_811, %gather3A_751 : vector<16xf32>
        %swap3A_813 = arith.constant 0 : i32
        %swap3A_814 = arith.index_cast %swap3A_813 : i32 to index
        %swap3A_815 = arith.index_cast %add3A_748 : i32 to index
        %swap3A_816 = arith.constant 80 : index
        %swap3A_817 = tpu.vector_load %arg19[%swap3A_814, %swap3A_815, %swap3A_816] {strides = array<i32>} : memref<3x48x128xf32, #tpu.memory_space<vmem>>, vector<16xf32>,
        tpu.vector_store %arg19[%swap3A_814, %swap3A_815, %swap3A_816], %mul3A_812 {strides = array<i32>} : memref<3x48x128xf32, #tpu.memory_space<vmem>>, vector<16xf32>,
        %get3A_818 = arith.constant 0 : i32
        %get3A_819 = arith.index_cast %get3A_818 : i32 to index
        %get3A_820 = arith.index_cast %add3A_748 : i32 to index
        %get3A_821 = arith.constant 96 : index
        %get3A_822 = tpu.vector_load %arg19[%get3A_819, %get3A_820, %get3A_821] {strides = array<i32>} : memref<3x48x128xf32, #tpu.memory_space<vmem>>, vector<16xf32>,
        %mul3A_823 = arith.mulf %get3A_822, %gather3A_751 : vector<16xf32>
        %swap3A_824 = arith.constant 0 : i32
        %swap3A_825 = arith.index_cast %swap3A_824 : i32 to index
        %swap3A_826 = arith.index_cast %add3A_748 : i32 to index
        %swap3A_827 = arith.constant 96 : index
        %swap3A_828 = tpu.vector_load %arg19[%swap3A_825, %swap3A_826, %swap3A_827] {strides = array<i32>} : memref<3x48x128xf32, #tpu.memory_space<vmem>>, vector<16xf32>,
        tpu.vector_store %arg19[%swap3A_825, %swap3A_826, %swap3A_827], %mul3A_823 {strides = array<i32>} : memref<3x48x128xf32, #tpu.memory_space<vmem>>, vector<16xf32>,
        %get3A_829 = arith.constant 0 : i32
        %get3A_830 = arith.index_cast %get3A_829 : i32 to index
        %get3A_831 = arith.index_cast %add3A_748 : i32 to index
        %get3A_832 = arith.constant 112 : index
        %get3A_833 = tpu.vector_load %arg19[%get3A_830, %get3A_831, %get3A_832] {strides = array<i32>} : memref<3x48x128xf32, #tpu.memory_space<vmem>>, vector<16xf32>,
        %mul3A_834 = arith.mulf %get3A_833, %gather3A_751 : vector<16xf32>
        %swap3A_835 = arith.constant 0 : i32
        %swap3A_836 = arith.index_cast %swap3A_835 : i32 to index
        %swap3A_837 = arith.index_cast %add3A_748 : i32 to index
        %swap3A_838 = arith.constant 112 : index
        %swap3A_839 = tpu.vector_load %arg19[%swap3A_836, %swap3A_837, %swap3A_838] {strides = array<i32>} : memref<3x48x128xf32, #tpu.memory_space<vmem>>, vector<16xf32>,
        tpu.vector_store %arg19[%swap3A_836, %swap3A_837, %swap3A_838], %mul3A_834 {strides = array<i32>} : memref<3x48x128xf32, #tpu.memory_space<vmem>>, vector<16xf32>,
        %mul3A_840 = arith.constant 2 : i32
        %mul3A_841 = arith.muli %scan3A_744, %mul3A_840 : i32
        %add3A_842 = arith.constant 1 : i32
        %add3A_843 = arith.addi %mul3A_841, %add3A_842 : i32
        %add3A_844 = arith.constant 0 : i32
        %add3A_845 = arith.addi %add3A_844, %add3A_843 : i32
        %broadcast_in_dim3A_846 = vector.broadcast %add3A_845 : i32 to vector<16xi32>
        %gather3A_847 = tpu.vector_load_idx %arg18[%broadcast_in_dim3A_846] : memref<144xf32, #tpu.memory_space<vmem>>[vector<16xi32>], vector<16xf32>,
        %get3A_848 = arith.constant 0 : i32
        %get3A_849 = arith.index_cast %get3A_848 : i32 to index
        %get3A_850 = arith.index_cast %add3A_843 : i32 to index
        %get3A_851 = arith.constant 0 : index
        %get3A_852 = tpu.vector_load %arg19[%get3A_849, %get3A_850, %get3A_851] {strides = array<i32>} : memref<3x48x128xf32, #tpu.memory_space<vmem>>, vector<16xf32>,
        %mul3A_853 = arith.mulf %get3A_852, %gather3A_847 : vector<16xf32>
        %swap3A_854 = arith.constant 0 : i32
        %swap3A_855 = arith.index_cast %swap3A_854 : i32 to index
        %swap3A_856 = arith.index_cast %add3A_843 : i32 to index
        %swap3A_857 = arith.constant 0 : index
        %swap3A_858 = tpu.vector_load %arg19[%swap3A_855, %swap3A_856, %swap3A_857] {strides = array<i32>} : memref<3x48x128xf32, #tpu.memory_space<vmem>>, vector<16xf32>,
        tpu.vector_store %arg19[%swap3A_855, %swap3A_856, %swap3A_857], %mul3A_853 {strides = array<i32>} : memref<3x48x128xf32, #tpu.memory_space<vmem>>, vector<16xf32>,
        %get3A_859 = arith.constant 0 : i32
        %get3A_860 = arith.index_cast %get3A_859 : i32 to index
        %get3A_861 = arith.index_cast %add3A_843 : i32 to index
        %get3A_862 = arith.constant 16 : index
        %get3A_863 = tpu.vector_load %arg19[%get3A_860, %get3A_861, %get3A_862] {strides = array<i32>} : memref<3x48x128xf32, #tpu.memory_space<vmem>>, vector<16xf32>,
        %mul3A_864 = arith.mulf %get3A_863, %gather3A_847 : vector<16xf32>
        %swap3A_865 = arith.constant 0 : i32
        %swap3A_866 = arith.index_cast %swap3A_865 : i32 to index
        %swap3A_867 = arith.index_cast %add3A_843 : i32 to index
        %swap3A_868 = arith.constant 16 : index
        %swap3A_869 = tpu.vector_load %arg19[%swap3A_866, %swap3A_867, %swap3A_868] {strides = array<i32>} : memref<3x48x128xf32, #tpu.memory_space<vmem>>, vector<16xf32>,
        tpu.vector_store %arg19[%swap3A_866, %swap3A_867, %swap3A_868], %mul3A_864 {strides = array<i32>} : memref<3x48x128xf32, #tpu.memory_space<vmem>>, vector<16xf32>,
        %get3A_870 = arith.constant 0 : i32
        %get3A_871 = arith.index_cast %get3A_870 : i32 to index
        %get3A_872 = arith.index_cast %add3A_843 : i32 to index
        %get3A_873 = arith.constant 32 : index
        %get3A_874 = tpu.vector_load %arg19[%get3A_871, %get3A_872, %get3A_873] {strides = array<i32>} : memref<3x48x128xf32, #tpu.memory_space<vmem>>, vector<16xf32>,
        %mul3A_875 = arith.mulf %get3A_874, %gather3A_847 : vector<16xf32>
        %swap3A_876 = arith.constant 0 : i32
        %swap3A_877 = arith.index_cast %swap3A_876 : i32 to index
        %swap3A_878 = arith.index_cast %add3A_843 : i32 to index
        %swap3A_879 = arith.constant 32 : index
        %swap3A_880 = tpu.vector_load %arg19[%swap3A_877, %swap3A_878, %swap3A_879] {strides = array<i32>} : memref<3x48x128xf32, #tpu.memory_space<vmem>>, vector<16xf32>,
        tpu.vector_store %arg19[%swap3A_877, %swap3A_878, %swap3A_879], %mul3A_875 {strides = array<i32>} : memref<3x48x128xf32, #tpu.memory_space<vmem>>, vector<16xf32>,
        %get3A_881 = arith.constant 0 : i32
        %get3A_882 = arith.index_cast %get3A_881 : i32 to index
        %get3A_883 = arith.index_cast %add3A_843 : i32 to index
        %get3A_884 = arith.constant 48 : index
        %get3A_885 = tpu.vector_load %arg19[%get3A_882, %get3A_883, %get3A_884] {strides = array<i32>} : memref<3x48x128xf32, #tpu.memory_space<vmem>>, vector<16xf32>,
        %mul3A_886 = arith.mulf %get3A_885, %gather3A_847 : vector<16xf32>
        %swap3A_887 = arith.constant 0 : i32
        %swap3A_888 = arith.index_cast %swap3A_887 : i32 to index
        %swap3A_889 = arith.index_cast %add3A_843 : i32 to index
        %swap3A_890 = arith.constant 48 : index
        %swap3A_891 = tpu.vector_load %arg19[%swap3A_888, %swap3A_889, %swap3A_890] {strides = array<i32>} : memref<3x48x128xf32, #tpu.memory_space<vmem>>, vector<16xf32>,
        tpu.vector_store %arg19[%swap3A_888, %swap3A_889, %swap3A_890], %mul3A_886 {strides = array<i32>} : memref<3x48x128xf32, #tpu.memory_space<vmem>>, vector<16xf32>,
        %get3A_892 = arith.constant 0 : i32
        %get3A_893 = arith.index_cast %get3A_892 : i32 to index
        %get3A_894 = arith.index_cast %add3A_843 : i32 to index
        %get3A_895 = arith.constant 64 : index
        %get3A_896 = tpu.vector_load %arg19[%get3A_893, %get3A_894, %get3A_895] {strides = array<i32>} : memref<3x48x128xf32, #tpu.memory_space<vmem>>, vector<16xf32>,
        %mul3A_897 = arith.mulf %get3A_896, %gather3A_847 : vector<16xf32>
        %swap3A_898 = arith.constant 0 : i32
        %swap3A_899 = arith.index_cast %swap3A_898 : i32 to index
        %swap3A_900 = arith.index_cast %add3A_843 : i32 to index
        %swap3A_901 = arith.constant 64 : index
        %swap3A_902 = tpu.vector_load %arg19[%swap3A_899, %swap3A_900, %swap3A_901] {strides = array<i32>} : memref<3x48x128xf32, #tpu.memory_space<vmem>>, vector<16xf32>,
        tpu.vector_store %arg19[%swap3A_899, %swap3A_900, %swap3A_901], %mul3A_897 {strides = array<i32>} : memref<3x48x128xf32, #tpu.memory_space<vmem>>, vector<16xf32>,
        %get3A_903 = arith.constant 0 : i32
        %get3A_904 = arith.index_cast %get3A_903 : i32 to index
        %get3A_905 = arith.index_cast %add3A_843 : i32 to index
        %get3A_906 = arith.constant 80 : index
        %get3A_907 = tpu.vector_load %arg19[%get3A_904, %get3A_905, %get3A_906] {strides = array<i32>} : memref<3x48x128xf32, #tpu.memory_space<vmem>>, vector<16xf32>,
        %mul3A_908 = arith.mulf %get3A_907, %gather3A_847 : vector<16xf32>
        %swap3A_909 = arith.constant 0 : i32
        %swap3A_910 = arith.index_cast %swap3A_909 : i32 to index
        %swap3A_911 = arith.index_cast %add3A_843 : i32 to index
        %swap3A_912 = arith.constant 80 : index
        %swap3A_913 = tpu.vector_load %arg19[%swap3A_910, %swap3A_911, %swap3A_912] {strides = array<i32>} : memref<3x48x128xf32, #tpu.memory_space<vmem>>, vector<16xf32>,
        tpu.vector_store %arg19[%swap3A_910, %swap3A_911, %swap3A_912], %mul3A_908 {strides = array<i32>} : memref<3x48x128xf32, #tpu.memory_space<vmem>>, vector<16xf32>,
        %get3A_914 = arith.constant 0 : i32
        %get3A_915 = arith.index_cast %get3A_914 : i32 to index
        %get3A_916 = arith.index_cast %add3A_843 : i32 to index
        %get3A_917 = arith.constant 96 : index
        %get3A_918 = tpu.vector_load %arg19[%get3A_915, %get3A_916, %get3A_917] {strides = array<i32>} : memref<3x48x128xf32, #tpu.memory_space<vmem>>, vector<16xf32>,
        %mul3A_919 = arith.mulf %get3A_918, %gather3A_847 : vector<16xf32>
        %swap3A_920 = arith.constant 0 : i32
        %swap3A_921 = arith.index_cast %swap3A_920 : i32 to index
        %swap3A_922 = arith.index_cast %add3A_843 : i32 to index
        %swap3A_923 = arith.constant 96 : index
        %swap3A_924 = tpu.vector_load %arg19[%swap3A_921, %swap3A_922, %swap3A_923] {strides = array<i32>} : memref<3x48x128xf32, #tpu.memory_space<vmem>>, vector<16xf32>,
        tpu.vector_store %arg19[%swap3A_921, %swap3A_922, %swap3A_923], %mul3A_919 {strides = array<i32>} : memref<3x48x128xf32, #tpu.memory_space<vmem>>, vector<16xf32>,
        %get3A_925 = arith.constant 0 : i32
        %get3A_926 = arith.index_cast %get3A_925 : i32 to index
        %get3A_927 = arith.index_cast %add3A_843 : i32 to index
        %get3A_928 = arith.constant 112 : index
        %get3A_929 = tpu.vector_load %arg19[%get3A_926, %get3A_927, %get3A_928] {strides = array<i32>} : memref<3x48x128xf32, #tpu.memory_space<vmem>>, vector<16xf32>,
        %mul3A_930 = arith.mulf %get3A_929, %gather3A_847 : vector<16xf32>
        %swap3A_931 = arith.constant 0 : i32
        %swap3A_932 = arith.index_cast %swap3A_931 : i32 to index
        %swap3A_933 = arith.index_cast %add3A_843 : i32 to index
        %swap3A_934 = arith.constant 112 : index
        %swap3A_935 = tpu.vector_load %arg19[%swap3A_932, %swap3A_933, %swap3A_934] {strides = array<i32>} : memref<3x48x128xf32, #tpu.memory_space<vmem>>, vector<16xf32>,
        tpu.vector_store %arg19[%swap3A_932, %swap3A_933, %swap3A_934], %mul3A_930 {strides = array<i32>} : memref<3x48x128xf32, #tpu.memory_space<vmem>>, vector<16xf32>,
      }
      %scan3A_470 = arith.constant 24 : i32
      %dma_start3A_471 = arith.constant 0 : i32
      %dma_start3A_472 = arith.constant 0 : i32
      %dma_start3A_473 = arith.constant 0 : i32
      %dma_start3A_474 = arith.constant 0 : i32
      %dma_start3A_475 = tpu.memref_slice %arg19[%dma_start3A_471, %dma_start3A_473, %dma_start3A_474] : memref<3x48x128xf32, #tpu.memory_space<vmem>> -> memref<1x48x128xf32, #tpu.memory_space<vmem>>
      %dma_start3A_476 = tpu.memref_squeeze %dma_start3A_475 : memref<1x48x128xf32, #tpu.memory_space<vmem>> -> memref<48x128xf32, #tpu.memory_space<vmem>>
      %dma_start3A_477 = arith.constant 0 : i32
      %dma_start3A_478 = tpu.memref_slice %arg17[%dma_start3A_472, %dma_start3A_477] : memref<3x48xi32, #tpu.memory_space<vmem>> -> memref<1x48xi32, #tpu.memory_space<vmem>>
      %dma_start3A_479 = tpu.memref_squeeze %dma_start3A_478 : memref<1x48xi32, #tpu.memory_space<vmem>> -> memref<48xi32, #tpu.memory_space<vmem>>
      %dma_start3A_480 = arith.constant 0 : i32
      %dma_start3A_481 = arith.constant 0 : i32
      %dma_start3A_482 = tpu.memref_slice %arg10[%dma_start3A_480, %dma_start3A_481] : memref<10112x128xf32, #tpu.memory_space<vmem_shared>> -> memref<10112x128xf32, #tpu.memory_space<vmem_shared>>
      tpu.enqueue_indirect_dma source(%dma_start3A_476 : memref<48x128xf32, #tpu.memory_space<vmem>>) target(%dma_start3A_482 : memref<10112x128xf32, #tpu.memory_space<vmem_shared>>) offsets(%dma_start3A_479 : memref<48xi32, #tpu.memory_space<vmem>>) semaphore(%arg26 : memref<!tpu.dma_semaphore, #tpu.memory_space<semaphore_mem>>) {add = true}
      %mul3A_483 = arith.constant 3 : i32
      %mul3A_484 = arith.muli %scan3A_281, %mul3A_483 : i32
      %add3A_485 = arith.constant 1 : i32
      %add3A_486 = arith.addi %mul3A_484, %add3A_485 : i32
      %ge3A_487 = arith.constant 1 : i32
      %ge3A_488 = arith.cmpi sge, %scan3A_281, %ge3A_487 : i32
      %convert_element_type3A_489 = arith.extui %ge3A_488 : i1 to i32
      %cond3A_490 = arith.constant 0 : i32
      %cond3A_491 = arith.cmpi ne, %convert_element_type3A_489, %cond3A_490 : i32
      scf.if %cond3A_491 {
        %dma_wait3A_744 = arith.constant 2 : i32
        %dma_wait3A_745 = arith.constant 2 : i32
        %dma_wait3A_746 = arith.constant 0 : i32
        %dma_wait3A_747 = arith.constant 0 : i32
        %dma_wait3A_748 = tpu.memref_slice %arg19[%dma_wait3A_744, %dma_wait3A_746, %dma_wait3A_747] : memref<3x48x128xf32, #tpu.memory_space<vmem>> -> memref<1x48x128xf32, #tpu.memory_space<vmem>>
        %dma_wait3A_749 = tpu.memref_squeeze %dma_wait3A_748 : memref<1x48x128xf32, #tpu.memory_space<vmem>> -> memref<48x128xf32, #tpu.memory_space<vmem>>
        %dma_wait3A_750 = arith.constant 0 : i32
        %dma_wait3A_751 = tpu.memref_slice %arg17[%dma_wait3A_745, %dma_wait3A_750] : memref<3x48xi32, #tpu.memory_space<vmem>> -> memref<1x48xi32, #tpu.memory_space<vmem>>
        %dma_wait3A_752 = tpu.memref_squeeze %dma_wait3A_751 : memref<1x48xi32, #tpu.memory_space<vmem>> -> memref<48xi32, #tpu.memory_space<vmem>>
        %dma_wait3A_753 = arith.constant 0 : i32
        %dma_wait3A_754 = arith.constant 0 : i32
        %dma_wait3A_755 = tpu.memref_slice %arg10[%dma_wait3A_753, %dma_wait3A_754] : memref<10112x128xf32, #tpu.memory_space<vmem_shared>> -> memref<10112x128xf32, #tpu.memory_space<vmem_shared>>
        tpu.wait_indirect_dma semaphore(%arg28 : memref<!tpu.dma_semaphore, #tpu.memory_space<semaphore_mem>>) src(%dma_wait3A_749 : memref<48x128xf32, #tpu.memory_space<vmem>>) dst(%dma_wait3A_755 : memref<10112x128xf32, #tpu.memory_space<vmem_shared>>)
      } else {
      }
      %add3A_492 = arith.constant 1 : i32
      %add3A_493 = arith.addi %add3A_486, %add3A_492 : i32
      %mul3A_494 = arith.constant 48 : i32
      %mul3A_495 = arith.muli %add3A_493, %mul3A_494 : i32
      %add3A_496 = arith.addi %mul3A_2, %mul3A_495 : i32
      %dma_wait3A_497 = arith.constant 2 : i32
      %dma_wait3A_498 = arith.constant 0 : i32
      %dma_wait3A_499 = tpu.memref_slice %arg13[%dma_wait3A_497, %dma_wait3A_498] : memref<3x48xi32, #tpu.memory_space<vmem>> -> memref<1x48xi32, #tpu.memory_space<vmem>>
      %dma_wait3A_500 = tpu.memref_squeeze %dma_wait3A_499 : memref<1x48xi32, #tpu.memory_space<vmem>> -> memref<48xi32, #tpu.memory_space<vmem>>
      %dma_wait3A_501 = tpu.memref_slice %arg5[%add3A_496] : memref<322560xi32, #tpu.memory_space<hbm>> -> memref<48xi32, #tpu.memory_space<hbm>>
      %dma_wait3A_502 = arith.constant 0 : i32
      %dma_wait3A_503 = tpu.memref_slice %arg13[%dma_wait3A_497, %dma_wait3A_502] : memref<3x48xi32, #tpu.memory_space<vmem>> -> memref<1x48xi32, #tpu.memory_space<vmem>>
      %dma_wait3A_504 = tpu.memref_squeeze %dma_wait3A_503 : memref<1x48xi32, #tpu.memory_space<vmem>> -> memref<48xi32, #tpu.memory_space<vmem>>
      %dma_wait3A_505 = tpu.memref_slice %arg5[%add3A_496] : memref<322560xi32, #tpu.memory_space<hbm>> -> memref<48xi32, #tpu.memory_space<hbm>>
      tpu.wait_dma2 semaphore(%arg22 : memref<!tpu.dma_semaphore, #tpu.memory_space<semaphore_mem>>) src(%dma_wait3A_505 : memref<48xi32, #tpu.memory_space<hbm>>) dst(%dma_wait3A_504 : memref<48xi32, #tpu.memory_space<vmem>>)
      %dma_wait3A_506 = arith.constant 2 : i32
      %dma_wait3A_507 = arith.constant 0 : i32
      %dma_wait3A_508 = tpu.memref_slice %arg14[%dma_wait3A_506, %dma_wait3A_507] : memref<3x48xi32, #tpu.memory_space<vmem>> -> memref<1x48xi32, #tpu.memory_space<vmem>>
      %dma_wait3A_509 = tpu.memref_squeeze %dma_wait3A_508 : memref<1x48xi32, #tpu.memory_space<vmem>> -> memref<48xi32, #tpu.memory_space<vmem>>
      %dma_wait3A_510 = tpu.memref_slice %arg6[%add3A_496] : memref<322560xi32, #tpu.memory_space<hbm>> -> memref<48xi32, #tpu.memory_space<hbm>>
      %dma_wait3A_511 = arith.constant 0 : i32
      %dma_wait3A_512 = tpu.memref_slice %arg14[%dma_wait3A_506, %dma_wait3A_511] : memref<3x48xi32, #tpu.memory_space<vmem>> -> memref<1x48xi32, #tpu.memory_space<vmem>>
      %dma_wait3A_513 = tpu.memref_squeeze %dma_wait3A_512 : memref<1x48xi32, #tpu.memory_space<vmem>> -> memref<48xi32, #tpu.memory_space<vmem>>
      %dma_wait3A_514 = tpu.memref_slice %arg6[%add3A_496] : memref<322560xi32, #tpu.memory_space<hbm>> -> memref<48xi32, #tpu.memory_space<hbm>>
      tpu.wait_dma2 semaphore(%arg22 : memref<!tpu.dma_semaphore, #tpu.memory_space<semaphore_mem>>) src(%dma_wait3A_514 : memref<48xi32, #tpu.memory_space<hbm>>) dst(%dma_wait3A_513 : memref<48xi32, #tpu.memory_space<vmem>>)
      %dma_wait3A_515 = arith.constant 2 : i32
      %dma_wait3A_516 = arith.constant 0 : i32
      %dma_wait3A_517 = tpu.memref_slice %arg15[%dma_wait3A_515, %dma_wait3A_516] : memref<3x48xi32, #tpu.memory_space<vmem>> -> memref<1x48xi32, #tpu.memory_space<vmem>>
      %dma_wait3A_518 = tpu.memref_squeeze %dma_wait3A_517 : memref<1x48xi32, #tpu.memory_space<vmem>> -> memref<48xi32, #tpu.memory_space<vmem>>
      %dma_wait3A_519 = tpu.memref_slice %arg7[%add3A_496] : memref<322560xi32, #tpu.memory_space<hbm>> -> memref<48xi32, #tpu.memory_space<hbm>>
      %dma_wait3A_520 = arith.constant 0 : i32
      %dma_wait3A_521 = tpu.memref_slice %arg15[%dma_wait3A_515, %dma_wait3A_520] : memref<3x48xi32, #tpu.memory_space<vmem>> -> memref<1x48xi32, #tpu.memory_space<vmem>>
      %dma_wait3A_522 = tpu.memref_squeeze %dma_wait3A_521 : memref<1x48xi32, #tpu.memory_space<vmem>> -> memref<48xi32, #tpu.memory_space<vmem>>
      %dma_wait3A_523 = tpu.memref_slice %arg7[%add3A_496] : memref<322560xi32, #tpu.memory_space<hbm>> -> memref<48xi32, #tpu.memory_space<hbm>>
      tpu.wait_dma2 semaphore(%arg22 : memref<!tpu.dma_semaphore, #tpu.memory_space<semaphore_mem>>) src(%dma_wait3A_523 : memref<48xi32, #tpu.memory_space<hbm>>) dst(%dma_wait3A_522 : memref<48xi32, #tpu.memory_space<vmem>>)
      %get3A_524 = arith.constant 2 : i32
      %get3A_525 = arith.index_cast %get3A_524 : i32 to index
      %get3A_526 = arith.constant 0 : index
      %get3A_527 = tpu.vector_load %arg13[%get3A_525, %get3A_526] {strides = array<i32>} : memref<3x48xi32, #tpu.memory_space<vmem>>, vector<16xi32>,
      %get3A_528 = arith.constant 2 : i32
      %get3A_529 = arith.index_cast %get3A_528 : i32 to index
      %get3A_530 = arith.constant 0 : index
      %get3A_531 = tpu.vector_load %arg14[%get3A_529, %get3A_530] {strides = array<i32>} : memref<3x48xi32, #tpu.memory_space<vmem>>, vector<16xi32>,
      %mul3A_532 = arith.constant 4 : i32
      %mul3A_533 = vector.broadcast %mul3A_532 : i32 to vector<16xi32>
      %mul3A_534 = arith.muli %get3A_527, %mul3A_533 : vector<16xi32>
      %get3A_535 = arith.constant 2 : i32
      %get3A_536 = arith.index_cast %get3A_535 : i32 to index
      %get3A_537 = arith.constant 0 : index
      %get3A_538 = tpu.vector_load %arg15[%get3A_536, %get3A_537] {strides = array<i32>} : memref<3x48xi32, #tpu.memory_space<vmem>>, vector<16xi32>,
      %add3A_539 = arith.addi %mul3A_534, %get3A_538 : vector<16xi32>
      %swap3A_540 = arith.constant 2 : i32
      %swap3A_541 = arith.index_cast %swap3A_540 : i32 to index
      %swap3A_542 = arith.constant 0 : index
      %swap3A_543 = tpu.vector_load %arg16[%swap3A_541, %swap3A_542] {strides = array<i32>} : memref<3x48xi32, #tpu.memory_space<vmem>>, vector<16xi32>,
      tpu.vector_store %arg16[%swap3A_541, %swap3A_542], %add3A_539 {strides = array<i32>} : memref<3x48xi32, #tpu.memory_space<vmem>>, vector<16xi32>,
      %swap3A_544 = arith.constant 2 : i32
      %swap3A_545 = arith.index_cast %swap3A_544 : i32 to index
      %swap3A_546 = arith.constant 0 : index
      %swap3A_547 = tpu.vector_load %arg17[%swap3A_545, %swap3A_546] {strides = array<i32>} : memref<3x48xi32, #tpu.memory_space<vmem>>, vector<16xi32>,
      tpu.vector_store %arg17[%swap3A_545, %swap3A_546], %get3A_531 {strides = array<i32>} : memref<3x48xi32, #tpu.memory_space<vmem>>, vector<16xi32>,
      %gather3A_548 = tpu.vector_load_idx %arg11[%get3A_527] : memref<10000xf32, #tpu.memory_space<vmem>>[vector<16xi32>], vector<16xf32>,
      %gather3A_549 = tpu.vector_load_idx %arg12[%get3A_531] : memref<10000xf32, #tpu.memory_space<vmem>>[vector<16xi32>], vector<16xf32>,
      %add3A_550 = arith.addf %gather3A_548, %gather3A_549 : vector<16xf32>
      %neg3A_551 = arith.constant 0.000000e+00 : f32
      %neg3A_552 = vector.broadcast %neg3A_551 : f32 to vector<16xf32>
      %neg3A_553 = arith.subf %neg3A_552, %add3A_550 : vector<16xf32>
      %exp3A_554 = math.exp %neg3A_553 : vector<16xf32>
      %add3A_555 = arith.constant 1.000000e+00 : f32
      %add3A_556 = vector.broadcast %add3A_555 : f32 to vector<16xf32>
      %add3A_557 = arith.addf %add3A_556, %exp3A_554 : vector<16xf32>
      %div3A_558 = arith.constant 1.000000e+00 : f32
      %div3A_559 = vector.broadcast %div3A_558 : f32 to vector<16xf32>
      %div3A_560 = arith.divf %div3A_559, %add3A_557 : vector<16xf32>
      %swap3A_561 = arith.constant 96 : index
      %swap3A_562 = tpu.vector_load %arg18[%swap3A_561] {strides = array<i32>} : memref<144xf32, #tpu.memory_space<vmem>>, vector<16xf32>,
      tpu.vector_store %arg18[%swap3A_561], %div3A_560 {strides = array<i32>} : memref<144xf32, #tpu.memory_space<vmem>>, vector<16xf32>,
      %get3A_563 = arith.constant 2 : i32
      %get3A_564 = arith.index_cast %get3A_563 : i32 to index
      %get3A_565 = arith.constant 16 : index
      %get3A_566 = tpu.vector_load %arg13[%get3A_564, %get3A_565] {strides = array<i32>} : memref<3x48xi32, #tpu.memory_space<vmem>>, vector<16xi32>,
      %get3A_567 = arith.constant 2 : i32
      %get3A_568 = arith.index_cast %get3A_567 : i32 to index
      %get3A_569 = arith.constant 16 : index
      %get3A_570 = tpu.vector_load %arg14[%get3A_568, %get3A_569] {strides = array<i32>} : memref<3x48xi32, #tpu.memory_space<vmem>>, vector<16xi32>,
      %mul3A_571 = arith.constant 4 : i32
      %mul3A_572 = vector.broadcast %mul3A_571 : i32 to vector<16xi32>
      %mul3A_573 = arith.muli %get3A_566, %mul3A_572 : vector<16xi32>
      %get3A_574 = arith.constant 2 : i32
      %get3A_575 = arith.index_cast %get3A_574 : i32 to index
      %get3A_576 = arith.constant 16 : index
      %get3A_577 = tpu.vector_load %arg15[%get3A_575, %get3A_576] {strides = array<i32>} : memref<3x48xi32, #tpu.memory_space<vmem>>, vector<16xi32>,
      %add3A_578 = arith.addi %mul3A_573, %get3A_577 : vector<16xi32>
      %swap3A_579 = arith.constant 2 : i32
      %swap3A_580 = arith.index_cast %swap3A_579 : i32 to index
      %swap3A_581 = arith.constant 16 : index
      %swap3A_582 = tpu.vector_load %arg16[%swap3A_580, %swap3A_581] {strides = array<i32>} : memref<3x48xi32, #tpu.memory_space<vmem>>, vector<16xi32>,
      tpu.vector_store %arg16[%swap3A_580, %swap3A_581], %add3A_578 {strides = array<i32>} : memref<3x48xi32, #tpu.memory_space<vmem>>, vector<16xi32>,
      %swap3A_583 = arith.constant 2 : i32
      %swap3A_584 = arith.index_cast %swap3A_583 : i32 to index
      %swap3A_585 = arith.constant 16 : index
      %swap3A_586 = tpu.vector_load %arg17[%swap3A_584, %swap3A_585] {strides = array<i32>} : memref<3x48xi32, #tpu.memory_space<vmem>>, vector<16xi32>,
      tpu.vector_store %arg17[%swap3A_584, %swap3A_585], %get3A_570 {strides = array<i32>} : memref<3x48xi32, #tpu.memory_space<vmem>>, vector<16xi32>,
      %gather3A_587 = tpu.vector_load_idx %arg11[%get3A_566] : memref<10000xf32, #tpu.memory_space<vmem>>[vector<16xi32>], vector<16xf32>,
      %gather3A_588 = tpu.vector_load_idx %arg12[%get3A_570] : memref<10000xf32, #tpu.memory_space<vmem>>[vector<16xi32>], vector<16xf32>,
      %add3A_589 = arith.addf %gather3A_587, %gather3A_588 : vector<16xf32>
      %neg3A_590 = arith.constant 0.000000e+00 : f32
      %neg3A_591 = vector.broadcast %neg3A_590 : f32 to vector<16xf32>
      %neg3A_592 = arith.subf %neg3A_591, %add3A_589 : vector<16xf32>
      %exp3A_593 = math.exp %neg3A_592 : vector<16xf32>
      %add3A_594 = arith.constant 1.000000e+00 : f32
      %add3A_595 = vector.broadcast %add3A_594 : f32 to vector<16xf32>
      %add3A_596 = arith.addf %add3A_595, %exp3A_593 : vector<16xf32>
      %div3A_597 = arith.constant 1.000000e+00 : f32
      %div3A_598 = vector.broadcast %div3A_597 : f32 to vector<16xf32>
      %div3A_599 = arith.divf %div3A_598, %add3A_596 : vector<16xf32>
      %swap3A_600 = arith.constant 112 : index
      %swap3A_601 = tpu.vector_load %arg18[%swap3A_600] {strides = array<i32>} : memref<144xf32, #tpu.memory_space<vmem>>, vector<16xf32>,
      tpu.vector_store %arg18[%swap3A_600], %div3A_599 {strides = array<i32>} : memref<144xf32, #tpu.memory_space<vmem>>, vector<16xf32>,
      %get3A_602 = arith.constant 2 : i32
      %get3A_603 = arith.index_cast %get3A_602 : i32 to index
      %get3A_604 = arith.constant 32 : index
      %get3A_605 = tpu.vector_load %arg13[%get3A_603, %get3A_604] {strides = array<i32>} : memref<3x48xi32, #tpu.memory_space<vmem>>, vector<16xi32>,
      %get3A_606 = arith.constant 2 : i32
      %get3A_607 = arith.index_cast %get3A_606 : i32 to index
      %get3A_608 = arith.constant 32 : index
      %get3A_609 = tpu.vector_load %arg14[%get3A_607, %get3A_608] {strides = array<i32>} : memref<3x48xi32, #tpu.memory_space<vmem>>, vector<16xi32>,
      %mul3A_610 = arith.constant 4 : i32
      %mul3A_611 = vector.broadcast %mul3A_610 : i32 to vector<16xi32>
      %mul3A_612 = arith.muli %get3A_605, %mul3A_611 : vector<16xi32>
      %get3A_613 = arith.constant 2 : i32
      %get3A_614 = arith.index_cast %get3A_613 : i32 to index
      %get3A_615 = arith.constant 32 : index
      %get3A_616 = tpu.vector_load %arg15[%get3A_614, %get3A_615] {strides = array<i32>} : memref<3x48xi32, #tpu.memory_space<vmem>>, vector<16xi32>,
      %add3A_617 = arith.addi %mul3A_612, %get3A_616 : vector<16xi32>
      %swap3A_618 = arith.constant 2 : i32
      %swap3A_619 = arith.index_cast %swap3A_618 : i32 to index
      %swap3A_620 = arith.constant 32 : index
      %swap3A_621 = tpu.vector_load %arg16[%swap3A_619, %swap3A_620] {strides = array<i32>} : memref<3x48xi32, #tpu.memory_space<vmem>>, vector<16xi32>,
      tpu.vector_store %arg16[%swap3A_619, %swap3A_620], %add3A_617 {strides = array<i32>} : memref<3x48xi32, #tpu.memory_space<vmem>>, vector<16xi32>,
      %swap3A_622 = arith.constant 2 : i32
      %swap3A_623 = arith.index_cast %swap3A_622 : i32 to index
      %swap3A_624 = arith.constant 32 : index
      %swap3A_625 = tpu.vector_load %arg17[%swap3A_623, %swap3A_624] {strides = array<i32>} : memref<3x48xi32, #tpu.memory_space<vmem>>, vector<16xi32>,
      tpu.vector_store %arg17[%swap3A_623, %swap3A_624], %get3A_609 {strides = array<i32>} : memref<3x48xi32, #tpu.memory_space<vmem>>, vector<16xi32>,
      %gather3A_626 = tpu.vector_load_idx %arg11[%get3A_605] : memref<10000xf32, #tpu.memory_space<vmem>>[vector<16xi32>], vector<16xf32>,
      %gather3A_627 = tpu.vector_load_idx %arg12[%get3A_609] : memref<10000xf32, #tpu.memory_space<vmem>>[vector<16xi32>], vector<16xf32>,
      %add3A_628 = arith.addf %gather3A_626, %gather3A_627 : vector<16xf32>
      %neg3A_629 = arith.constant 0.000000e+00 : f32
      %neg3A_630 = vector.broadcast %neg3A_629 : f32 to vector<16xf32>
      %neg3A_631 = arith.subf %neg3A_630, %add3A_628 : vector<16xf32>
      %exp3A_632 = math.exp %neg3A_631 : vector<16xf32>
      %add3A_633 = arith.constant 1.000000e+00 : f32
      %add3A_634 = vector.broadcast %add3A_633 : f32 to vector<16xf32>
      %add3A_635 = arith.addf %add3A_634, %exp3A_632 : vector<16xf32>
      %div3A_636 = arith.constant 1.000000e+00 : f32
      %div3A_637 = vector.broadcast %div3A_636 : f32 to vector<16xf32>
      %div3A_638 = arith.divf %div3A_637, %add3A_635 : vector<16xf32>
      %swap3A_639 = arith.constant 128 : index
      %swap3A_640 = tpu.vector_load %arg18[%swap3A_639] {strides = array<i32>} : memref<144xf32, #tpu.memory_space<vmem>>, vector<16xf32>,
      tpu.vector_store %arg18[%swap3A_639], %div3A_638 {strides = array<i32>} : memref<144xf32, #tpu.memory_space<vmem>>, vector<16xf32>,
      %dma_start3A_641 = arith.constant 2 : i32
      %dma_start3A_642 = arith.constant 2 : i32
      %dma_start3A_643 = arith.constant 0 : i32
      %dma_start3A_644 = arith.constant 0 : i32
      %dma_start3A_645 = tpu.memref_slice %arg19[%dma_start3A_642, %dma_start3A_643, %dma_start3A_644] : memref<3x48x128xf32, #tpu.memory_space<vmem>> -> memref<1x48x128xf32, #tpu.memory_space<vmem>>
      %dma_start3A_646 = tpu.memref_squeeze %dma_start3A_645 : memref<1x48x128xf32, #tpu.memory_space<vmem>> -> memref<48x128xf32, #tpu.memory_space<vmem>>
      %dma_start3A_647 = arith.constant 0 : i32
      %dma_start3A_648 = tpu.memref_slice %arg16[%dma_start3A_641, %dma_start3A_647] : memref<3x48xi32, #tpu.memory_space<vmem>> -> memref<1x48xi32, #tpu.memory_space<vmem>>
      %dma_start3A_649 = tpu.memref_squeeze %dma_start3A_648 : memref<1x48xi32, #tpu.memory_space<vmem>> -> memref<48xi32, #tpu.memory_space<vmem>>
      %dma_start3A_650 = arith.constant 0 : i32
      %dma_start3A_651 = arith.constant 0 : i32
      %dma_start3A_652 = tpu.memref_slice %arg2[%dma_start3A_650, %dma_start3A_651] : memref<40000x128xf32, #tpu.memory_space<hbm>> -> memref<40000x128xf32, #tpu.memory_space<hbm>>
      tpu.enqueue_indirect_dma source(%dma_start3A_652 : memref<40000x128xf32, #tpu.memory_space<hbm>>) target(%dma_start3A_646 : memref<48x128xf32, #tpu.memory_space<vmem>>) offsets(%dma_start3A_649 : memref<48xi32, #tpu.memory_space<vmem>>) semaphore(%arg25 : memref<!tpu.dma_semaphore, #tpu.memory_space<semaphore_mem>>)
      %lt3A_653 = arith.constant 69 : i32
      %lt3A_654 = arith.cmpi slt, %scan3A_281, %lt3A_653 : i32
      %convert_element_type3A_655 = arith.extui %lt3A_654 : i1 to i32
      %cond3A_656 = arith.constant 0 : i32
      %cond3A_657 = arith.cmpi ne, %convert_element_type3A_655, %cond3A_656 : i32
      scf.if %cond3A_657 {
        %add3A_744 = arith.constant 3 : i32
        %add3A_745 = arith.addi %add3A_486, %add3A_744 : i32
        %mul3A_746 = arith.constant 48 : i32
        %mul3A_747 = arith.muli %add3A_745, %mul3A_746 : i32
        %add3A_748 = arith.addi %mul3A_2, %mul3A_747 : i32
        %dma_start3A_749 = arith.constant 1 : i32
        %dma_start3A_750 = arith.constant 0 : i32
        %dma_start3A_751 = tpu.memref_slice %arg13[%dma_start3A_749, %dma_start3A_750] : memref<3x48xi32, #tpu.memory_space<vmem>> -> memref<1x48xi32, #tpu.memory_space<vmem>>
        %dma_start3A_752 = tpu.memref_squeeze %dma_start3A_751 : memref<1x48xi32, #tpu.memory_space<vmem>> -> memref<48xi32, #tpu.memory_space<vmem>>
        %dma_start3A_753 = tpu.memref_slice %arg5[%add3A_748] : memref<322560xi32, #tpu.memory_space<hbm>> -> memref<48xi32, #tpu.memory_space<hbm>>
        %dma_start3A_754 = arith.constant 0 : i32
        %dma_start3A_755 = tpu.memref_slice %arg13[%dma_start3A_749, %dma_start3A_754] : memref<3x48xi32, #tpu.memory_space<vmem>> -> memref<1x48xi32, #tpu.memory_space<vmem>>
        %dma_start3A_756 = tpu.memref_squeeze %dma_start3A_755 : memref<1x48xi32, #tpu.memory_space<vmem>> -> memref<48xi32, #tpu.memory_space<vmem>>
        %dma_start3A_757 = tpu.memref_slice %arg5[%add3A_748] : memref<322560xi32, #tpu.memory_space<hbm>> -> memref<48xi32, #tpu.memory_space<hbm>>
        tpu.enqueue_dma source(%dma_start3A_757 : memref<48xi32, #tpu.memory_space<hbm>>) target(%dma_start3A_756 : memref<48xi32, #tpu.memory_space<vmem>>) target_semaphore(%arg21 : memref<!tpu.dma_semaphore, #tpu.memory_space<semaphore_mem>>)
        %dma_start3A_758 = arith.constant 1 : i32
        %dma_start3A_759 = arith.constant 0 : i32
        %dma_start3A_760 = tpu.memref_slice %arg14[%dma_start3A_758, %dma_start3A_759] : memref<3x48xi32, #tpu.memory_space<vmem>> -> memref<1x48xi32, #tpu.memory_space<vmem>>
        %dma_start3A_761 = tpu.memref_squeeze %dma_start3A_760 : memref<1x48xi32, #tpu.memory_space<vmem>> -> memref<48xi32, #tpu.memory_space<vmem>>
        %dma_start3A_762 = tpu.memref_slice %arg6[%add3A_748] : memref<322560xi32, #tpu.memory_space<hbm>> -> memref<48xi32, #tpu.memory_space<hbm>>
        %dma_start3A_763 = arith.constant 0 : i32
        %dma_start3A_764 = tpu.memref_slice %arg14[%dma_start3A_758, %dma_start3A_763] : memref<3x48xi32, #tpu.memory_space<vmem>> -> memref<1x48xi32, #tpu.memory_space<vmem>>
        %dma_start3A_765 = tpu.memref_squeeze %dma_start3A_764 : memref<1x48xi32, #tpu.memory_space<vmem>> -> memref<48xi32, #tpu.memory_space<vmem>>
        %dma_start3A_766 = tpu.memref_slice %arg6[%add3A_748] : memref<322560xi32, #tpu.memory_space<hbm>> -> memref<48xi32, #tpu.memory_space<hbm>>
        tpu.enqueue_dma source(%dma_start3A_766 : memref<48xi32, #tpu.memory_space<hbm>>) target(%dma_start3A_765 : memref<48xi32, #tpu.memory_space<vmem>>) target_semaphore(%arg21 : memref<!tpu.dma_semaphore, #tpu.memory_space<semaphore_mem>>)
        %dma_start3A_767 = arith.constant 1 : i32
        %dma_start3A_768 = arith.constant 0 : i32
        %dma_start3A_769 = tpu.memref_slice %arg15[%dma_start3A_767, %dma_start3A_768] : memref<3x48xi32, #tpu.memory_space<vmem>> -> memref<1x48xi32, #tpu.memory_space<vmem>>
        %dma_start3A_770 = tpu.memref_squeeze %dma_start3A_769 : memref<1x48xi32, #tpu.memory_space<vmem>> -> memref<48xi32, #tpu.memory_space<vmem>>
        %dma_start3A_771 = tpu.memref_slice %arg7[%add3A_748] : memref<322560xi32, #tpu.memory_space<hbm>> -> memref<48xi32, #tpu.memory_space<hbm>>
        %dma_start3A_772 = arith.constant 0 : i32
        %dma_start3A_773 = tpu.memref_slice %arg15[%dma_start3A_767, %dma_start3A_772] : memref<3x48xi32, #tpu.memory_space<vmem>> -> memref<1x48xi32, #tpu.memory_space<vmem>>
        %dma_start3A_774 = tpu.memref_squeeze %dma_start3A_773 : memref<1x48xi32, #tpu.memory_space<vmem>> -> memref<48xi32, #tpu.memory_space<vmem>>
        %dma_start3A_775 = tpu.memref_slice %arg7[%add3A_748] : memref<322560xi32, #tpu.memory_space<hbm>> -> memref<48xi32, #tpu.memory_space<hbm>>
        tpu.enqueue_dma source(%dma_start3A_775 : memref<48xi32, #tpu.memory_space<hbm>>) target(%dma_start3A_774 : memref<48xi32, #tpu.memory_space<vmem>>) target_semaphore(%arg21 : memref<!tpu.dma_semaphore, #tpu.memory_space<semaphore_mem>>)
      } else {
      }
      %dma_wait3A_658 = arith.constant 1 : i32
      %dma_wait3A_659 = arith.constant 1 : i32
      %dma_wait3A_660 = arith.constant 0 : i32
      %dma_wait3A_661 = arith.constant 0 : i32
      %dma_wait3A_662 = tpu.memref_slice %arg19[%dma_wait3A_659, %dma_wait3A_660, %dma_wait3A_661] : memref<3x48x128xf32, #tpu.memory_space<vmem>> -> memref<1x48x128xf32, #tpu.memory_space<vmem>>
      %dma_wait3A_663 = tpu.memref_squeeze %dma_wait3A_662 : memref<1x48x128xf32, #tpu.memory_space<vmem>> -> memref<48x128xf32, #tpu.memory_space<vmem>>
      %dma_wait3A_664 = arith.constant 0 : i32
      %dma_wait3A_665 = tpu.memref_slice %arg16[%dma_wait3A_658, %dma_wait3A_664] : memref<3x48xi32, #tpu.memory_space<vmem>> -> memref<1x48xi32, #tpu.memory_space<vmem>>
      %dma_wait3A_666 = tpu.memref_squeeze %dma_wait3A_665 : memref<1x48xi32, #tpu.memory_space<vmem>> -> memref<48xi32, #tpu.memory_space<vmem>>
      %dma_wait3A_667 = arith.constant 0 : i32
      %dma_wait3A_668 = arith.constant 0 : i32
      %dma_wait3A_669 = tpu.memref_slice %arg2[%dma_wait3A_667, %dma_wait3A_668] : memref<40000x128xf32, #tpu.memory_space<hbm>> -> memref<40000x128xf32, #tpu.memory_space<hbm>>
      tpu.wait_indirect_dma semaphore(%arg24 : memref<!tpu.dma_semaphore, #tpu.memory_space<semaphore_mem>>) src(%dma_wait3A_669 : memref<40000x128xf32, #tpu.memory_space<hbm>>) dst(%dma_wait3A_663 : memref<48x128xf32, #tpu.memory_space<vmem>>)
      %scan3A_670 = arith.constant 0 : i32
      %scan3A_671 = arith.constant 0 : i32
      %scan3A_672 = arith.constant 24 : i32
      %scan3A_673 = arith.addi %scan3A_671, %scan3A_672 : i32
      %scan3A_674 = arith.constant 1 : i32
      scf.for %scan3A_744 = %scan3A_671 to %scan3A_673 step %scan3A_674  : i32 {
        %mul3A_745 = arith.constant 2 : i32
        %mul3A_746 = arith.muli %scan3A_744, %mul3A_745 : i32
        %add3A_747 = arith.constant 0 : i32
        %add3A_748 = arith.addi %mul3A_746, %add3A_747 : i32
        %add3A_749 = arith.constant 48 : i32
        %add3A_750 = arith.addi %add3A_749, %add3A_748 : i32
        %broadcast_in_dim3A = vector.broadcast %add3A_750 : i32 to vector<16xi32>
        %gather3A_751 = tpu.vector_load_idx %arg18[%broadcast_in_dim3A] : memref<144xf32, #tpu.memory_space<vmem>>[vector<16xi32>], vector<16xf32>,
        %get3A_752 = arith.constant 1 : i32
        %get3A_753 = arith.index_cast %get3A_752 : i32 to index
        %get3A_754 = arith.index_cast %add3A_748 : i32 to index
        %get3A_755 = arith.constant 0 : index
        %get3A_756 = tpu.vector_load %arg19[%get3A_753, %get3A_754, %get3A_755] {strides = array<i32>} : memref<3x48x128xf32, #tpu.memory_space<vmem>>, vector<16xf32>,
        %mul3A_757 = arith.mulf %get3A_756, %gather3A_751 : vector<16xf32>
        %swap3A_758 = arith.constant 1 : i32
        %swap3A_759 = arith.index_cast %swap3A_758 : i32 to index
        %swap3A_760 = arith.index_cast %add3A_748 : i32 to index
        %swap3A_761 = arith.constant 0 : index
        %swap3A_762 = tpu.vector_load %arg19[%swap3A_759, %swap3A_760, %swap3A_761] {strides = array<i32>} : memref<3x48x128xf32, #tpu.memory_space<vmem>>, vector<16xf32>,
        tpu.vector_store %arg19[%swap3A_759, %swap3A_760, %swap3A_761], %mul3A_757 {strides = array<i32>} : memref<3x48x128xf32, #tpu.memory_space<vmem>>, vector<16xf32>,
        %get3A_763 = arith.constant 1 : i32
        %get3A_764 = arith.index_cast %get3A_763 : i32 to index
        %get3A_765 = arith.index_cast %add3A_748 : i32 to index
        %get3A_766 = arith.constant 16 : index
        %get3A_767 = tpu.vector_load %arg19[%get3A_764, %get3A_765, %get3A_766] {strides = array<i32>} : memref<3x48x128xf32, #tpu.memory_space<vmem>>, vector<16xf32>,
        %mul3A_768 = arith.mulf %get3A_767, %gather3A_751 : vector<16xf32>
        %swap3A_769 = arith.constant 1 : i32
        %swap3A_770 = arith.index_cast %swap3A_769 : i32 to index
        %swap3A_771 = arith.index_cast %add3A_748 : i32 to index
        %swap3A_772 = arith.constant 16 : index
        %swap3A_773 = tpu.vector_load %arg19[%swap3A_770, %swap3A_771, %swap3A_772] {strides = array<i32>} : memref<3x48x128xf32, #tpu.memory_space<vmem>>, vector<16xf32>,
        tpu.vector_store %arg19[%swap3A_770, %swap3A_771, %swap3A_772], %mul3A_768 {strides = array<i32>} : memref<3x48x128xf32, #tpu.memory_space<vmem>>, vector<16xf32>,
        %get3A_774 = arith.constant 1 : i32
        %get3A_775 = arith.index_cast %get3A_774 : i32 to index
        %get3A_776 = arith.index_cast %add3A_748 : i32 to index
        %get3A_777 = arith.constant 32 : index
        %get3A_778 = tpu.vector_load %arg19[%get3A_775, %get3A_776, %get3A_777] {strides = array<i32>} : memref<3x48x128xf32, #tpu.memory_space<vmem>>, vector<16xf32>,
        %mul3A_779 = arith.mulf %get3A_778, %gather3A_751 : vector<16xf32>
        %swap3A_780 = arith.constant 1 : i32
        %swap3A_781 = arith.index_cast %swap3A_780 : i32 to index
        %swap3A_782 = arith.index_cast %add3A_748 : i32 to index
        %swap3A_783 = arith.constant 32 : index
        %swap3A_784 = tpu.vector_load %arg19[%swap3A_781, %swap3A_782, %swap3A_783] {strides = array<i32>} : memref<3x48x128xf32, #tpu.memory_space<vmem>>, vector<16xf32>,
        tpu.vector_store %arg19[%swap3A_781, %swap3A_782, %swap3A_783], %mul3A_779 {strides = array<i32>} : memref<3x48x128xf32, #tpu.memory_space<vmem>>, vector<16xf32>,
        %get3A_785 = arith.constant 1 : i32
        %get3A_786 = arith.index_cast %get3A_785 : i32 to index
        %get3A_787 = arith.index_cast %add3A_748 : i32 to index
        %get3A_788 = arith.constant 48 : index
        %get3A_789 = tpu.vector_load %arg19[%get3A_786, %get3A_787, %get3A_788] {strides = array<i32>} : memref<3x48x128xf32, #tpu.memory_space<vmem>>, vector<16xf32>,
        %mul3A_790 = arith.mulf %get3A_789, %gather3A_751 : vector<16xf32>
        %swap3A_791 = arith.constant 1 : i32
        %swap3A_792 = arith.index_cast %swap3A_791 : i32 to index
        %swap3A_793 = arith.index_cast %add3A_748 : i32 to index
        %swap3A_794 = arith.constant 48 : index
        %swap3A_795 = tpu.vector_load %arg19[%swap3A_792, %swap3A_793, %swap3A_794] {strides = array<i32>} : memref<3x48x128xf32, #tpu.memory_space<vmem>>, vector<16xf32>,
        tpu.vector_store %arg19[%swap3A_792, %swap3A_793, %swap3A_794], %mul3A_790 {strides = array<i32>} : memref<3x48x128xf32, #tpu.memory_space<vmem>>, vector<16xf32>,
        %get3A_796 = arith.constant 1 : i32
        %get3A_797 = arith.index_cast %get3A_796 : i32 to index
        %get3A_798 = arith.index_cast %add3A_748 : i32 to index
        %get3A_799 = arith.constant 64 : index
        %get3A_800 = tpu.vector_load %arg19[%get3A_797, %get3A_798, %get3A_799] {strides = array<i32>} : memref<3x48x128xf32, #tpu.memory_space<vmem>>, vector<16xf32>,
        %mul3A_801 = arith.mulf %get3A_800, %gather3A_751 : vector<16xf32>
        %swap3A_802 = arith.constant 1 : i32
        %swap3A_803 = arith.index_cast %swap3A_802 : i32 to index
        %swap3A_804 = arith.index_cast %add3A_748 : i32 to index
        %swap3A_805 = arith.constant 64 : index
        %swap3A_806 = tpu.vector_load %arg19[%swap3A_803, %swap3A_804, %swap3A_805] {strides = array<i32>} : memref<3x48x128xf32, #tpu.memory_space<vmem>>, vector<16xf32>,
        tpu.vector_store %arg19[%swap3A_803, %swap3A_804, %swap3A_805], %mul3A_801 {strides = array<i32>} : memref<3x48x128xf32, #tpu.memory_space<vmem>>, vector<16xf32>,
        %get3A_807 = arith.constant 1 : i32
        %get3A_808 = arith.index_cast %get3A_807 : i32 to index
        %get3A_809 = arith.index_cast %add3A_748 : i32 to index
        %get3A_810 = arith.constant 80 : index
        %get3A_811 = tpu.vector_load %arg19[%get3A_808, %get3A_809, %get3A_810] {strides = array<i32>} : memref<3x48x128xf32, #tpu.memory_space<vmem>>, vector<16xf32>,
        %mul3A_812 = arith.mulf %get3A_811, %gather3A_751 : vector<16xf32>
        %swap3A_813 = arith.constant 1 : i32
        %swap3A_814 = arith.index_cast %swap3A_813 : i32 to index
        %swap3A_815 = arith.index_cast %add3A_748 : i32 to index
        %swap3A_816 = arith.constant 80 : index
        %swap3A_817 = tpu.vector_load %arg19[%swap3A_814, %swap3A_815, %swap3A_816] {strides = array<i32>} : memref<3x48x128xf32, #tpu.memory_space<vmem>>, vector<16xf32>,
        tpu.vector_store %arg19[%swap3A_814, %swap3A_815, %swap3A_816], %mul3A_812 {strides = array<i32>} : memref<3x48x128xf32, #tpu.memory_space<vmem>>, vector<16xf32>,
        %get3A_818 = arith.constant 1 : i32
        %get3A_819 = arith.index_cast %get3A_818 : i32 to index
        %get3A_820 = arith.index_cast %add3A_748 : i32 to index
        %get3A_821 = arith.constant 96 : index
        %get3A_822 = tpu.vector_load %arg19[%get3A_819, %get3A_820, %get3A_821] {strides = array<i32>} : memref<3x48x128xf32, #tpu.memory_space<vmem>>, vector<16xf32>,
        %mul3A_823 = arith.mulf %get3A_822, %gather3A_751 : vector<16xf32>
        %swap3A_824 = arith.constant 1 : i32
        %swap3A_825 = arith.index_cast %swap3A_824 : i32 to index
        %swap3A_826 = arith.index_cast %add3A_748 : i32 to index
        %swap3A_827 = arith.constant 96 : index
        %swap3A_828 = tpu.vector_load %arg19[%swap3A_825, %swap3A_826, %swap3A_827] {strides = array<i32>} : memref<3x48x128xf32, #tpu.memory_space<vmem>>, vector<16xf32>,
        tpu.vector_store %arg19[%swap3A_825, %swap3A_826, %swap3A_827], %mul3A_823 {strides = array<i32>} : memref<3x48x128xf32, #tpu.memory_space<vmem>>, vector<16xf32>,
        %get3A_829 = arith.constant 1 : i32
        %get3A_830 = arith.index_cast %get3A_829 : i32 to index
        %get3A_831 = arith.index_cast %add3A_748 : i32 to index
        %get3A_832 = arith.constant 112 : index
        %get3A_833 = tpu.vector_load %arg19[%get3A_830, %get3A_831, %get3A_832] {strides = array<i32>} : memref<3x48x128xf32, #tpu.memory_space<vmem>>, vector<16xf32>,
        %mul3A_834 = arith.mulf %get3A_833, %gather3A_751 : vector<16xf32>
        %swap3A_835 = arith.constant 1 : i32
        %swap3A_836 = arith.index_cast %swap3A_835 : i32 to index
        %swap3A_837 = arith.index_cast %add3A_748 : i32 to index
        %swap3A_838 = arith.constant 112 : index
        %swap3A_839 = tpu.vector_load %arg19[%swap3A_836, %swap3A_837, %swap3A_838] {strides = array<i32>} : memref<3x48x128xf32, #tpu.memory_space<vmem>>, vector<16xf32>,
        tpu.vector_store %arg19[%swap3A_836, %swap3A_837, %swap3A_838], %mul3A_834 {strides = array<i32>} : memref<3x48x128xf32, #tpu.memory_space<vmem>>, vector<16xf32>,
        %mul3A_840 = arith.constant 2 : i32
        %mul3A_841 = arith.muli %scan3A_744, %mul3A_840 : i32
        %add3A_842 = arith.constant 1 : i32
        %add3A_843 = arith.addi %mul3A_841, %add3A_842 : i32
        %add3A_844 = arith.constant 48 : i32
        %add3A_845 = arith.addi %add3A_844, %add3A_843 : i32
        %broadcast_in_dim3A_846 = vector.broadcast %add3A_845 : i32 to vector<16xi32>
        %gather3A_847 = tpu.vector_load_idx %arg18[%broadcast_in_dim3A_846] : memref<144xf32, #tpu.memory_space<vmem>>[vector<16xi32>], vector<16xf32>,
        %get3A_848 = arith.constant 1 : i32
        %get3A_849 = arith.index_cast %get3A_848 : i32 to index
        %get3A_850 = arith.index_cast %add3A_843 : i32 to index
        %get3A_851 = arith.constant 0 : index
        %get3A_852 = tpu.vector_load %arg19[%get3A_849, %get3A_850, %get3A_851] {strides = array<i32>} : memref<3x48x128xf32, #tpu.memory_space<vmem>>, vector<16xf32>,
        %mul3A_853 = arith.mulf %get3A_852, %gather3A_847 : vector<16xf32>
        %swap3A_854 = arith.constant 1 : i32
        %swap3A_855 = arith.index_cast %swap3A_854 : i32 to index
        %swap3A_856 = arith.index_cast %add3A_843 : i32 to index
        %swap3A_857 = arith.constant 0 : index
        %swap3A_858 = tpu.vector_load %arg19[%swap3A_855, %swap3A_856, %swap3A_857] {strides = array<i32>} : memref<3x48x128xf32, #tpu.memory_space<vmem>>, vector<16xf32>,
        tpu.vector_store %arg19[%swap3A_855, %swap3A_856, %swap3A_857], %mul3A_853 {strides = array<i32>} : memref<3x48x128xf32, #tpu.memory_space<vmem>>, vector<16xf32>,
        %get3A_859 = arith.constant 1 : i32
        %get3A_860 = arith.index_cast %get3A_859 : i32 to index
        %get3A_861 = arith.index_cast %add3A_843 : i32 to index
        %get3A_862 = arith.constant 16 : index
        %get3A_863 = tpu.vector_load %arg19[%get3A_860, %get3A_861, %get3A_862] {strides = array<i32>} : memref<3x48x128xf32, #tpu.memory_space<vmem>>, vector<16xf32>,
        %mul3A_864 = arith.mulf %get3A_863, %gather3A_847 : vector<16xf32>
        %swap3A_865 = arith.constant 1 : i32
        %swap3A_866 = arith.index_cast %swap3A_865 : i32 to index
        %swap3A_867 = arith.index_cast %add3A_843 : i32 to index
        %swap3A_868 = arith.constant 16 : index
        %swap3A_869 = tpu.vector_load %arg19[%swap3A_866, %swap3A_867, %swap3A_868] {strides = array<i32>} : memref<3x48x128xf32, #tpu.memory_space<vmem>>, vector<16xf32>,
        tpu.vector_store %arg19[%swap3A_866, %swap3A_867, %swap3A_868], %mul3A_864 {strides = array<i32>} : memref<3x48x128xf32, #tpu.memory_space<vmem>>, vector<16xf32>,
        %get3A_870 = arith.constant 1 : i32
        %get3A_871 = arith.index_cast %get3A_870 : i32 to index
        %get3A_872 = arith.index_cast %add3A_843 : i32 to index
        %get3A_873 = arith.constant 32 : index
        %get3A_874 = tpu.vector_load %arg19[%get3A_871, %get3A_872, %get3A_873] {strides = array<i32>} : memref<3x48x128xf32, #tpu.memory_space<vmem>>, vector<16xf32>,
        %mul3A_875 = arith.mulf %get3A_874, %gather3A_847 : vector<16xf32>
        %swap3A_876 = arith.constant 1 : i32
        %swap3A_877 = arith.index_cast %swap3A_876 : i32 to index
        %swap3A_878 = arith.index_cast %add3A_843 : i32 to index
        %swap3A_879 = arith.constant 32 : index
        %swap3A_880 = tpu.vector_load %arg19[%swap3A_877, %swap3A_878, %swap3A_879] {strides = array<i32>} : memref<3x48x128xf32, #tpu.memory_space<vmem>>, vector<16xf32>,
        tpu.vector_store %arg19[%swap3A_877, %swap3A_878, %swap3A_879], %mul3A_875 {strides = array<i32>} : memref<3x48x128xf32, #tpu.memory_space<vmem>>, vector<16xf32>,
        %get3A_881 = arith.constant 1 : i32
        %get3A_882 = arith.index_cast %get3A_881 : i32 to index
        %get3A_883 = arith.index_cast %add3A_843 : i32 to index
        %get3A_884 = arith.constant 48 : index
        %get3A_885 = tpu.vector_load %arg19[%get3A_882, %get3A_883, %get3A_884] {strides = array<i32>} : memref<3x48x128xf32, #tpu.memory_space<vmem>>, vector<16xf32>,
        %mul3A_886 = arith.mulf %get3A_885, %gather3A_847 : vector<16xf32>
        %swap3A_887 = arith.constant 1 : i32
        %swap3A_888 = arith.index_cast %swap3A_887 : i32 to index
        %swap3A_889 = arith.index_cast %add3A_843 : i32 to index
        %swap3A_890 = arith.constant 48 : index
        %swap3A_891 = tpu.vector_load %arg19[%swap3A_888, %swap3A_889, %swap3A_890] {strides = array<i32>} : memref<3x48x128xf32, #tpu.memory_space<vmem>>, vector<16xf32>,
        tpu.vector_store %arg19[%swap3A_888, %swap3A_889, %swap3A_890], %mul3A_886 {strides = array<i32>} : memref<3x48x128xf32, #tpu.memory_space<vmem>>, vector<16xf32>,
        %get3A_892 = arith.constant 1 : i32
        %get3A_893 = arith.index_cast %get3A_892 : i32 to index
        %get3A_894 = arith.index_cast %add3A_843 : i32 to index
        %get3A_895 = arith.constant 64 : index
        %get3A_896 = tpu.vector_load %arg19[%get3A_893, %get3A_894, %get3A_895] {strides = array<i32>} : memref<3x48x128xf32, #tpu.memory_space<vmem>>, vector<16xf32>,
        %mul3A_897 = arith.mulf %get3A_896, %gather3A_847 : vector<16xf32>
        %swap3A_898 = arith.constant 1 : i32
        %swap3A_899 = arith.index_cast %swap3A_898 : i32 to index
        %swap3A_900 = arith.index_cast %add3A_843 : i32 to index
        %swap3A_901 = arith.constant 64 : index
        %swap3A_902 = tpu.vector_load %arg19[%swap3A_899, %swap3A_900, %swap3A_901] {strides = array<i32>} : memref<3x48x128xf32, #tpu.memory_space<vmem>>, vector<16xf32>,
        tpu.vector_store %arg19[%swap3A_899, %swap3A_900, %swap3A_901], %mul3A_897 {strides = array<i32>} : memref<3x48x128xf32, #tpu.memory_space<vmem>>, vector<16xf32>,
        %get3A_903 = arith.constant 1 : i32
        %get3A_904 = arith.index_cast %get3A_903 : i32 to index
        %get3A_905 = arith.index_cast %add3A_843 : i32 to index
        %get3A_906 = arith.constant 80 : index
        %get3A_907 = tpu.vector_load %arg19[%get3A_904, %get3A_905, %get3A_906] {strides = array<i32>} : memref<3x48x128xf32, #tpu.memory_space<vmem>>, vector<16xf32>,
        %mul3A_908 = arith.mulf %get3A_907, %gather3A_847 : vector<16xf32>
        %swap3A_909 = arith.constant 1 : i32
        %swap3A_910 = arith.index_cast %swap3A_909 : i32 to index
        %swap3A_911 = arith.index_cast %add3A_843 : i32 to index
        %swap3A_912 = arith.constant 80 : index
        %swap3A_913 = tpu.vector_load %arg19[%swap3A_910, %swap3A_911, %swap3A_912] {strides = array<i32>} : memref<3x48x128xf32, #tpu.memory_space<vmem>>, vector<16xf32>,
        tpu.vector_store %arg19[%swap3A_910, %swap3A_911, %swap3A_912], %mul3A_908 {strides = array<i32>} : memref<3x48x128xf32, #tpu.memory_space<vmem>>, vector<16xf32>,
        %get3A_914 = arith.constant 1 : i32
        %get3A_915 = arith.index_cast %get3A_914 : i32 to index
        %get3A_916 = arith.index_cast %add3A_843 : i32 to index
        %get3A_917 = arith.constant 96 : index
        %get3A_918 = tpu.vector_load %arg19[%get3A_915, %get3A_916, %get3A_917] {strides = array<i32>} : memref<3x48x128xf32, #tpu.memory_space<vmem>>, vector<16xf32>,
        %mul3A_919 = arith.mulf %get3A_918, %gather3A_847 : vector<16xf32>
        %swap3A_920 = arith.constant 1 : i32
        %swap3A_921 = arith.index_cast %swap3A_920 : i32 to index
        %swap3A_922 = arith.index_cast %add3A_843 : i32 to index
        %swap3A_923 = arith.constant 96 : index
        %swap3A_924 = tpu.vector_load %arg19[%swap3A_921, %swap3A_922, %swap3A_923] {strides = array<i32>} : memref<3x48x128xf32, #tpu.memory_space<vmem>>, vector<16xf32>,
        tpu.vector_store %arg19[%swap3A_921, %swap3A_922, %swap3A_923], %mul3A_919 {strides = array<i32>} : memref<3x48x128xf32, #tpu.memory_space<vmem>>, vector<16xf32>,
        %get3A_925 = arith.constant 1 : i32
        %get3A_926 = arith.index_cast %get3A_925 : i32 to index
        %get3A_927 = arith.index_cast %add3A_843 : i32 to index
        %get3A_928 = arith.constant 112 : index
        %get3A_929 = tpu.vector_load %arg19[%get3A_926, %get3A_927, %get3A_928] {strides = array<i32>} : memref<3x48x128xf32, #tpu.memory_space<vmem>>, vector<16xf32>,
        %mul3A_930 = arith.mulf %get3A_929, %gather3A_847 : vector<16xf32>
        %swap3A_931 = arith.constant 1 : i32
        %swap3A_932 = arith.index_cast %swap3A_931 : i32 to index
        %swap3A_933 = arith.index_cast %add3A_843 : i32 to index
        %swap3A_934 = arith.constant 112 : index
        %swap3A_935 = tpu.vector_load %arg19[%swap3A_932, %swap3A_933, %swap3A_934] {strides = array<i32>} : memref<3x48x128xf32, #tpu.memory_space<vmem>>, vector<16xf32>,
        tpu.vector_store %arg19[%swap3A_932, %swap3A_933, %swap3A_934], %mul3A_930 {strides = array<i32>} : memref<3x48x128xf32, #tpu.memory_space<vmem>>, vector<16xf32>,
      }
      %scan3A_675 = arith.constant 24 : i32
      %dma_start3A_676 = arith.constant 1 : i32
      %dma_start3A_677 = arith.constant 1 : i32
      %dma_start3A_678 = arith.constant 0 : i32
      %dma_start3A_679 = arith.constant 0 : i32
      %dma_start3A_680 = tpu.memref_slice %arg19[%dma_start3A_676, %dma_start3A_678, %dma_start3A_679] : memref<3x48x128xf32, #tpu.memory_space<vmem>> -> memref<1x48x128xf32, #tpu.memory_space<vmem>>
      %dma_start3A_681 = tpu.memref_squeeze %dma_start3A_680 : memref<1x48x128xf32, #tpu.memory_space<vmem>> -> memref<48x128xf32, #tpu.memory_space<vmem>>
      %dma_start3A_682 = arith.constant 0 : i32
      %dma_start3A_683 = tpu.memref_slice %arg17[%dma_start3A_677, %dma_start3A_682] : memref<3x48xi32, #tpu.memory_space<vmem>> -> memref<1x48xi32, #tpu.memory_space<vmem>>
      %dma_start3A_684 = tpu.memref_squeeze %dma_start3A_683 : memref<1x48xi32, #tpu.memory_space<vmem>> -> memref<48xi32, #tpu.memory_space<vmem>>
      %dma_start3A_685 = arith.constant 0 : i32
      %dma_start3A_686 = arith.constant 0 : i32
      %dma_start3A_687 = tpu.memref_slice %arg10[%dma_start3A_685, %dma_start3A_686] : memref<10112x128xf32, #tpu.memory_space<vmem_shared>> -> memref<10112x128xf32, #tpu.memory_space<vmem_shared>>
      tpu.enqueue_indirect_dma source(%dma_start3A_681 : memref<48x128xf32, #tpu.memory_space<vmem>>) target(%dma_start3A_687 : memref<10112x128xf32, #tpu.memory_space<vmem_shared>>) offsets(%dma_start3A_684 : memref<48xi32, #tpu.memory_space<vmem>>) semaphore(%arg27 : memref<!tpu.dma_semaphore, #tpu.memory_space<semaphore_mem>>) {add = true}
      %mul3A_688 = arith.constant 3 : i32
      %mul3A_689 = arith.muli %scan3A_281, %mul3A_688 : i32
      %add3A_690 = arith.constant 2 : i32
      %add3A_691 = arith.addi %mul3A_689, %add3A_690 : i32
      %dma_wait3A_692 = arith.constant 0 : i32
      %dma_wait3A_693 = arith.constant 0 : i32
      %dma_wait3A_694 = arith.constant 0 : i32
      %dma_wait3A_695 = arith.constant 0 : i32
      %dma_wait3A_696 = tpu.memref_slice %arg19[%dma_wait3A_692, %dma_wait3A_694, %dma_wait3A_695] : memref<3x48x128xf32, #tpu.memory_space<vmem>> -> memref<1x48x128xf32, #tpu.memory_space<vmem>>
      %dma_wait3A_697 = tpu.memref_squeeze %dma_wait3A_696 : memref<1x48x128xf32, #tpu.memory_space<vmem>> -> memref<48x128xf32, #tpu.memory_space<vmem>>
      %dma_wait3A_698 = arith.constant 0 : i32
      %dma_wait3A_699 = tpu.memref_slice %arg17[%dma_wait3A_693, %dma_wait3A_698] : memref<3x48xi32, #tpu.memory_space<vmem>> -> memref<1x48xi32, #tpu.memory_space<vmem>>
      %dma_wait3A_700 = tpu.memref_squeeze %dma_wait3A_699 : memref<1x48xi32, #tpu.memory_space<vmem>> -> memref<48xi32, #tpu.memory_space<vmem>>
      %dma_wait3A_701 = arith.constant 0 : i32
      %dma_wait3A_702 = arith.constant 0 : i32
      %dma_wait3A_703 = tpu.memref_slice %arg10[%dma_wait3A_701, %dma_wait3A_702] : memref<10112x128xf32, #tpu.memory_space<vmem_shared>> -> memref<10112x128xf32, #tpu.memory_space<vmem_shared>>
      tpu.wait_indirect_dma semaphore(%arg26 : memref<!tpu.dma_semaphore, #tpu.memory_space<semaphore_mem>>) src(%dma_wait3A_697 : memref<48x128xf32, #tpu.memory_space<vmem>>) dst(%dma_wait3A_703 : memref<10112x128xf32, #tpu.memory_space<vmem_shared>>)
      %lt3A_704 = arith.constant 69 : i32
      %lt3A_705 = arith.cmpi slt, %scan3A_281, %lt3A_704 : i32
      %convert_element_type3A_706 = arith.extui %lt3A_705 : i1 to i32
      %cond3A_707 = arith.constant 0 : i32
      %cond3A_708 = arith.cmpi ne, %convert_element_type3A_706, %cond3A_707 : i32
      scf.if %cond3A_708 {
        %add3A_744 = arith.constant 1 : i32
        %add3A_745 = arith.addi %add3A_691, %add3A_744 : i32
        %mul3A_746 = arith.constant 48 : i32
        %mul3A_747 = arith.muli %add3A_745, %mul3A_746 : i32
        %add3A_748 = arith.addi %mul3A_2, %mul3A_747 : i32
        %dma_wait3A_749 = arith.constant 0 : i32
        %dma_wait3A_750 = arith.constant 0 : i32
        %dma_wait3A_751 = tpu.memref_slice %arg13[%dma_wait3A_749, %dma_wait3A_750] : memref<3x48xi32, #tpu.memory_space<vmem>> -> memref<1x48xi32, #tpu.memory_space<vmem>>
        %dma_wait3A_752 = tpu.memref_squeeze %dma_wait3A_751 : memref<1x48xi32, #tpu.memory_space<vmem>> -> memref<48xi32, #tpu.memory_space<vmem>>
        %dma_wait3A_753 = tpu.memref_slice %arg5[%add3A_748] : memref<322560xi32, #tpu.memory_space<hbm>> -> memref<48xi32, #tpu.memory_space<hbm>>
        %dma_wait3A_754 = arith.constant 0 : i32
        %dma_wait3A_755 = tpu.memref_slice %arg13[%dma_wait3A_749, %dma_wait3A_754] : memref<3x48xi32, #tpu.memory_space<vmem>> -> memref<1x48xi32, #tpu.memory_space<vmem>>
        %dma_wait3A_756 = tpu.memref_squeeze %dma_wait3A_755 : memref<1x48xi32, #tpu.memory_space<vmem>> -> memref<48xi32, #tpu.memory_space<vmem>>
        %dma_wait3A_757 = tpu.memref_slice %arg5[%add3A_748] : memref<322560xi32, #tpu.memory_space<hbm>> -> memref<48xi32, #tpu.memory_space<hbm>>
        tpu.wait_dma2 semaphore(%arg20 : memref<!tpu.dma_semaphore, #tpu.memory_space<semaphore_mem>>) src(%dma_wait3A_757 : memref<48xi32, #tpu.memory_space<hbm>>) dst(%dma_wait3A_756 : memref<48xi32, #tpu.memory_space<vmem>>)
        %dma_wait3A_758 = arith.constant 0 : i32
        %dma_wait3A_759 = arith.constant 0 : i32
        %dma_wait3A_760 = tpu.memref_slice %arg14[%dma_wait3A_758, %dma_wait3A_759] : memref<3x48xi32, #tpu.memory_space<vmem>> -> memref<1x48xi32, #tpu.memory_space<vmem>>
        %dma_wait3A_761 = tpu.memref_squeeze %dma_wait3A_760 : memref<1x48xi32, #tpu.memory_space<vmem>> -> memref<48xi32, #tpu.memory_space<vmem>>
        %dma_wait3A_762 = tpu.memref_slice %arg6[%add3A_748] : memref<322560xi32, #tpu.memory_space<hbm>> -> memref<48xi32, #tpu.memory_space<hbm>>
        %dma_wait3A_763 = arith.constant 0 : i32
        %dma_wait3A_764 = tpu.memref_slice %arg14[%dma_wait3A_758, %dma_wait3A_763] : memref<3x48xi32, #tpu.memory_space<vmem>> -> memref<1x48xi32, #tpu.memory_space<vmem>>
        %dma_wait3A_765 = tpu.memref_squeeze %dma_wait3A_764 : memref<1x48xi32, #tpu.memory_space<vmem>> -> memref<48xi32, #tpu.memory_space<vmem>>
        %dma_wait3A_766 = tpu.memref_slice %arg6[%add3A_748] : memref<322560xi32, #tpu.memory_space<hbm>> -> memref<48xi32, #tpu.memory_space<hbm>>
        tpu.wait_dma2 semaphore(%arg20 : memref<!tpu.dma_semaphore, #tpu.memory_space<semaphore_mem>>) src(%dma_wait3A_766 : memref<48xi32, #tpu.memory_space<hbm>>) dst(%dma_wait3A_765 : memref<48xi32, #tpu.memory_space<vmem>>)
        %dma_wait3A_767 = arith.constant 0 : i32
        %dma_wait3A_768 = arith.constant 0 : i32
        %dma_wait3A_769 = tpu.memref_slice %arg15[%dma_wait3A_767, %dma_wait3A_768] : memref<3x48xi32, #tpu.memory_space<vmem>> -> memref<1x48xi32, #tpu.memory_space<vmem>>
        %dma_wait3A_770 = tpu.memref_squeeze %dma_wait3A_769 : memref<1x48xi32, #tpu.memory_space<vmem>> -> memref<48xi32, #tpu.memory_space<vmem>>
        %dma_wait3A_771 = tpu.memref_slice %arg7[%add3A_748] : memref<322560xi32, #tpu.memory_space<hbm>> -> memref<48xi32, #tpu.memory_space<hbm>>
        %dma_wait3A_772 = arith.constant 0 : i32
        %dma_wait3A_773 = tpu.memref_slice %arg15[%dma_wait3A_767, %dma_wait3A_772] : memref<3x48xi32, #tpu.memory_space<vmem>> -> memref<1x48xi32, #tpu.memory_space<vmem>>
        %dma_wait3A_774 = tpu.memref_squeeze %dma_wait3A_773 : memref<1x48xi32, #tpu.memory_space<vmem>> -> memref<48xi32, #tpu.memory_space<vmem>>
        %dma_wait3A_775 = tpu.memref_slice %arg7[%add3A_748] : memref<322560xi32, #tpu.memory_space<hbm>> -> memref<48xi32, #tpu.memory_space<hbm>>
        tpu.wait_dma2 semaphore(%arg20 : memref<!tpu.dma_semaphore, #tpu.memory_space<semaphore_mem>>) src(%dma_wait3A_775 : memref<48xi32, #tpu.memory_space<hbm>>) dst(%dma_wait3A_774 : memref<48xi32, #tpu.memory_space<vmem>>)
        %get3A_776 = arith.constant 0 : i32
        %get3A_777 = arith.index_cast %get3A_776 : i32 to index
        %get3A_778 = arith.constant 0 : index
        %get3A_779 = tpu.vector_load %arg13[%get3A_777, %get3A_778] {strides = array<i32>} : memref<3x48xi32, #tpu.memory_space<vmem>>, vector<16xi32>,
        %get3A_780 = arith.constant 0 : i32
        %get3A_781 = arith.index_cast %get3A_780 : i32 to index
        %get3A_782 = arith.constant 0 : index
        %get3A_783 = tpu.vector_load %arg14[%get3A_781, %get3A_782] {strides = array<i32>} : memref<3x48xi32, #tpu.memory_space<vmem>>, vector<16xi32>,
        %mul3A_784 = arith.constant 4 : i32
        %mul3A_785 = vector.broadcast %mul3A_784 : i32 to vector<16xi32>
        %mul3A_786 = arith.muli %get3A_779, %mul3A_785 : vector<16xi32>
        %get3A_787 = arith.constant 0 : i32
        %get3A_788 = arith.index_cast %get3A_787 : i32 to index
        %get3A_789 = arith.constant 0 : index
        %get3A_790 = tpu.vector_load %arg15[%get3A_788, %get3A_789] {strides = array<i32>} : memref<3x48xi32, #tpu.memory_space<vmem>>, vector<16xi32>,
        %add3A_791 = arith.addi %mul3A_786, %get3A_790 : vector<16xi32>
        %swap3A_792 = arith.constant 0 : i32
        %swap3A_793 = arith.index_cast %swap3A_792 : i32 to index
        %swap3A_794 = arith.constant 0 : index
        %swap3A_795 = tpu.vector_load %arg16[%swap3A_793, %swap3A_794] {strides = array<i32>} : memref<3x48xi32, #tpu.memory_space<vmem>>, vector<16xi32>,
        tpu.vector_store %arg16[%swap3A_793, %swap3A_794], %add3A_791 {strides = array<i32>} : memref<3x48xi32, #tpu.memory_space<vmem>>, vector<16xi32>,
        %swap3A_796 = arith.constant 0 : i32
        %swap3A_797 = arith.index_cast %swap3A_796 : i32 to index
        %swap3A_798 = arith.constant 0 : index
        %swap3A_799 = tpu.vector_load %arg17[%swap3A_797, %swap3A_798] {strides = array<i32>} : memref<3x48xi32, #tpu.memory_space<vmem>>, vector<16xi32>,
        tpu.vector_store %arg17[%swap3A_797, %swap3A_798], %get3A_783 {strides = array<i32>} : memref<3x48xi32, #tpu.memory_space<vmem>>, vector<16xi32>,
        %gather3A_800 = tpu.vector_load_idx %arg11[%get3A_779] : memref<10000xf32, #tpu.memory_space<vmem>>[vector<16xi32>], vector<16xf32>,
        %gather3A_801 = tpu.vector_load_idx %arg12[%get3A_783] : memref<10000xf32, #tpu.memory_space<vmem>>[vector<16xi32>], vector<16xf32>,
        %add3A_802 = arith.addf %gather3A_800, %gather3A_801 : vector<16xf32>
        %neg3A_803 = arith.constant 0.000000e+00 : f32
        %neg3A_804 = vector.broadcast %neg3A_803 : f32 to vector<16xf32>
        %neg3A_805 = arith.subf %neg3A_804, %add3A_802 : vector<16xf32>
        %exp3A_806 = math.exp %neg3A_805 : vector<16xf32>
        %add3A_807 = arith.constant 1.000000e+00 : f32
        %add3A_808 = vector.broadcast %add3A_807 : f32 to vector<16xf32>
        %add3A_809 = arith.addf %add3A_808, %exp3A_806 : vector<16xf32>
        %div3A_810 = arith.constant 1.000000e+00 : f32
        %div3A_811 = vector.broadcast %div3A_810 : f32 to vector<16xf32>
        %div3A_812 = arith.divf %div3A_811, %add3A_809 : vector<16xf32>
        %swap3A_813 = arith.constant 0 : index
        %swap3A_814 = tpu.vector_load %arg18[%swap3A_813] {strides = array<i32>} : memref<144xf32, #tpu.memory_space<vmem>>, vector<16xf32>,
        tpu.vector_store %arg18[%swap3A_813], %div3A_812 {strides = array<i32>} : memref<144xf32, #tpu.memory_space<vmem>>, vector<16xf32>,
        %get3A_815 = arith.constant 0 : i32
        %get3A_816 = arith.index_cast %get3A_815 : i32 to index
        %get3A_817 = arith.constant 16 : index
        %get3A_818 = tpu.vector_load %arg13[%get3A_816, %get3A_817] {strides = array<i32>} : memref<3x48xi32, #tpu.memory_space<vmem>>, vector<16xi32>,
        %get3A_819 = arith.constant 0 : i32
        %get3A_820 = arith.index_cast %get3A_819 : i32 to index
        %get3A_821 = arith.constant 16 : index
        %get3A_822 = tpu.vector_load %arg14[%get3A_820, %get3A_821] {strides = array<i32>} : memref<3x48xi32, #tpu.memory_space<vmem>>, vector<16xi32>,
        %mul3A_823 = arith.constant 4 : i32
        %mul3A_824 = vector.broadcast %mul3A_823 : i32 to vector<16xi32>
        %mul3A_825 = arith.muli %get3A_818, %mul3A_824 : vector<16xi32>
        %get3A_826 = arith.constant 0 : i32
        %get3A_827 = arith.index_cast %get3A_826 : i32 to index
        %get3A_828 = arith.constant 16 : index
        %get3A_829 = tpu.vector_load %arg15[%get3A_827, %get3A_828] {strides = array<i32>} : memref<3x48xi32, #tpu.memory_space<vmem>>, vector<16xi32>,
        %add3A_830 = arith.addi %mul3A_825, %get3A_829 : vector<16xi32>
        %swap3A_831 = arith.constant 0 : i32
        %swap3A_832 = arith.index_cast %swap3A_831 : i32 to index
        %swap3A_833 = arith.constant 16 : index
        %swap3A_834 = tpu.vector_load %arg16[%swap3A_832, %swap3A_833] {strides = array<i32>} : memref<3x48xi32, #tpu.memory_space<vmem>>, vector<16xi32>,
        tpu.vector_store %arg16[%swap3A_832, %swap3A_833], %add3A_830 {strides = array<i32>} : memref<3x48xi32, #tpu.memory_space<vmem>>, vector<16xi32>,
        %swap3A_835 = arith.constant 0 : i32
        %swap3A_836 = arith.index_cast %swap3A_835 : i32 to index
        %swap3A_837 = arith.constant 16 : index
        %swap3A_838 = tpu.vector_load %arg17[%swap3A_836, %swap3A_837] {strides = array<i32>} : memref<3x48xi32, #tpu.memory_space<vmem>>, vector<16xi32>,
        tpu.vector_store %arg17[%swap3A_836, %swap3A_837], %get3A_822 {strides = array<i32>} : memref<3x48xi32, #tpu.memory_space<vmem>>, vector<16xi32>,
        %gather3A_839 = tpu.vector_load_idx %arg11[%get3A_818] : memref<10000xf32, #tpu.memory_space<vmem>>[vector<16xi32>], vector<16xf32>,
        %gather3A_840 = tpu.vector_load_idx %arg12[%get3A_822] : memref<10000xf32, #tpu.memory_space<vmem>>[vector<16xi32>], vector<16xf32>,
        %add3A_841 = arith.addf %gather3A_839, %gather3A_840 : vector<16xf32>
        %neg3A_842 = arith.constant 0.000000e+00 : f32
        %neg3A_843 = vector.broadcast %neg3A_842 : f32 to vector<16xf32>
        %neg3A_844 = arith.subf %neg3A_843, %add3A_841 : vector<16xf32>
        %exp3A_845 = math.exp %neg3A_844 : vector<16xf32>
        %add3A_846 = arith.constant 1.000000e+00 : f32
        %add3A_847 = vector.broadcast %add3A_846 : f32 to vector<16xf32>
        %add3A_848 = arith.addf %add3A_847, %exp3A_845 : vector<16xf32>
        %div3A_849 = arith.constant 1.000000e+00 : f32
        %div3A_850 = vector.broadcast %div3A_849 : f32 to vector<16xf32>
        %div3A_851 = arith.divf %div3A_850, %add3A_848 : vector<16xf32>
        %swap3A_852 = arith.constant 16 : index
        %swap3A_853 = tpu.vector_load %arg18[%swap3A_852] {strides = array<i32>} : memref<144xf32, #tpu.memory_space<vmem>>, vector<16xf32>,
        tpu.vector_store %arg18[%swap3A_852], %div3A_851 {strides = array<i32>} : memref<144xf32, #tpu.memory_space<vmem>>, vector<16xf32>,
        %get3A_854 = arith.constant 0 : i32
        %get3A_855 = arith.index_cast %get3A_854 : i32 to index
        %get3A_856 = arith.constant 32 : index
        %get3A_857 = tpu.vector_load %arg13[%get3A_855, %get3A_856] {strides = array<i32>} : memref<3x48xi32, #tpu.memory_space<vmem>>, vector<16xi32>,
        %get3A_858 = arith.constant 0 : i32
        %get3A_859 = arith.index_cast %get3A_858 : i32 to index
        %get3A_860 = arith.constant 32 : index
        %get3A_861 = tpu.vector_load %arg14[%get3A_859, %get3A_860] {strides = array<i32>} : memref<3x48xi32, #tpu.memory_space<vmem>>, vector<16xi32>,
        %mul3A_862 = arith.constant 4 : i32
        %mul3A_863 = vector.broadcast %mul3A_862 : i32 to vector<16xi32>
        %mul3A_864 = arith.muli %get3A_857, %mul3A_863 : vector<16xi32>
        %get3A_865 = arith.constant 0 : i32
        %get3A_866 = arith.index_cast %get3A_865 : i32 to index
        %get3A_867 = arith.constant 32 : index
        %get3A_868 = tpu.vector_load %arg15[%get3A_866, %get3A_867] {strides = array<i32>} : memref<3x48xi32, #tpu.memory_space<vmem>>, vector<16xi32>,
        %add3A_869 = arith.addi %mul3A_864, %get3A_868 : vector<16xi32>
        %swap3A_870 = arith.constant 0 : i32
        %swap3A_871 = arith.index_cast %swap3A_870 : i32 to index
        %swap3A_872 = arith.constant 32 : index
        %swap3A_873 = tpu.vector_load %arg16[%swap3A_871, %swap3A_872] {strides = array<i32>} : memref<3x48xi32, #tpu.memory_space<vmem>>, vector<16xi32>,
        tpu.vector_store %arg16[%swap3A_871, %swap3A_872], %add3A_869 {strides = array<i32>} : memref<3x48xi32, #tpu.memory_space<vmem>>, vector<16xi32>,
        %swap3A_874 = arith.constant 0 : i32
        %swap3A_875 = arith.index_cast %swap3A_874 : i32 to index
        %swap3A_876 = arith.constant 32 : index
        %swap3A_877 = tpu.vector_load %arg17[%swap3A_875, %swap3A_876] {strides = array<i32>} : memref<3x48xi32, #tpu.memory_space<vmem>>, vector<16xi32>,
        tpu.vector_store %arg17[%swap3A_875, %swap3A_876], %get3A_861 {strides = array<i32>} : memref<3x48xi32, #tpu.memory_space<vmem>>, vector<16xi32>,
        %gather3A_878 = tpu.vector_load_idx %arg11[%get3A_857] : memref<10000xf32, #tpu.memory_space<vmem>>[vector<16xi32>], vector<16xf32>,
        %gather3A_879 = tpu.vector_load_idx %arg12[%get3A_861] : memref<10000xf32, #tpu.memory_space<vmem>>[vector<16xi32>], vector<16xf32>,
        %add3A_880 = arith.addf %gather3A_878, %gather3A_879 : vector<16xf32>
        %neg3A_881 = arith.constant 0.000000e+00 : f32
        %neg3A_882 = vector.broadcast %neg3A_881 : f32 to vector<16xf32>
        %neg3A_883 = arith.subf %neg3A_882, %add3A_880 : vector<16xf32>
        %exp3A_884 = math.exp %neg3A_883 : vector<16xf32>
        %add3A_885 = arith.constant 1.000000e+00 : f32
        %add3A_886 = vector.broadcast %add3A_885 : f32 to vector<16xf32>
        %add3A_887 = arith.addf %add3A_886, %exp3A_884 : vector<16xf32>
        %div3A_888 = arith.constant 1.000000e+00 : f32
        %div3A_889 = vector.broadcast %div3A_888 : f32 to vector<16xf32>
        %div3A_890 = arith.divf %div3A_889, %add3A_887 : vector<16xf32>
        %swap3A_891 = arith.constant 32 : index
        %swap3A_892 = tpu.vector_load %arg18[%swap3A_891] {strides = array<i32>} : memref<144xf32, #tpu.memory_space<vmem>>, vector<16xf32>,
        tpu.vector_store %arg18[%swap3A_891], %div3A_890 {strides = array<i32>} : memref<144xf32, #tpu.memory_space<vmem>>, vector<16xf32>,
        %dma_start3A_893 = arith.constant 0 : i32
        %dma_start3A_894 = arith.constant 0 : i32
        %dma_start3A_895 = arith.constant 0 : i32
        %dma_start3A_896 = arith.constant 0 : i32
        %dma_start3A_897 = tpu.memref_slice %arg19[%dma_start3A_894, %dma_start3A_895, %dma_start3A_896] : memref<3x48x128xf32, #tpu.memory_space<vmem>> -> memref<1x48x128xf32, #tpu.memory_space<vmem>>
        %dma_start3A_898 = tpu.memref_squeeze %dma_start3A_897 : memref<1x48x128xf32, #tpu.memory_space<vmem>> -> memref<48x128xf32, #tpu.memory_space<vmem>>
        %dma_start3A_899 = arith.constant 0 : i32
        %dma_start3A_900 = tpu.memref_slice %arg16[%dma_start3A_893, %dma_start3A_899] : memref<3x48xi32, #tpu.memory_space<vmem>> -> memref<1x48xi32, #tpu.memory_space<vmem>>
        %dma_start3A_901 = tpu.memref_squeeze %dma_start3A_900 : memref<1x48xi32, #tpu.memory_space<vmem>> -> memref<48xi32, #tpu.memory_space<vmem>>
        %dma_start3A_902 = arith.constant 0 : i32
        %dma_start3A_903 = arith.constant 0 : i32
        %dma_start3A_904 = tpu.memref_slice %arg2[%dma_start3A_902, %dma_start3A_903] : memref<40000x128xf32, #tpu.memory_space<hbm>> -> memref<40000x128xf32, #tpu.memory_space<hbm>>
        tpu.enqueue_indirect_dma source(%dma_start3A_904 : memref<40000x128xf32, #tpu.memory_space<hbm>>) target(%dma_start3A_898 : memref<48x128xf32, #tpu.memory_space<vmem>>) offsets(%dma_start3A_901 : memref<48xi32, #tpu.memory_space<vmem>>) semaphore(%arg23 : memref<!tpu.dma_semaphore, #tpu.memory_space<semaphore_mem>>)
      } else {
      }
      %lt3A_709 = arith.constant 69 : i32
      %lt3A_710 = arith.cmpi slt, %scan3A_281, %lt3A_709 : i32
      %convert_element_type3A_711 = arith.extui %lt3A_710 : i1 to i32
      %cond3A_712 = arith.constant 0 : i32
      %cond3A_713 = arith.cmpi ne, %convert_element_type3A_711, %cond3A_712 : i32
      scf.if %cond3A_713 {
        %add3A_744 = arith.constant 3 : i32
        %add3A_745 = arith.addi %add3A_691, %add3A_744 : i32
        %mul3A_746 = arith.constant 48 : i32
        %mul3A_747 = arith.muli %add3A_745, %mul3A_746 : i32
        %add3A_748 = arith.addi %mul3A_2, %mul3A_747 : i32
        %dma_start3A_749 = arith.constant 2 : i32
        %dma_start3A_750 = arith.constant 0 : i32
        %dma_start3A_751 = tpu.memref_slice %arg13[%dma_start3A_749, %dma_start3A_750] : memref<3x48xi32, #tpu.memory_space<vmem>> -> memref<1x48xi32, #tpu.memory_space<vmem>>
        %dma_start3A_752 = tpu.memref_squeeze %dma_start3A_751 : memref<1x48xi32, #tpu.memory_space<vmem>> -> memref<48xi32, #tpu.memory_space<vmem>>
        %dma_start3A_753 = tpu.memref_slice %arg5[%add3A_748] : memref<322560xi32, #tpu.memory_space<hbm>> -> memref<48xi32, #tpu.memory_space<hbm>>
        %dma_start3A_754 = arith.constant 0 : i32
        %dma_start3A_755 = tpu.memref_slice %arg13[%dma_start3A_749, %dma_start3A_754] : memref<3x48xi32, #tpu.memory_space<vmem>> -> memref<1x48xi32, #tpu.memory_space<vmem>>
        %dma_start3A_756 = tpu.memref_squeeze %dma_start3A_755 : memref<1x48xi32, #tpu.memory_space<vmem>> -> memref<48xi32, #tpu.memory_space<vmem>>
        %dma_start3A_757 = tpu.memref_slice %arg5[%add3A_748] : memref<322560xi32, #tpu.memory_space<hbm>> -> memref<48xi32, #tpu.memory_space<hbm>>
        tpu.enqueue_dma source(%dma_start3A_757 : memref<48xi32, #tpu.memory_space<hbm>>) target(%dma_start3A_756 : memref<48xi32, #tpu.memory_space<vmem>>) target_semaphore(%arg22 : memref<!tpu.dma_semaphore, #tpu.memory_space<semaphore_mem>>)
        %dma_start3A_758 = arith.constant 2 : i32
        %dma_start3A_759 = arith.constant 0 : i32
        %dma_start3A_760 = tpu.memref_slice %arg14[%dma_start3A_758, %dma_start3A_759] : memref<3x48xi32, #tpu.memory_space<vmem>> -> memref<1x48xi32, #tpu.memory_space<vmem>>
        %dma_start3A_761 = tpu.memref_squeeze %dma_start3A_760 : memref<1x48xi32, #tpu.memory_space<vmem>> -> memref<48xi32, #tpu.memory_space<vmem>>
        %dma_start3A_762 = tpu.memref_slice %arg6[%add3A_748] : memref<322560xi32, #tpu.memory_space<hbm>> -> memref<48xi32, #tpu.memory_space<hbm>>
        %dma_start3A_763 = arith.constant 0 : i32
        %dma_start3A_764 = tpu.memref_slice %arg14[%dma_start3A_758, %dma_start3A_763] : memref<3x48xi32, #tpu.memory_space<vmem>> -> memref<1x48xi32, #tpu.memory_space<vmem>>
        %dma_start3A_765 = tpu.memref_squeeze %dma_start3A_764 : memref<1x48xi32, #tpu.memory_space<vmem>> -> memref<48xi32, #tpu.memory_space<vmem>>
        %dma_start3A_766 = tpu.memref_slice %arg6[%add3A_748] : memref<322560xi32, #tpu.memory_space<hbm>> -> memref<48xi32, #tpu.memory_space<hbm>>
        tpu.enqueue_dma source(%dma_start3A_766 : memref<48xi32, #tpu.memory_space<hbm>>) target(%dma_start3A_765 : memref<48xi32, #tpu.memory_space<vmem>>) target_semaphore(%arg22 : memref<!tpu.dma_semaphore, #tpu.memory_space<semaphore_mem>>)
        %dma_start3A_767 = arith.constant 2 : i32
        %dma_start3A_768 = arith.constant 0 : i32
        %dma_start3A_769 = tpu.memref_slice %arg15[%dma_start3A_767, %dma_start3A_768] : memref<3x48xi32, #tpu.memory_space<vmem>> -> memref<1x48xi32, #tpu.memory_space<vmem>>
        %dma_start3A_770 = tpu.memref_squeeze %dma_start3A_769 : memref<1x48xi32, #tpu.memory_space<vmem>> -> memref<48xi32, #tpu.memory_space<vmem>>
        %dma_start3A_771 = tpu.memref_slice %arg7[%add3A_748] : memref<322560xi32, #tpu.memory_space<hbm>> -> memref<48xi32, #tpu.memory_space<hbm>>
        %dma_start3A_772 = arith.constant 0 : i32
        %dma_start3A_773 = tpu.memref_slice %arg15[%dma_start3A_767, %dma_start3A_772] : memref<3x48xi32, #tpu.memory_space<vmem>> -> memref<1x48xi32, #tpu.memory_space<vmem>>
        %dma_start3A_774 = tpu.memref_squeeze %dma_start3A_773 : memref<1x48xi32, #tpu.memory_space<vmem>> -> memref<48xi32, #tpu.memory_space<vmem>>
        %dma_start3A_775 = tpu.memref_slice %arg7[%add3A_748] : memref<322560xi32, #tpu.memory_space<hbm>> -> memref<48xi32, #tpu.memory_space<hbm>>
        tpu.enqueue_dma source(%dma_start3A_775 : memref<48xi32, #tpu.memory_space<hbm>>) target(%dma_start3A_774 : memref<48xi32, #tpu.memory_space<vmem>>) target_semaphore(%arg22 : memref<!tpu.dma_semaphore, #tpu.memory_space<semaphore_mem>>)
      } else {
      }
      %dma_wait3A_714 = arith.constant 2 : i32
      %dma_wait3A_715 = arith.constant 2 : i32
      %dma_wait3A_716 = arith.constant 0 : i32
      %dma_wait3A_717 = arith.constant 0 : i32
      %dma_wait3A_718 = tpu.memref_slice %arg19[%dma_wait3A_715, %dma_wait3A_716, %dma_wait3A_717] : memref<3x48x128xf32, #tpu.memory_space<vmem>> -> memref<1x48x128xf32, #tpu.memory_space<vmem>>
      %dma_wait3A_719 = tpu.memref_squeeze %dma_wait3A_718 : memref<1x48x128xf32, #tpu.memory_space<vmem>> -> memref<48x128xf32, #tpu.memory_space<vmem>>
      %dma_wait3A_720 = arith.constant 0 : i32
      %dma_wait3A_721 = tpu.memref_slice %arg16[%dma_wait3A_714, %dma_wait3A_720] : memref<3x48xi32, #tpu.memory_space<vmem>> -> memref<1x48xi32, #tpu.memory_space<vmem>>
      %dma_wait3A_722 = tpu.memref_squeeze %dma_wait3A_721 : memref<1x48xi32, #tpu.memory_space<vmem>> -> memref<48xi32, #tpu.memory_space<vmem>>
      %dma_wait3A_723 = arith.constant 0 : i32
      %dma_wait3A_724 = arith.constant 0 : i32
      %dma_wait3A_725 = tpu.memref_slice %arg2[%dma_wait3A_723, %dma_wait3A_724] : memref<40000x128xf32, #tpu.memory_space<hbm>> -> memref<40000x128xf32, #tpu.memory_space<hbm>>
      tpu.wait_indirect_dma semaphore(%arg25 : memref<!tpu.dma_semaphore, #tpu.memory_space<semaphore_mem>>) src(%dma_wait3A_725 : memref<40000x128xf32, #tpu.memory_space<hbm>>) dst(%dma_wait3A_719 : memref<48x128xf32, #tpu.memory_space<vmem>>)
      %scan3A_726 = arith.constant 0 : i32
      %scan3A_727 = arith.constant 0 : i32
      %scan3A_728 = arith.constant 24 : i32
      %scan3A_729 = arith.addi %scan3A_727, %scan3A_728 : i32
      %scan3A_730 = arith.constant 1 : i32
      scf.for %scan3A_744 = %scan3A_727 to %scan3A_729 step %scan3A_730  : i32 {
        %mul3A_745 = arith.constant 2 : i32
        %mul3A_746 = arith.muli %scan3A_744, %mul3A_745 : i32
        %add3A_747 = arith.constant 0 : i32
        %add3A_748 = arith.addi %mul3A_746, %add3A_747 : i32
        %add3A_749 = arith.constant 96 : i32
        %add3A_750 = arith.addi %add3A_749, %add3A_748 : i32
        %broadcast_in_dim3A = vector.broadcast %add3A_750 : i32 to vector<16xi32>
        %gather3A_751 = tpu.vector_load_idx %arg18[%broadcast_in_dim3A] : memref<144xf32, #tpu.memory_space<vmem>>[vector<16xi32>], vector<16xf32>,
        %get3A_752 = arith.constant 2 : i32
        %get3A_753 = arith.index_cast %get3A_752 : i32 to index
        %get3A_754 = arith.index_cast %add3A_748 : i32 to index
        %get3A_755 = arith.constant 0 : index
        %get3A_756 = tpu.vector_load %arg19[%get3A_753, %get3A_754, %get3A_755] {strides = array<i32>} : memref<3x48x128xf32, #tpu.memory_space<vmem>>, vector<16xf32>,
        %mul3A_757 = arith.mulf %get3A_756, %gather3A_751 : vector<16xf32>
        %swap3A_758 = arith.constant 2 : i32
        %swap3A_759 = arith.index_cast %swap3A_758 : i32 to index
        %swap3A_760 = arith.index_cast %add3A_748 : i32 to index
        %swap3A_761 = arith.constant 0 : index
        %swap3A_762 = tpu.vector_load %arg19[%swap3A_759, %swap3A_760, %swap3A_761] {strides = array<i32>} : memref<3x48x128xf32, #tpu.memory_space<vmem>>, vector<16xf32>,
        tpu.vector_store %arg19[%swap3A_759, %swap3A_760, %swap3A_761], %mul3A_757 {strides = array<i32>} : memref<3x48x128xf32, #tpu.memory_space<vmem>>, vector<16xf32>,
        %get3A_763 = arith.constant 2 : i32
        %get3A_764 = arith.index_cast %get3A_763 : i32 to index
        %get3A_765 = arith.index_cast %add3A_748 : i32 to index
        %get3A_766 = arith.constant 16 : index
        %get3A_767 = tpu.vector_load %arg19[%get3A_764, %get3A_765, %get3A_766] {strides = array<i32>} : memref<3x48x128xf32, #tpu.memory_space<vmem>>, vector<16xf32>,
        %mul3A_768 = arith.mulf %get3A_767, %gather3A_751 : vector<16xf32>
        %swap3A_769 = arith.constant 2 : i32
        %swap3A_770 = arith.index_cast %swap3A_769 : i32 to index
        %swap3A_771 = arith.index_cast %add3A_748 : i32 to index
        %swap3A_772 = arith.constant 16 : index
        %swap3A_773 = tpu.vector_load %arg19[%swap3A_770, %swap3A_771, %swap3A_772] {strides = array<i32>} : memref<3x48x128xf32, #tpu.memory_space<vmem>>, vector<16xf32>,
        tpu.vector_store %arg19[%swap3A_770, %swap3A_771, %swap3A_772], %mul3A_768 {strides = array<i32>} : memref<3x48x128xf32, #tpu.memory_space<vmem>>, vector<16xf32>,
        %get3A_774 = arith.constant 2 : i32
        %get3A_775 = arith.index_cast %get3A_774 : i32 to index
        %get3A_776 = arith.index_cast %add3A_748 : i32 to index
        %get3A_777 = arith.constant 32 : index
        %get3A_778 = tpu.vector_load %arg19[%get3A_775, %get3A_776, %get3A_777] {strides = array<i32>} : memref<3x48x128xf32, #tpu.memory_space<vmem>>, vector<16xf32>,
        %mul3A_779 = arith.mulf %get3A_778, %gather3A_751 : vector<16xf32>
        %swap3A_780 = arith.constant 2 : i32
        %swap3A_781 = arith.index_cast %swap3A_780 : i32 to index
        %swap3A_782 = arith.index_cast %add3A_748 : i32 to index
        %swap3A_783 = arith.constant 32 : index
        %swap3A_784 = tpu.vector_load %arg19[%swap3A_781, %swap3A_782, %swap3A_783] {strides = array<i32>} : memref<3x48x128xf32, #tpu.memory_space<vmem>>, vector<16xf32>,
        tpu.vector_store %arg19[%swap3A_781, %swap3A_782, %swap3A_783], %mul3A_779 {strides = array<i32>} : memref<3x48x128xf32, #tpu.memory_space<vmem>>, vector<16xf32>,
        %get3A_785 = arith.constant 2 : i32
        %get3A_786 = arith.index_cast %get3A_785 : i32 to index
        %get3A_787 = arith.index_cast %add3A_748 : i32 to index
        %get3A_788 = arith.constant 48 : index
        %get3A_789 = tpu.vector_load %arg19[%get3A_786, %get3A_787, %get3A_788] {strides = array<i32>} : memref<3x48x128xf32, #tpu.memory_space<vmem>>, vector<16xf32>,
        %mul3A_790 = arith.mulf %get3A_789, %gather3A_751 : vector<16xf32>
        %swap3A_791 = arith.constant 2 : i32
        %swap3A_792 = arith.index_cast %swap3A_791 : i32 to index
        %swap3A_793 = arith.index_cast %add3A_748 : i32 to index
        %swap3A_794 = arith.constant 48 : index
        %swap3A_795 = tpu.vector_load %arg19[%swap3A_792, %swap3A_793, %swap3A_794] {strides = array<i32>} : memref<3x48x128xf32, #tpu.memory_space<vmem>>, vector<16xf32>,
        tpu.vector_store %arg19[%swap3A_792, %swap3A_793, %swap3A_794], %mul3A_790 {strides = array<i32>} : memref<3x48x128xf32, #tpu.memory_space<vmem>>, vector<16xf32>,
        %get3A_796 = arith.constant 2 : i32
        %get3A_797 = arith.index_cast %get3A_796 : i32 to index
        %get3A_798 = arith.index_cast %add3A_748 : i32 to index
        %get3A_799 = arith.constant 64 : index
        %get3A_800 = tpu.vector_load %arg19[%get3A_797, %get3A_798, %get3A_799] {strides = array<i32>} : memref<3x48x128xf32, #tpu.memory_space<vmem>>, vector<16xf32>,
        %mul3A_801 = arith.mulf %get3A_800, %gather3A_751 : vector<16xf32>
        %swap3A_802 = arith.constant 2 : i32
        %swap3A_803 = arith.index_cast %swap3A_802 : i32 to index
        %swap3A_804 = arith.index_cast %add3A_748 : i32 to index
        %swap3A_805 = arith.constant 64 : index
        %swap3A_806 = tpu.vector_load %arg19[%swap3A_803, %swap3A_804, %swap3A_805] {strides = array<i32>} : memref<3x48x128xf32, #tpu.memory_space<vmem>>, vector<16xf32>,
        tpu.vector_store %arg19[%swap3A_803, %swap3A_804, %swap3A_805], %mul3A_801 {strides = array<i32>} : memref<3x48x128xf32, #tpu.memory_space<vmem>>, vector<16xf32>,
        %get3A_807 = arith.constant 2 : i32
        %get3A_808 = arith.index_cast %get3A_807 : i32 to index
        %get3A_809 = arith.index_cast %add3A_748 : i32 to index
        %get3A_810 = arith.constant 80 : index
        %get3A_811 = tpu.vector_load %arg19[%get3A_808, %get3A_809, %get3A_810] {strides = array<i32>} : memref<3x48x128xf32, #tpu.memory_space<vmem>>, vector<16xf32>,
        %mul3A_812 = arith.mulf %get3A_811, %gather3A_751 : vector<16xf32>
        %swap3A_813 = arith.constant 2 : i32
        %swap3A_814 = arith.index_cast %swap3A_813 : i32 to index
        %swap3A_815 = arith.index_cast %add3A_748 : i32 to index
        %swap3A_816 = arith.constant 80 : index
        %swap3A_817 = tpu.vector_load %arg19[%swap3A_814, %swap3A_815, %swap3A_816] {strides = array<i32>} : memref<3x48x128xf32, #tpu.memory_space<vmem>>, vector<16xf32>,
        tpu.vector_store %arg19[%swap3A_814, %swap3A_815, %swap3A_816], %mul3A_812 {strides = array<i32>} : memref<3x48x128xf32, #tpu.memory_space<vmem>>, vector<16xf32>,
        %get3A_818 = arith.constant 2 : i32
        %get3A_819 = arith.index_cast %get3A_818 : i32 to index
        %get3A_820 = arith.index_cast %add3A_748 : i32 to index
        %get3A_821 = arith.constant 96 : index
        %get3A_822 = tpu.vector_load %arg19[%get3A_819, %get3A_820, %get3A_821] {strides = array<i32>} : memref<3x48x128xf32, #tpu.memory_space<vmem>>, vector<16xf32>,
        %mul3A_823 = arith.mulf %get3A_822, %gather3A_751 : vector<16xf32>
        %swap3A_824 = arith.constant 2 : i32
        %swap3A_825 = arith.index_cast %swap3A_824 : i32 to index
        %swap3A_826 = arith.index_cast %add3A_748 : i32 to index
        %swap3A_827 = arith.constant 96 : index
        %swap3A_828 = tpu.vector_load %arg19[%swap3A_825, %swap3A_826, %swap3A_827] {strides = array<i32>} : memref<3x48x128xf32, #tpu.memory_space<vmem>>, vector<16xf32>,
        tpu.vector_store %arg19[%swap3A_825, %swap3A_826, %swap3A_827], %mul3A_823 {strides = array<i32>} : memref<3x48x128xf32, #tpu.memory_space<vmem>>, vector<16xf32>,
        %get3A_829 = arith.constant 2 : i32
        %get3A_830 = arith.index_cast %get3A_829 : i32 to index
        %get3A_831 = arith.index_cast %add3A_748 : i32 to index
        %get3A_832 = arith.constant 112 : index
        %get3A_833 = tpu.vector_load %arg19[%get3A_830, %get3A_831, %get3A_832] {strides = array<i32>} : memref<3x48x128xf32, #tpu.memory_space<vmem>>, vector<16xf32>,
        %mul3A_834 = arith.mulf %get3A_833, %gather3A_751 : vector<16xf32>
        %swap3A_835 = arith.constant 2 : i32
        %swap3A_836 = arith.index_cast %swap3A_835 : i32 to index
        %swap3A_837 = arith.index_cast %add3A_748 : i32 to index
        %swap3A_838 = arith.constant 112 : index
        %swap3A_839 = tpu.vector_load %arg19[%swap3A_836, %swap3A_837, %swap3A_838] {strides = array<i32>} : memref<3x48x128xf32, #tpu.memory_space<vmem>>, vector<16xf32>,
        tpu.vector_store %arg19[%swap3A_836, %swap3A_837, %swap3A_838], %mul3A_834 {strides = array<i32>} : memref<3x48x128xf32, #tpu.memory_space<vmem>>, vector<16xf32>,
        %mul3A_840 = arith.constant 2 : i32
        %mul3A_841 = arith.muli %scan3A_744, %mul3A_840 : i32
        %add3A_842 = arith.constant 1 : i32
        %add3A_843 = arith.addi %mul3A_841, %add3A_842 : i32
        %add3A_844 = arith.constant 96 : i32
        %add3A_845 = arith.addi %add3A_844, %add3A_843 : i32
        %broadcast_in_dim3A_846 = vector.broadcast %add3A_845 : i32 to vector<16xi32>
        %gather3A_847 = tpu.vector_load_idx %arg18[%broadcast_in_dim3A_846] : memref<144xf32, #tpu.memory_space<vmem>>[vector<16xi32>], vector<16xf32>,
        %get3A_848 = arith.constant 2 : i32
        %get3A_849 = arith.index_cast %get3A_848 : i32 to index
        %get3A_850 = arith.index_cast %add3A_843 : i32 to index
        %get3A_851 = arith.constant 0 : index
        %get3A_852 = tpu.vector_load %arg19[%get3A_849, %get3A_850, %get3A_851] {strides = array<i32>} : memref<3x48x128xf32, #tpu.memory_space<vmem>>, vector<16xf32>,
        %mul3A_853 = arith.mulf %get3A_852, %gather3A_847 : vector<16xf32>
        %swap3A_854 = arith.constant 2 : i32
        %swap3A_855 = arith.index_cast %swap3A_854 : i32 to index
        %swap3A_856 = arith.index_cast %add3A_843 : i32 to index
        %swap3A_857 = arith.constant 0 : index
        %swap3A_858 = tpu.vector_load %arg19[%swap3A_855, %swap3A_856, %swap3A_857] {strides = array<i32>} : memref<3x48x128xf32, #tpu.memory_space<vmem>>, vector<16xf32>,
        tpu.vector_store %arg19[%swap3A_855, %swap3A_856, %swap3A_857], %mul3A_853 {strides = array<i32>} : memref<3x48x128xf32, #tpu.memory_space<vmem>>, vector<16xf32>,
        %get3A_859 = arith.constant 2 : i32
        %get3A_860 = arith.index_cast %get3A_859 : i32 to index
        %get3A_861 = arith.index_cast %add3A_843 : i32 to index
        %get3A_862 = arith.constant 16 : index
        %get3A_863 = tpu.vector_load %arg19[%get3A_860, %get3A_861, %get3A_862] {strides = array<i32>} : memref<3x48x128xf32, #tpu.memory_space<vmem>>, vector<16xf32>,
        %mul3A_864 = arith.mulf %get3A_863, %gather3A_847 : vector<16xf32>
        %swap3A_865 = arith.constant 2 : i32
        %swap3A_866 = arith.index_cast %swap3A_865 : i32 to index
        %swap3A_867 = arith.index_cast %add3A_843 : i32 to index
        %swap3A_868 = arith.constant 16 : index
        %swap3A_869 = tpu.vector_load %arg19[%swap3A_866, %swap3A_867, %swap3A_868] {strides = array<i32>} : memref<3x48x128xf32, #tpu.memory_space<vmem>>, vector<16xf32>,
        tpu.vector_store %arg19[%swap3A_866, %swap3A_867, %swap3A_868], %mul3A_864 {strides = array<i32>} : memref<3x48x128xf32, #tpu.memory_space<vmem>>, vector<16xf32>,
        %get3A_870 = arith.constant 2 : i32
        %get3A_871 = arith.index_cast %get3A_870 : i32 to index
        %get3A_872 = arith.index_cast %add3A_843 : i32 to index
        %get3A_873 = arith.constant 32 : index
        %get3A_874 = tpu.vector_load %arg19[%get3A_871, %get3A_872, %get3A_873] {strides = array<i32>} : memref<3x48x128xf32, #tpu.memory_space<vmem>>, vector<16xf32>,
        %mul3A_875 = arith.mulf %get3A_874, %gather3A_847 : vector<16xf32>
        %swap3A_876 = arith.constant 2 : i32
        %swap3A_877 = arith.index_cast %swap3A_876 : i32 to index
        %swap3A_878 = arith.index_cast %add3A_843 : i32 to index
        %swap3A_879 = arith.constant 32 : index
        %swap3A_880 = tpu.vector_load %arg19[%swap3A_877, %swap3A_878, %swap3A_879] {strides = array<i32>} : memref<3x48x128xf32, #tpu.memory_space<vmem>>, vector<16xf32>,
        tpu.vector_store %arg19[%swap3A_877, %swap3A_878, %swap3A_879], %mul3A_875 {strides = array<i32>} : memref<3x48x128xf32, #tpu.memory_space<vmem>>, vector<16xf32>,
        %get3A_881 = arith.constant 2 : i32
        %get3A_882 = arith.index_cast %get3A_881 : i32 to index
        %get3A_883 = arith.index_cast %add3A_843 : i32 to index
        %get3A_884 = arith.constant 48 : index
        %get3A_885 = tpu.vector_load %arg19[%get3A_882, %get3A_883, %get3A_884] {strides = array<i32>} : memref<3x48x128xf32, #tpu.memory_space<vmem>>, vector<16xf32>,
        %mul3A_886 = arith.mulf %get3A_885, %gather3A_847 : vector<16xf32>
        %swap3A_887 = arith.constant 2 : i32
        %swap3A_888 = arith.index_cast %swap3A_887 : i32 to index
        %swap3A_889 = arith.index_cast %add3A_843 : i32 to index
        %swap3A_890 = arith.constant 48 : index
        %swap3A_891 = tpu.vector_load %arg19[%swap3A_888, %swap3A_889, %swap3A_890] {strides = array<i32>} : memref<3x48x128xf32, #tpu.memory_space<vmem>>, vector<16xf32>,
        tpu.vector_store %arg19[%swap3A_888, %swap3A_889, %swap3A_890], %mul3A_886 {strides = array<i32>} : memref<3x48x128xf32, #tpu.memory_space<vmem>>, vector<16xf32>,
        %get3A_892 = arith.constant 2 : i32
        %get3A_893 = arith.index_cast %get3A_892 : i32 to index
        %get3A_894 = arith.index_cast %add3A_843 : i32 to index
        %get3A_895 = arith.constant 64 : index
        %get3A_896 = tpu.vector_load %arg19[%get3A_893, %get3A_894, %get3A_895] {strides = array<i32>} : memref<3x48x128xf32, #tpu.memory_space<vmem>>, vector<16xf32>,
        %mul3A_897 = arith.mulf %get3A_896, %gather3A_847 : vector<16xf32>
        %swap3A_898 = arith.constant 2 : i32
        %swap3A_899 = arith.index_cast %swap3A_898 : i32 to index
        %swap3A_900 = arith.index_cast %add3A_843 : i32 to index
        %swap3A_901 = arith.constant 64 : index
        %swap3A_902 = tpu.vector_load %arg19[%swap3A_899, %swap3A_900, %swap3A_901] {strides = array<i32>} : memref<3x48x128xf32, #tpu.memory_space<vmem>>, vector<16xf32>,
        tpu.vector_store %arg19[%swap3A_899, %swap3A_900, %swap3A_901], %mul3A_897 {strides = array<i32>} : memref<3x48x128xf32, #tpu.memory_space<vmem>>, vector<16xf32>,
        %get3A_903 = arith.constant 2 : i32
        %get3A_904 = arith.index_cast %get3A_903 : i32 to index
        %get3A_905 = arith.index_cast %add3A_843 : i32 to index
        %get3A_906 = arith.constant 80 : index
        %get3A_907 = tpu.vector_load %arg19[%get3A_904, %get3A_905, %get3A_906] {strides = array<i32>} : memref<3x48x128xf32, #tpu.memory_space<vmem>>, vector<16xf32>,
        %mul3A_908 = arith.mulf %get3A_907, %gather3A_847 : vector<16xf32>
        %swap3A_909 = arith.constant 2 : i32
        %swap3A_910 = arith.index_cast %swap3A_909 : i32 to index
        %swap3A_911 = arith.index_cast %add3A_843 : i32 to index
        %swap3A_912 = arith.constant 80 : index
        %swap3A_913 = tpu.vector_load %arg19[%swap3A_910, %swap3A_911, %swap3A_912] {strides = array<i32>} : memref<3x48x128xf32, #tpu.memory_space<vmem>>, vector<16xf32>,
        tpu.vector_store %arg19[%swap3A_910, %swap3A_911, %swap3A_912], %mul3A_908 {strides = array<i32>} : memref<3x48x128xf32, #tpu.memory_space<vmem>>, vector<16xf32>,
        %get3A_914 = arith.constant 2 : i32
        %get3A_915 = arith.index_cast %get3A_914 : i32 to index
        %get3A_916 = arith.index_cast %add3A_843 : i32 to index
        %get3A_917 = arith.constant 96 : index
        %get3A_918 = tpu.vector_load %arg19[%get3A_915, %get3A_916, %get3A_917] {strides = array<i32>} : memref<3x48x128xf32, #tpu.memory_space<vmem>>, vector<16xf32>,
        %mul3A_919 = arith.mulf %get3A_918, %gather3A_847 : vector<16xf32>
        %swap3A_920 = arith.constant 2 : i32
        %swap3A_921 = arith.index_cast %swap3A_920 : i32 to index
        %swap3A_922 = arith.index_cast %add3A_843 : i32 to index
        %swap3A_923 = arith.constant 96 : index
        %swap3A_924 = tpu.vector_load %arg19[%swap3A_921, %swap3A_922, %swap3A_923] {strides = array<i32>} : memref<3x48x128xf32, #tpu.memory_space<vmem>>, vector<16xf32>,
        tpu.vector_store %arg19[%swap3A_921, %swap3A_922, %swap3A_923], %mul3A_919 {strides = array<i32>} : memref<3x48x128xf32, #tpu.memory_space<vmem>>, vector<16xf32>,
        %get3A_925 = arith.constant 2 : i32
        %get3A_926 = arith.index_cast %get3A_925 : i32 to index
        %get3A_927 = arith.index_cast %add3A_843 : i32 to index
        %get3A_928 = arith.constant 112 : index
        %get3A_929 = tpu.vector_load %arg19[%get3A_926, %get3A_927, %get3A_928] {strides = array<i32>} : memref<3x48x128xf32, #tpu.memory_space<vmem>>, vector<16xf32>,
        %mul3A_930 = arith.mulf %get3A_929, %gather3A_847 : vector<16xf32>
        %swap3A_931 = arith.constant 2 : i32
        %swap3A_932 = arith.index_cast %swap3A_931 : i32 to index
        %swap3A_933 = arith.index_cast %add3A_843 : i32 to index
        %swap3A_934 = arith.constant 112 : index
        %swap3A_935 = tpu.vector_load %arg19[%swap3A_932, %swap3A_933, %swap3A_934] {strides = array<i32>} : memref<3x48x128xf32, #tpu.memory_space<vmem>>, vector<16xf32>,
        tpu.vector_store %arg19[%swap3A_932, %swap3A_933, %swap3A_934], %mul3A_930 {strides = array<i32>} : memref<3x48x128xf32, #tpu.memory_space<vmem>>, vector<16xf32>,
      }
      %scan3A_731 = arith.constant 24 : i32
      %dma_start3A_732 = arith.constant 2 : i32
      %dma_start3A_733 = arith.constant 2 : i32
      %dma_start3A_734 = arith.constant 0 : i32
      %dma_start3A_735 = arith.constant 0 : i32
      %dma_start3A_736 = tpu.memref_slice %arg19[%dma_start3A_732, %dma_start3A_734, %dma_start3A_735] : memref<3x48x128xf32, #tpu.memory_space<vmem>> -> memref<1x48x128xf32, #tpu.memory_space<vmem>>
      %dma_start3A_737 = tpu.memref_squeeze %dma_start3A_736 : memref<1x48x128xf32, #tpu.memory_space<vmem>> -> memref<48x128xf32, #tpu.memory_space<vmem>>
      %dma_start3A_738 = arith.constant 0 : i32
      %dma_start3A_739 = tpu.memref_slice %arg17[%dma_start3A_733, %dma_start3A_738] : memref<3x48xi32, #tpu.memory_space<vmem>> -> memref<1x48xi32, #tpu.memory_space<vmem>>
      %dma_start3A_740 = tpu.memref_squeeze %dma_start3A_739 : memref<1x48xi32, #tpu.memory_space<vmem>> -> memref<48xi32, #tpu.memory_space<vmem>>
      %dma_start3A_741 = arith.constant 0 : i32
      %dma_start3A_742 = arith.constant 0 : i32
      %dma_start3A_743 = tpu.memref_slice %arg10[%dma_start3A_741, %dma_start3A_742] : memref<10112x128xf32, #tpu.memory_space<vmem_shared>> -> memref<10112x128xf32, #tpu.memory_space<vmem_shared>>
      tpu.enqueue_indirect_dma source(%dma_start3A_737 : memref<48x128xf32, #tpu.memory_space<vmem>>) target(%dma_start3A_743 : memref<10112x128xf32, #tpu.memory_space<vmem_shared>>) offsets(%dma_start3A_740 : memref<48xi32, #tpu.memory_space<vmem>>) semaphore(%arg28 : memref<!tpu.dma_semaphore, #tpu.memory_space<semaphore_mem>>) {add = true}
    }
    %scan3A_248 = arith.constant 70 : i32
    %dma_wait3A_249 = arith.constant 1 : i32
    %dma_wait3A_250 = arith.constant 1 : i32
    %dma_wait3A_251 = arith.constant 0 : i32
    %dma_wait3A_252 = arith.constant 0 : i32
    %dma_wait3A_253 = tpu.memref_slice %arg19[%dma_wait3A_249, %dma_wait3A_251, %dma_wait3A_252] : memref<3x48x128xf32, #tpu.memory_space<vmem>> -> memref<1x48x128xf32, #tpu.memory_space<vmem>>
    %dma_wait3A_254 = tpu.memref_squeeze %dma_wait3A_253 : memref<1x48x128xf32, #tpu.memory_space<vmem>> -> memref<48x128xf32, #tpu.memory_space<vmem>>
    %dma_wait3A_255 = arith.constant 0 : i32
    %dma_wait3A_256 = tpu.memref_slice %arg17[%dma_wait3A_250, %dma_wait3A_255] : memref<3x48xi32, #tpu.memory_space<vmem>> -> memref<1x48xi32, #tpu.memory_space<vmem>>
    %dma_wait3A_257 = tpu.memref_squeeze %dma_wait3A_256 : memref<1x48xi32, #tpu.memory_space<vmem>> -> memref<48xi32, #tpu.memory_space<vmem>>
    %dma_wait3A_258 = arith.constant 0 : i32
    %dma_wait3A_259 = arith.constant 0 : i32
    %dma_wait3A_260 = tpu.memref_slice %arg10[%dma_wait3A_258, %dma_wait3A_259] : memref<10112x128xf32, #tpu.memory_space<vmem_shared>> -> memref<10112x128xf32, #tpu.memory_space<vmem_shared>>
    tpu.wait_indirect_dma semaphore(%arg27 : memref<!tpu.dma_semaphore, #tpu.memory_space<semaphore_mem>>) src(%dma_wait3A_254 : memref<48x128xf32, #tpu.memory_space<vmem>>) dst(%dma_wait3A_260 : memref<10112x128xf32, #tpu.memory_space<vmem_shared>>)
    %dma_wait3A_261 = arith.constant 2 : i32
    %dma_wait3A_262 = arith.constant 2 : i32
    %dma_wait3A_263 = arith.constant 0 : i32
    %dma_wait3A_264 = arith.constant 0 : i32
    %dma_wait3A_265 = tpu.memref_slice %arg19[%dma_wait3A_261, %dma_wait3A_263, %dma_wait3A_264] : memref<3x48x128xf32, #tpu.memory_space<vmem>> -> memref<1x48x128xf32, #tpu.memory_space<vmem>>
    %dma_wait3A_266 = tpu.memref_squeeze %dma_wait3A_265 : memref<1x48x128xf32, #tpu.memory_space<vmem>> -> memref<48x128xf32, #tpu.memory_space<vmem>>
    %dma_wait3A_267 = arith.constant 0 : i32
    %dma_wait3A_268 = tpu.memref_slice %arg17[%dma_wait3A_262, %dma_wait3A_267] : memref<3x48xi32, #tpu.memory_space<vmem>> -> memref<1x48xi32, #tpu.memory_space<vmem>>
    %dma_wait3A_269 = tpu.memref_squeeze %dma_wait3A_268 : memref<1x48xi32, #tpu.memory_space<vmem>> -> memref<48xi32, #tpu.memory_space<vmem>>
    %dma_wait3A_270 = arith.constant 0 : i32
    %dma_wait3A_271 = arith.constant 0 : i32
    %dma_wait3A_272 = tpu.memref_slice %arg10[%dma_wait3A_270, %dma_wait3A_271] : memref<10112x128xf32, #tpu.memory_space<vmem_shared>> -> memref<10112x128xf32, #tpu.memory_space<vmem_shared>>
    tpu.wait_indirect_dma semaphore(%arg28 : memref<!tpu.dma_semaphore, #tpu.memory_space<semaphore_mem>>) src(%dma_wait3A_266 : memref<48x128xf32, #tpu.memory_space<vmem>>) dst(%dma_wait3A_272 : memref<10112x128xf32, #tpu.memory_space<vmem_shared>>)
    %barrier3A_273 = arith.constant 0 : index
    tpu.barrier barrier_id(%barrier3A_273)
    %mul3A_274 = arith.constant 10112 : i32
    %mul3A_275 = arith.muli %arg0, %mul3A_274 : i32
    %mul3A_276 = arith.constant 632 : i32
    %mul3A_277 = arith.muli %arg1, %mul3A_276 : i32
    %add3A_278 = arith.addi %mul3A_275, %mul3A_277 : i32
    %mul3A_279 = arith.constant 632 : i32
    %mul3A_280 = arith.muli %arg1, %mul3A_279 : i32
    "tpu.region"() ({
      %run_scoped3A = tpu.sem_alloc : memref<!tpu.dma_semaphore, #tpu.memory_space<semaphore_mem>>
      %dma_start3A_281 = arith.constant 0 : i32
      %dma_start3A_282 = tpu.memref_slice %arg9[%add3A_278, %dma_start3A_281] : memref<20224x128xf32, #tpu.memory_space<hbm>> -> memref<632x128xf32, #tpu.memory_space<hbm>>
      %dma_start3A_283 = arith.constant 0 : i32
      %dma_start3A_284 = tpu.memref_slice %arg10[%mul3A_280, %dma_start3A_283] : memref<10112x128xf32, #tpu.memory_space<vmem_shared>> -> memref<632x128xf32, #tpu.memory_space<vmem_shared>>
      tpu.enqueue_dma source(%dma_start3A_284 : memref<632x128xf32, #tpu.memory_space<vmem_shared>>) target(%dma_start3A_282 : memref<632x128xf32, #tpu.memory_space<hbm>>) target_semaphore(%run_scoped3A : memref<!tpu.dma_semaphore, #tpu.memory_space<semaphore_mem>>)
      %dma_wait3A_285 = arith.constant 0 : i32
      %dma_wait3A_286 = tpu.memref_slice %arg9[%add3A_278, %dma_wait3A_285] : memref<20224x128xf32, #tpu.memory_space<hbm>> -> memref<632x128xf32, #tpu.memory_space<hbm>>
      %dma_wait3A_287 = arith.constant 0 : i32
      %dma_wait3A_288 = tpu.memref_slice %arg10[%mul3A_280, %dma_wait3A_287] : memref<10112x128xf32, #tpu.memory_space<vmem_shared>> -> memref<632x128xf32, #tpu.memory_space<vmem_shared>>
      tpu.wait_dma2 semaphore(%run_scoped3A : memref<!tpu.dma_semaphore, #tpu.memory_space<semaphore_mem>>) src(%dma_wait3A_288 : memref<632x128xf32, #tpu.memory_space<vmem_shared>>) dst(%dma_wait3A_286 : memref<632x128xf32, #tpu.memory_space<hbm>>)
      tpu.yield
    }) : () -> ()
    return
  }
}

module attributes {stable_mosaic.version = 14 : i64} {
  func.func @_dense_body(%arg0: i32, %arg1: memref<400x128xf32, #tpu.memory_space<vmem>>, %arg2: memref<128x128xf32, #tpu.memory_space<vmem>>, %arg3: memref<1x128xf32, #tpu.memory_space<vmem>>, %arg4: memref<128x512xf32, #tpu.memory_space<vmem>>, %arg5: memref<1x512xf32, #tpu.memory_space<vmem>>, %arg6: memref<128x8xf32, #tpu.memory_space<vmem>>, %arg7: memref<1x8xf32, #tpu.memory_space<vmem>>, %arg8: memref<400x128xf32, #tpu.memory_space<vmem>>, %arg9: memref<400x512xf32, #tpu.memory_space<vmem>>, %arg10: memref<400x8xf32, #tpu.memory_space<vmem>>) attributes {dimension_semantics = [#tpu.dimension_semantics<arbitrary>], iteration_bounds = array<i64: 25>, scalar_prefetch = 0 : i64, scratch_operands = 0 : i64, tpu.core_type = #tpu.core_type<tc>, window_params = [{transform_indices = @transform_0, window_bounds = array<i64: 400, 128>}, {pipeline_mode = #tpu.pipeline_mode<synchronous>, transform_indices = @transform_1, window_bounds = array<i64: 128, 128>}, {pipeline_mode = #tpu.pipeline_mode<synchronous>, transform_indices = @transform_2, window_bounds = array<i64: 1, 128>}, {pipeline_mode = #tpu.pipeline_mode<synchronous>, transform_indices = @transform_3, window_bounds = array<i64: 128, 512>}, {pipeline_mode = #tpu.pipeline_mode<synchronous>, transform_indices = @transform_4, window_bounds = array<i64: 1, 512>}, {pipeline_mode = #tpu.pipeline_mode<synchronous>, transform_indices = @transform_5, window_bounds = array<i64: 128, 8>}, {pipeline_mode = #tpu.pipeline_mode<synchronous>, transform_indices = @transform_6, window_bounds = array<i64: 1, 8>}, {transform_indices = @transform_7, window_bounds = array<i64: 400, 128>}, {transform_indices = @transform_8, window_bounds = array<i64: 400, 512>}, {transform_indices = @transform_9, window_bounds = array<i64: 400, 8>}]} {
    %get3A = arith.constant 0 : index
    %get3A_0 = arith.constant 0 : index
    %get3A_1 = vector.load %arg1[%get3A, %get3A_0] : memref<400x128xf32, #tpu.memory_space<vmem>>, vector<400x128xf32>
    %get3A_2 = arith.constant 0 : index
    %get3A_3 = arith.constant 0 : index
    %get3A_4 = vector.load %arg2[%get3A_2, %get3A_3] : memref<128x128xf32, #tpu.memory_space<vmem>>, vector<128x128xf32>
    %dot_general3A = arith.constant dense<0.000000e+00> : vector<400x128xf32>
    %dot_general3A_5 = tpu.matmul %get3A_1, %get3A_4, %dot_general3A {dimension_numbers = #tpu.dot_dimension_numbers<[1], [0], [0], [1], [0, 0, 1, 1], [], []>, transpose_lhs_hint = false} : vector<400x128xf32>, vector<128x128xf32>, vector<400x128xf32> -> vector<400x128xf32>
    %get3A_6 = arith.constant 0 : index
    %get3A_7 = arith.constant 0 : index
    %get3A_8 = vector.load %arg3[%get3A_6, %get3A_7] : memref<1x128xf32, #tpu.memory_space<vmem>>, vector<1x128xf32>
    %add3A = vector.broadcast %get3A_8 : vector<1x128xf32> to vector<400x128xf32>
    %add3A_9 = arith.addf %dot_general3A_5, %add3A : vector<400x128xf32>
    %swap3A = arith.constant 0 : index
    %swap3A_10 = arith.constant 0 : index
    %swap3A_11 = vector.load %arg8[%swap3A, %swap3A_10] : memref<400x128xf32, #tpu.memory_space<vmem>>, vector<400x128xf32>
    tpu.vector_store %arg8[%swap3A, %swap3A_10], %add3A_9 {strides = array<i32>} : memref<400x128xf32, #tpu.memory_space<vmem>>, vector<400x128xf32>,
    %get3A_12 = arith.constant 0 : index
    %get3A_13 = arith.constant 0 : index
    %get3A_14 = vector.load %arg4[%get3A_12, %get3A_13] : memref<128x512xf32, #tpu.memory_space<vmem>>, vector<128x512xf32>
    %dot_general3A_15 = arith.constant dense<0.000000e+00> : vector<400x512xf32>
    %dot_general3A_16 = tpu.matmul %get3A_1, %get3A_14, %dot_general3A_15 {dimension_numbers = #tpu.dot_dimension_numbers<[1], [0], [0], [1], [0, 0, 1, 1], [], []>, transpose_lhs_hint = false} : vector<400x128xf32>, vector<128x512xf32>, vector<400x512xf32> -> vector<400x512xf32>
    %get3A_17 = arith.constant 0 : index
    %get3A_18 = arith.constant 0 : index
    %get3A_19 = vector.load %arg5[%get3A_17, %get3A_18] : memref<1x512xf32, #tpu.memory_space<vmem>>, vector<1x512xf32>
    %add3A_20 = vector.broadcast %get3A_19 : vector<1x512xf32> to vector<400x512xf32>
    %add3A_21 = arith.addf %dot_general3A_16, %add3A_20 : vector<400x512xf32>
    %swap3A_22 = arith.constant 0 : index
    %swap3A_23 = arith.constant 0 : index
    %swap3A_24 = vector.load %arg9[%swap3A_22, %swap3A_23] : memref<400x512xf32, #tpu.memory_space<vmem>>, vector<400x512xf32>
    tpu.vector_store %arg9[%swap3A_22, %swap3A_23], %add3A_21 {strides = array<i32>} : memref<400x512xf32, #tpu.memory_space<vmem>>, vector<400x512xf32>,
    %get3A_25 = arith.constant 0 : index
    %get3A_26 = arith.constant 0 : index
    %get3A_27 = vector.load %arg6[%get3A_25, %get3A_26] : memref<128x8xf32, #tpu.memory_space<vmem>>, vector<128x8xf32>
    %dot_general3A_28 = arith.constant dense<0.000000e+00> : vector<400x8xf32>
    %dot_general3A_29 = tpu.matmul %get3A_1, %get3A_27, %dot_general3A_28 {dimension_numbers = #tpu.dot_dimension_numbers<[1], [0], [0], [1], [0, 0, 1, 1], [], []>, transpose_lhs_hint = false} : vector<400x128xf32>, vector<128x8xf32>, vector<400x8xf32> -> vector<400x8xf32>
    %get3A_30 = arith.constant 0 : index
    %get3A_31 = arith.constant 0 : index
    %get3A_32 = vector.load %arg7[%get3A_30, %get3A_31] : memref<1x8xf32, #tpu.memory_space<vmem>>, vector<1x8xf32>
    %add3A_33 = vector.broadcast %get3A_32 : vector<1x8xf32> to vector<400x8xf32>
    %add3A_34 = arith.addf %dot_general3A_29, %add3A_33 : vector<400x8xf32>
    %swap3A_35 = arith.constant 0 : index
    %swap3A_36 = arith.constant 0 : index
    %swap3A_37 = vector.load %arg10[%swap3A_35, %swap3A_36] : memref<400x8xf32, #tpu.memory_space<vmem>>, vector<400x8xf32>
    tpu.vector_store %arg10[%swap3A_35, %swap3A_36], %add3A_34 {strides = array<i32>} : memref<400x8xf32, #tpu.memory_space<vmem>>, vector<400x8xf32>,
    return
  }
  func.func @transform_0(%arg0: i32) -> (i32, i32) {
    %c0_i32 = arith.constant 0 : i32
    %c0_i32_0 = arith.constant 0 : i32
    return %arg0, %c0_i32 : i32, i32
  }
  func.func @transform_1(%arg0: i32) -> (i32, i32) {
    %c0_i32 = arith.constant 0 : i32
    %c0_i32_0 = arith.constant 0 : i32
    %c0_i32_1 = arith.constant 0 : i32
    return %c0_i32, %c0_i32_0 : i32, i32
  }
  func.func @transform_2(%arg0: i32) -> (i32, i32) {
    %c0_i32 = arith.constant 0 : i32
    %c0_i32_0 = arith.constant 0 : i32
    %c0_i32_1 = arith.constant 0 : i32
    return %c0_i32, %c0_i32_0 : i32, i32
  }
  func.func @transform_3(%arg0: i32) -> (i32, i32) {
    %c0_i32 = arith.constant 0 : i32
    %c0_i32_0 = arith.constant 0 : i32
    %c0_i32_1 = arith.constant 0 : i32
    return %c0_i32, %c0_i32_0 : i32, i32
  }
  func.func @transform_4(%arg0: i32) -> (i32, i32) {
    %c0_i32 = arith.constant 0 : i32
    %c0_i32_0 = arith.constant 0 : i32
    %c0_i32_1 = arith.constant 0 : i32
    return %c0_i32, %c0_i32_0 : i32, i32
  }
  func.func @transform_5(%arg0: i32) -> (i32, i32) {
    %c0_i32 = arith.constant 0 : i32
    %c0_i32_0 = arith.constant 0 : i32
    %c0_i32_1 = arith.constant 0 : i32
    return %c0_i32, %c0_i32_0 : i32, i32
  }
  func.func @transform_6(%arg0: i32) -> (i32, i32) {
    %c0_i32 = arith.constant 0 : i32
    %c0_i32_0 = arith.constant 0 : i32
    %c0_i32_1 = arith.constant 0 : i32
    return %c0_i32, %c0_i32_0 : i32, i32
  }
  func.func @transform_7(%arg0: i32) -> (i32, i32) {
    %c0_i32 = arith.constant 0 : i32
    %c0_i32_0 = arith.constant 0 : i32
    return %arg0, %c0_i32 : i32, i32
  }
  func.func @transform_8(%arg0: i32) -> (i32, i32) {
    %c0_i32 = arith.constant 0 : i32
    %c0_i32_0 = arith.constant 0 : i32
    return %arg0, %c0_i32 : i32, i32
  }
  func.func @transform_9(%arg0: i32) -> (i32, i32) {
    %c0_i32 = arith.constant 0 : i32
    %c0_i32_0 = arith.constant 0 : i32
    return %arg0, %c0_i32 : i32, i32
  }
}

module attributes {stable_mosaic.version = 14 : i64} {
  func.func @_add_body(%arg0: i32, %arg1: memref<400x128xf32, #tpu.memory_space<vmem>>, %arg2: memref<400x128xf32, #tpu.memory_space<vmem>>, %arg3: memref<400x128xf32, #tpu.memory_space<vmem>>, %arg4: memref<400x128xf32, #tpu.memory_space<vmem>>) attributes {dimension_semantics = [#tpu.dimension_semantics<arbitrary>], iteration_bounds = array<i64: 25>, scalar_prefetch = 0 : i64, scratch_operands = 0 : i64, tpu.core_type = #tpu.core_type<tc>, window_params = [{transform_indices = @transform_0, window_bounds = array<i64: 400, 128>}, {transform_indices = @transform_1, window_bounds = array<i64: 400, 128>}, {transform_indices = @transform_2, window_bounds = array<i64: 400, 128>}, {transform_indices = @transform_3, window_bounds = array<i64: 400, 128>}]} {
    %get3A = arith.constant 0 : index
    %get3A_0 = arith.constant 0 : index
    %get3A_1 = vector.load %arg1[%get3A, %get3A_0] : memref<400x128xf32, #tpu.memory_space<vmem>>, vector<400x128xf32>
    %get3A_2 = arith.constant 0 : index
    %get3A_3 = arith.constant 0 : index
    %get3A_4 = vector.load %arg2[%get3A_2, %get3A_3] : memref<400x128xf32, #tpu.memory_space<vmem>>, vector<400x128xf32>
    %add3A = arith.addf %get3A_1, %get3A_4 : vector<400x128xf32>
    %get3A_5 = arith.constant 0 : index
    %get3A_6 = arith.constant 0 : index
    %get3A_7 = vector.load %arg3[%get3A_5, %get3A_6] : memref<400x128xf32, #tpu.memory_space<vmem>>, vector<400x128xf32>
    %add3A_8 = arith.addf %add3A, %get3A_7 : vector<400x128xf32>
    %swap3A = arith.constant 0 : index
    %swap3A_9 = arith.constant 0 : index
    %swap3A_10 = vector.load %arg4[%swap3A, %swap3A_9] : memref<400x128xf32, #tpu.memory_space<vmem>>, vector<400x128xf32>
    tpu.vector_store %arg4[%swap3A, %swap3A_9], %add3A_8 {strides = array<i32>} : memref<400x128xf32, #tpu.memory_space<vmem>>, vector<400x128xf32>,
    return
  }
  func.func @transform_0(%arg0: i32) -> (i32, i32) {
    %c0_i32 = arith.constant 0 : i32
    %c0_i32_0 = arith.constant 0 : i32
    return %arg0, %c0_i32 : i32, i32
  }
  func.func @transform_1(%arg0: i32) -> (i32, i32) {
    %c0_i32 = arith.constant 0 : i32
    %c0_i32_0 = arith.constant 0 : i32
    return %arg0, %c0_i32 : i32, i32
  }
  func.func @transform_2(%arg0: i32) -> (i32, i32) {
    %c0_i32 = arith.constant 0 : i32
    %c0_i32_0 = arith.constant 0 : i32
    return %arg0, %c0_i32 : i32, i32
  }
  func.func @transform_3(%arg0: i32) -> (i32, i32) {
    %c0_i32 = arith.constant 0 : i32
    %c0_i32_0 = arith.constant 0 : i32
    return %arg0, %c0_i32 : i32, i32
  }
}

</mosaic_0001>

<sc_bundles>
// kernel: kernel.5.cloned.1.call-start
scs
__scs_entry_jumppad:
0x0: {  	(pc) =	sbr.rel $0x88, $3  }
0x1: {  	(tag) =	ssettag $0x0;
	lr =	simm.s32 $0x1  }
0x2: {  	[smem:$0x3F98] =	sst lr;
	_ =	strace $0xD0000000  }
0x3: {  	_ = 	snop  }
0x4: {  	_ = 	snop  }
0x5: {  	_ = 	snop  }
0x6: {  	_ = 	snop  }
0x7: {  	_ = 	snop  }
__scs_overlays_trampoline_lowered:
0x8: {  	[smem:$0x3FA7] =	sst s0  }
0x9: {  	[smem:$0x3FA8] =	sst s1  }
0xa: {  	[smem:$0x3FA9] =	sst s2  }
0xb: {  	[smem:$0x3FAA] =	sst s3  }
0xc: {  	[smem:$0x3FAB] =	sst s4  }
0xd: {  	[smem:$0x3FAC] =	sst s5  }
0xe: {  	[smem:$0x3FAD] =	sst s6  }
0xf: {  	[smem:$0x3FAE] =	sst s7  }
0x10: {  	[smem:$0x3FAF] =	sst s8  }
0x11: {  	[smem:$0x3FB0] =	sst s9;
	s0 =	simm.s32 @!p0 $0x0  }
0x12: {  	s1 =	sld [smem:$0x3F96];
	s0 =	simm.s32 @p0 $0x1  }
0x13: {  	[smem:$0x3FB1] =	sst s0;
	s0 =	simm.s32 @!p1 $0x0  }
0x14: {  	s2 =	sld [smem:$0x3F95];
	s0 =	simm.s32 @p1 $0x1  }
0x15: {  	[smem:$0x3FB2] =	sst s0;
	s0 =	simm.s32 @!p2 $0x0  }
0x16: {  	s3 =	sld [smem:$0x3FDB];
	s0 =	simm.s32 @p2 $0x1  }
0x17: {  	s4 =	simm.s32 $0x1BF5;
	[smem:$0x3FB4] =	sst s0  }
0x18: {  	s0 =	sld [smem:$0x3F97];
	_ =	swait.ge [sflag:s4], $0x0  }
0x19: {  	s7 =	sld [smem:$0x3F98]  }
0x1a: {  	s8 =	sadd.s32 $0xFFFFE003, lr  }
0x1b: {  	s9 =	sadd.s32 $0xFFFFFEF7, lr;
	s5 =	simm.s32 $0xFFFFFFFF;
	p2 =	slt.u32 s8, $0xFFFFF086  }
0x1c: {  	p1 =	slt.u32 s9, $0xF7A;
	s5 =	simm.s32 @!p2 $0x0  }
0x1d: {  	s5 =	simm.s32 @p1 $0x1;
	p0 =	seq.s32 s7, s2  }
0x1e: {  	s7 =	smul.u32 @!p0 $0xF7A, s2;
	p2 =	seq.s32 @!p0 s5, $0x0  }
0x1f: {  	s9 =	smul.u32 $0xF7A, s1;
	s8 =	simm.s32 @!p0 $0x1BF5;
	p2 =	por !p2, p0  }
0x20: {  	[sflag:s8] =	ssyncset.s32 @!p0 $0xFFFFF086;
	s6 =	sadd.s32 @!p0 s3, s7;
	s7 =	simm.s32 @!p0 $0x108  }
0x21: {  	s3 =	sadd.s32 s3, s9;
	s6 =	sadd.s32 @!p0 $0x88, s6;
	s7 =	simm.s32 @p2 $0x1082  }
0x22: {  	[simem:s7], [sflag:s8] =	dma.local @!p0 [hbm:s6], $0xF7A  }
0x23: {  	s9 =	sor.u32 $0xD0000000, s2;
	s6 =	simm.s32 $0x108;
	_ =	swait.ge @!p0 [sflag:s8], $0x0  }
0x24: {  	s3 =	sadd.s32 $0x88, s3;
	s6 =	simm.s32 @!p1 $0x1082;
	[sflag:s4] =	ssyncset.s32 $0xFFFFF086  }
0x25: {  	[simem:s6], [sflag:s4] =	dma.local [hbm:s3], $0xF7A  }
0x26: {  	[smem:$0x3F98] =	sst s1;
	(tag) =	ssettag s2;
	_ =	strace s9  }
0x27: {  	s1 =	sld [smem:$0x3FA8]  }
0x28: {  	s2 =	sld [smem:$0x3FA9]  }
0x29: {  	s4 =	sld [smem:$0x3FAB]  }
0x2a: {  	p0 =	seq.s32 s5, $0x0;
	s5 =	sld [smem:$0x3FAC]  }
0x2b: {  	s6 =	sld [smem:$0x3FAD]  }
0x2c: {  	s7 =	sld [smem:$0x3FAE]  }
0x2d: {  	s3 =	simm.s32 $0x108;
	s8 =	sld [smem:$0x3FAF]  }
0x2e: {  	s3 =	simm.s32 @!p0 $0x1082;
	s9 =	sld [smem:$0x3FB0]  }
0x2f: {  	lr =	sadd.s32 s0, s3;
	s0 =	sld [smem:$0x3FA7]  }
0x30: {  	s3 =	sld [smem:$0x3FAA]  }
0x31: {  	[smem:$0x3FB3] =	sst s10  }
0x32: {  	s10 =	sld [smem:$0x3FB1];
	_ =	sdelay $0x3  }
0x33: {  	p0 =	seq.s32 s10, $0x1;
	s10 =	sld [smem:$0x3FB3];
	_ =	sdelay $0x3  }
0x34: {  	[smem:$0x3FB3] =	sst s10  }
0x35: {  	s10 =	sld [smem:$0x3FB2];
	_ =	sdelay $0x3  }
0x36: {  	p1 =	seq.s32 s10, $0x1;
	s10 =	sld [smem:$0x3FB3];
	_ =	sdelay $0x3  }
0x37: {  	[smem:$0x3FB3] =	sst s10  }
0x38: {  	s10 =	sld [smem:$0x3FB4]  }
0x39: {  	_ = 	snop;
	(pc) =	sbr.ind lr, $3  }
0x3a: {  	_ = 	snop  }
0x3b: {  	_ = 	snop  }
0x3c: {  	p2 =	seq.s32 s10, $0x1;
	s10 =	sld [smem:$0x3FB3]  }
0x3d: {  	_ =	shalt  }
0x3e: {  	_ =	shalt  }
0x3f: {  	_ =	shalt  }
0x40: {  	_ =	shalt  }
0x41: {  	_ =	shalt  }
0x42: {  	_ =	shalt  }
0x43: {  	_ =	shalt  }
0x44: {  	_ =	shalt  }
0x45: {  	_ =	shalt  }
0x46: {  	_ =	shalt  }
0x47: {  	_ =	shalt  }
0x48: {  	_ =	shalt  }
0x49: {  	_ =	shalt  }
0x4a: {  	_ =	shalt  }
0x4b: {  	_ =	shalt  }
0x4c: {  	_ =	shalt  }
0x4d: {  	_ =	shalt  }
0x4e: {  	_ =	shalt  }
0x4f: {  	_ =	shalt  }
0x50: {  	_ =	shalt  }
0x51: {  	_ =	shalt  }
0x52: {  	_ =	shalt  }
0x53: {  	_ =	shalt  }
0x54: {  	_ =	shalt  }
0x55: {  	_ =	shalt  }
0x56: {  	_ =	shalt  }
0x57: {  	_ =	shalt  }
0x58: {  	_ =	shalt  }
0x59: {  	_ =	shalt  }
0x5a: {  	_ =	shalt  }
0x5b: {  	_ =	shalt  }
0x5c: {  	_ =	shalt  }
0x5d: {  	_ =	shalt  }
0x5e: {  	_ =	shalt  }
0x5f: {  	_ =	shalt  }
0x60: {  	_ =	shalt  }
0x61: {  	_ =	shalt  }
0x62: {  	_ =	shalt  }
0x63: {  	_ =	shalt  }
0x64: {  	_ =	shalt  }
0x65: {  	_ =	shalt  }
0x66: {  	_ =	shalt  }
0x67: {  	_ =	shalt  }
0x68: {  	_ =	shalt  }
0x69: {  	_ =	shalt  }
0x6a: {  	_ =	shalt  }
0x6b: {  	_ =	shalt  }
0x6c: {  	_ =	shalt  }
0x6d: {  	_ =	shalt  }
0x6e: {  	_ =	shalt  }
0x6f: {  	_ =	shalt  }
0x70: {  	_ =	shalt  }
0x71: {  	_ =	shalt  }
0x72: {  	_ =	shalt  }
0x73: {  	_ =	shalt  }
0x74: {  	_ =	shalt  }
0x75: {  	_ =	shalt  }
0x76: {  	_ =	shalt  }
0x77: {  	_ =	shalt  }
0x78: {  	_ =	shalt  }
0x79: {  	_ =	shalt  }
0x7a: {  	_ =	shalt  }
0x7b: {  	_ =	shalt  }
0x7c: {  	_ =	shalt  }
0x7d: {  	_ =	shalt  }
0x7e: {  	_ =	shalt  }
0x7f: {  	_ =	shalt  }
0x80: {  	_ =	shalt  }
0x81: {  	_ =	shalt  }
0x82: {  	_ =	shalt  }
0x83: {  	_ =	shalt  }
0x84: {  	_ =	shalt  }
0x85: {  	_ =	shalt  }
0x86: {  	_ =	shalt  }
0x87: {  	_ =	shalt  }
.Lfunc_end0:
.L_simem_size_0:
called_computation_lowered:
.L_overlay_start_0:
0x88: {  	s2 =	sld [smem:$0x3FD9]  }
0x89: {  	s3 =	sld [smem:$0x3FFE];
	_ =	sdelay $0x1  }
0x8a: {  	s1 =	srdreg.scid  }
0x8b: {  	s0 =	sand.u32 $0x1, s1  }
0x8c: {  	s17 =	sshll.u32 s0, $0xA;
	s2 =	sadd.s32 s3, s2  }
0x8d: {  	s2 =	sadd.s32 s2, s17  }
0x8e: {  	[smem:$0x3FBF] =	sst s2  }
0x8f: {  	_ = 	snop  }
0x90: {  	s2 =	sld [smem:$0x3FD0];
	(tm) =	ssettm $0x1  }
0x91: {  	s18 =	sld [smem:$0x3FFB];
	_ =	sdelay $0x3  }
0x92: {  	_ =	strace s18  }
0x93: {  	s3 =	sld [smem:$0x3FFC];
	_ =	sdelay $0x3  }
0x94: {  	_ =	strace s3  }
0x95: {  	s3 =	sld [smem:$0x3FFD];
	_ =	sdelay $0x3  }
0x96: {  	_ =	strace s3  }
0x97: {  	_ =	strace $0x8FFFFFFF  }
0x98: {  	s19 =	sld [smem:$0x3FDB];
	_ =	sdelay $0x1  }
0x99: {  	s4 =	simm.s32 $_scs_section_size  }
0x9a: {  	s5 =	simm.s32 $_size__tile_overlayer_lowered;
	s6 =	simm.s32 $_tile_overlayer_lowered  }
0x9b: {  	s22 =	simm.s32 $0x1BFF;
	s21 =	sshll.u32 s6, $0x1;
	s3 =	sadd.s32 s4, s19  }
0x9c: {  	s7 =	simm.s32 $0x0;
	s20 =	sshll.u32 s5, $0x1;
	s5 =	sadd.s32 s21, s3  }
0x9d: {  	[timem:s7], [sflag:s22] =	dma.local [hbm:s5], s20  }
0x9e: {  	_ =	swait.ge [sflag:s22], s20  }
0x9f: {  	s4 =	ssub.s32 $0x0, s20;
	[sflag:s22] =	ssyncset.done $0x0  }
0xa0: {  	[sflag:s22] =	ssyncadd.s32 s4;
	_ =	sdelay $0x1  }
0xa1: {  	s23 =	simm.s32 $0x1B8B  }
0xa2: {  	_ =	swait.ge [sflag:s23], $0x1  }
0xa3: {  	[sflag:s23] =	ssyncset.done $0x0  }
0xa4: {  	s25 =	simm.s32 $0x1B8E;
	s24 =	sld [smem:$0x3FFE];
	[sflag:s23] =	ssyncadd.s32 $0xFFFFFFFF  }
0xa5: {  	s26 =	simm.s32 $execute0_lowered;
	[smem:$0x3FD2] =	sst s25  }
0xa6: {  	s5 =	sshll.u32 s26, $0x1;
	_ =	strace $0x80000046;
	[dreg:$0x1] =	wrdreg $0xFFFFFFFF  }
0xa7: {  	s28 =	simm.s32 $_size_execute0_lowered;
	s3 =	sadd.s32 s3, s5;
	[dreg:$0x0] =	wrdreg $0x0  }
0xa8: {  	s5 =	sshll.u32 s28, $0x1;
	[dreg:$0x2] =	wrdreg s3  }
0xa9: {  	[dreg:$0x3] =	wrdreg s5  }
0xaa: {  	[dreg:$0x4] =	wrdreg $0xC0  }
0xab: {  	_ =	task [dreg:s7], $0x5FFFF  }
0xac: {  	[dreg:$0x1] =	wrdreg $0xFFFFFFFF  }
0xad: {  	[dreg:$0x0] =	wrdreg $0x60  }
0xae: {  	[dreg:$0x2] =	wrdreg s24  }
0xaf: {  	[dreg:$0x3] =	wrdreg s2  }
0xb0: {  	[dreg:$0x4] =	wrdreg $0x0  }
0xb1: {  	[dreg:$0x5] =	wrdreg $0x9  }
0xb2: {  	_ =	task.clear_ibuf [dreg:s7], $0x6FFFF;
	_ =	strace $0x90000046  }
0xb3: {  	s29 =	simm.s32 $0x9;
	_ =	strace $0x80000048  }
0xb4: {  	_ =	swait.ge [sflag:s29], $0x1  }
0xb5: {  	[sflag:s29] =	ssyncadd.s32 $0xFFFFFFFF  }
0xb6: {  	_ =	strace $0x90000048  }
0xb7: {  	_ =	sfence  }
0xb8: {  	s30 =	sld [smem:$0x0];
	_ =	sdelay $0x2  }
0xb9: {  	s31 =	sshll.u32 s1, $0xD;
	s1 =	sshrl.u32 s1, $0x2  }
0xba: {  	s3 =	sand.u32 $0x4000, s31;
	s1 =	sadd.s32 s1, s30  }
0xbb: {  	s0 =	sor.u32 s3, s0;
	s1 =	sshll.u32 s1, $0x11  }
0xbc: {  	s0 =	sor.u32 s1, s0  }
0xbd: {  	s0 =	sadd.s32 $0x8F2B, s0  }
0xbe: {  	[sflag:s0] =	ssyncadd.remote.s32 $0x1  }
0xbf: {  	_ =	sfence.sel $0xFFFF  }
0xc0: {  	[dreg:$0x0] =	wrdreg $0xFFFFFFFF;
	(pc) =	sbr.abs _section_cstart, $3  }
0xc1: {  	[dreg:$0x1] =	wrdreg $0xFFFFFFFF  }
0xc2: {  	_ =	task.clear_ibuf [dreg:s7], $0x2FFFF;
	_ =	strace $0x9FFFFFFF  }
0xc3: {  	(tm) =	ssettm $0x7FFFFFFF  }
tec
execute0_lowered:
.L_overlay_start_1:
0x0: {  	(tag) =	ssettag $0x1  }
0x1: {  	s1 =	rddreg [dreg:$0x0]  }
0x2: {  	s2 =	rddreg [dreg:$0x1]  }
0x3: {  	s3 =	rddreg [dreg:$0x2];
	s5 =	simm.s32 $0x0  }
0x4: {  	s12 =	stileid.u32;
	s0 =	srdreg.scid;
	s29 =	simm.s32 $0x13C00  }
0x5: {  	s30 =	simm.s32 $0x16380;
	s28 =	simm.s32 $0x6;
	s31 =	simm.s32 $0x19400  }
0x6: {  	[smem:$0x7FF] =	sst s5;
	s6 =	sadd.s32 $0x9D000, s1;
	s4 =	smul.u32 $0x2780, s12  }
0x7: {  	s0 =	sand.u32 $0x1, s0;
	s7 =	sadd.s32 $0x9CA00, s1;
	s8 =	sadd.s32 $0x9E00, s1  }
0x8: {  	s11 =	smul.u32 $0x4F000, s12;
	s16 =	sshll.u32 s12, $0x6;
	_ =	strace $0x80000047  }
0x9: {  	[dreg:$0x4] =	wrdreg s7;
	s26 =	smul.u32 $0x27800, s0;
	s10 =	sshll.u32 s0, $0x4  }
0xa: {  	s0 =	ssub.s32 $0x2, s0;
	s9 =	sadd.s32 s4, s1;
	s13 =	sor.u32 s12, s10  }
0xb: {  	s14 =	sshrl.u32 s0, $0x1;
	s11 =	sshrl.u32 s11, $0x2;
	s12 =	simm.s32 $0x19600  }
0xc: {  	s4 =	sadd.s32 s4, s26;
	s7 =	smul.u32 $0x2760, s13;
	s15 =	sadd.s32 s11, s3  }
0xd: {  	s0 =	ssub.s32 s0, s14;
	s9 =	sadd.s32 $0x13C00, s9;
	[dreg:$0x5] =	wrdreg s15  }
0xe: {  	s14 =	sor.u32 $0x1C0A, s16;
	s26 =	sadd.s32 $0x9C400, s1;
	[dreg:$0x6] =	wrdreg s9  }
0xf: {  	s13 =	simm.s32 $0x2;
	s16 =	simm.s32 $0x4;
	[dreg:$0x14] =	wrdreg s26  }
0x10: {  	s4 =	sadd.s32 s4, s1;
	s0 =	smax.u32 s0, $0x1;
	[dreg:$0x7] =	wrdreg s14  }
0x11: {  	s17 =	sshrl.u32 s7, $0x3;
	s4 =	sadd.s32 $0x3B400, s4;
	[dreg:$0x13] =	wrdreg s0  }
0x12: {  	s11 =	simm.s32 $0x7;
	s18 =	sadd.s32 s2, s17;
	[dreg:$0x12] =	wrdreg s4  }
0x13: {  	s15 =	simm.s32 $0x1AE00;
	s20 =	sadd.s32 s8, s17;
	[dreg:$0x8] =	wrdreg s18  }
0x14: {  	s19 =	sadd.s32 $0x6, s17;
	s21 =	sadd.s32 s1, s17;
	[dreg:$0x9] =	wrdreg s20  }
0x15: {  	s26 =	simm.s32 $0x19380;
	[dreg:$0xa] =	wrdreg s21;
	s22 =	sadd.s32 s2, s19  }
0x16: {  	s24 =	sadd.s32 $0xC, s17;
	s23 =	sadd.s32 s8, s19;
	[dreg:$0xb] =	wrdreg s22  }
0x17: {  	s4 =	simm.s32 $0xA;
	s9 =	sadd.s32 s1, s19;
	[dreg:$0xc] =	wrdreg s23  }
0x18: {  	s17 =	simm.s32 $0x19500;
	s10 =	sadd.s32 s2, s24;
	[dreg:$0xd] =	wrdreg s9  }
0x19: {  	s25 =	sadd.s32 s8, s24;
	s21 =	sadd.s32 $0x90, s7;
	[dreg:$0xe] =	wrdreg s10  }
0x1a: {  	s19 =	simm.s32 $0x3;
	[dreg:$0xf] =	wrdreg s25;
	s9 =	sadd.s32 s1, s24  }
0x1b: {  	s22 =	sadd.s32 $0xC0, s7;
	s7 =	sadd.s32 $0xF0, s7;
	s24 =	simm.s32 $0x1C600  }
0x1c: {  	s25 =	simm.s32 $0x5;
	s10 =	simm.s32 $0x0;
	[dreg:$0x10] =	wrdreg s9  }
0x1d: {  	[dreg:$0x11] =	wrdreg s7;
	s7 =	simm.s32 $0x1;
	s9 =	simm.s32 $0x30  }
.LBB2_1:
0x1e: {  	[dreg:$0x15] =	wrdreg s10  }
0x1f: {  	s0 =	rddreg [dreg:$0x5]  }
0x20: {  	s23 =	rddreg [dreg:$0x6];
	s20 =	sshrl.u32 s0, $0x3  }
0x21: {  	[dreg:$0x16] =	wrdreg s20  }
0x22: {  	[spmem:s20], [sflag:s14] =	dma.local [hbm:s23], $0x2780  }
0x23: {  	_ =	swait.ge [sflag:s4], $0x2780  }
0x24: {  	[sflag:s4] =	ssyncset.done $0x0  }
0x25: {  	s14 =	rddreg [dreg:$0x4];
	[sflag:s4] =	ssyncadd.s32 $0xFFFFD880  }
0x26: {  	[tilespmem:s29], [sflag:$0xA] =	stream.linear.gather [hbm4b:s14+s5], $0x2780, $0x38;
	[tilespmem:$0x1DE00] =	vst v63  }
0x27: {  	_ =	swait.ge [sflag:s4], $0x2780  }
0x28: {  	[sflag:s4] =	ssyncset.done $0x0  }
0x29: {  	s18 =	rddreg [dreg:$0x14];
	[sflag:s4] =	ssyncadd.s32 $0xFFFFD880  }
0x2a: {  	[tilespmem:s30], [sflag:$0xA] =	stream.linear.gather [hbm4b:s18+s5], $0x2780, $0x38;
	[tilespmem:$0x1DE00] =	vst v63  }
0x2b: {  	_ =	swait.ge [sflag:s4], $0x2780  }
0x2c: {  	[sflag:s4] =	ssyncset.done $0x0  }
0x2d: {  	[sflag:s4] =	ssyncadd.s32 $0xFFFFD880  }
0x2e: {  	[bflag:$0x0] =	sbarrier.arrive $0xFFFF  }
0x2f: {  	s23 =	simm.s32 $0x18B00;
	s20 =	rddreg [dreg:$0x8]  }
0x30: {  	[tilespmem:s23], [sflag:$0x1] =	stream.linear.gather [hbm4b:s20+s5], $0x30, $0x38;
	[tilespmem:$0x1DE00] =	vst v63  }
0x31: {  	s10 =	simm.s32 $0x18D00;
	s4 =	rddreg [dreg:$0x9]  }
0x32: {  	[tilespmem:s10], [sflag:$0x1] =	stream.linear.gather [hbm4b:s4+s5], $0x30, $0x38;
	[tilespmem:$0x1DE00] =	vst v63  }
0x33: {  	s18 =	simm.s32 $0x18F00;
	s14 =	rddreg [dreg:$0xa]  }
0x34: {  	[tilespmem:s18], [sflag:$0x1] =	stream.linear.gather [hbm4b:s14+s5], $0x30, $0x38;
	[tilespmem:$0x1DE00] =	vst v63  }
0x35: {  	s20 =	rddreg [dreg:$0xb];
	s23 =	simm.s32 $0x18B80  }
0x36: {  	[tilespmem:s23], [sflag:$0x2] =	stream.linear.gather [hbm4b:s20+s5], $0x30, $0x38;
	[tilespmem:$0x1DE00] =	vst v63  }
0x37: {  	s4 =	rddreg [dreg:$0xc];
	s10 =	simm.s32 $0x18D80  }
0x38: {  	[tilespmem:s10], [sflag:$0x2] =	stream.linear.gather [hbm4b:s4+s5], $0x30, $0x38;
	[tilespmem:$0x1DE00] =	vst v63  }
0x39: {  	s14 =	rddreg [dreg:$0xd];
	s18 =	simm.s32 $0x18F80  }
0x3a: {  	[tilespmem:s18], [sflag:$0x2] =	stream.linear.gather [hbm4b:s14+s5], $0x30, $0x38;
	[tilespmem:$0x1DE00] =	vst v63  }
0x3b: {  	s20 =	rddreg [dreg:$0xe];
	s23 =	simm.s32 $0x18C00  }
0x3c: {  	[tilespmem:s23], [sflag:$0x3] =	stream.linear.gather [hbm4b:s20+s5], $0x30, $0x38;
	[tilespmem:$0x1DE00] =	vst v63  }
0x3d: {  	s10 =	rddreg [dreg:$0xf];
	s14 =	simm.s32 $0x18E00  }
0x3e: {  	[tilespmem:s14], [sflag:$0x3] =	stream.linear.gather [hbm4b:s10+s5], $0x30, $0x38;
	[tilespmem:$0x1DE00] =	vst v63  }
0x3f: {  	s18 =	rddreg [dreg:$0x10];
	s20 =	simm.s32 $0x19000  }
0x40: {  	[tilespmem:s20], [sflag:$0x3] =	stream.linear.gather [hbm4b:s18+s5], $0x30, $0x38;
	[tilespmem:$0x1DE00] =	vst v63  }
0x41: {  	_ =	swait.ge [sflag:s7], $0x30  }
0x42: {  	[sflag:s7] =	ssyncset.done $0x0  }
0x43: {  	[sflag:s7] =	ssyncadd.s32 $0xFFFFFFD0  }
0x44: {  	_ =	swait.ge [sflag:s7], $0x30  }
0x45: {  	[sflag:s7] =	ssyncset.done $0x0  }
0x46: {  	[sflag:s7] =	ssyncadd.s32 $0xFFFFFFD0  }
0x47: {  	_ =	swait.ge [sflag:s7], $0x30  }
0x48: {  	[sflag:s7] =	ssyncset.done $0x0  }
0x49: {  	[sflag:s7] =	ssyncadd.s32 $0xFFFFFFD0  }
0x4a: {  	v0 =	vld [tilespmem:$0x18B00]  }
0x4b: {  	v1 =	vld [tilespmem:$0x18F00]  }
0x4c: {  	v2 =	vld [tilespmem:$0x18D00];
	_ =	sdelay $0x3  }
0x4d: {  	v3 =	vshll.u32 v0, $0x2  }
0x4e: {  	[tilespmem:$0x19300] =	vst v2;
	v1 =	vadd.s32 v3, v1  }
0x4f: {  	[tilespmem:$0x19100] =	vst v1  }
0x50: {  	v0 =	vld.idx.msk [tilespmem:v0+s29+$0x0], $0xffff  }
0x51: {  	v1 =	vld.idx.msk [tilespmem:v2+s30+$0x0], $0xffff;
	_ =	sdelay $0x4  }
0x52: {  	v0 =	vadd.f32 v1, v0;
	_ =	sdelay $0x1  }
0x53: {  	v0 =	vsub.f32 $0.0e+00, v0;
	_ =	sdelay $0x1  }
0x54: {  	v0 =	vmul.f32 $1.442695020e+00, v0;
	_ =	sdelay $0x1  }
0x55: {  	(erf) = vpow2.f32 v0;
	_ =	sdelay $0x8  }
0x56: {  	v0 =	vpop (erf)  }
0x57: {  	v0 =	vadd.f32 $1.000000000e+00, v0;
	_ =	sdelay $0x1  }
0x58: {  	(erf) = vrcp.f32 v0  }
0x59: {  	v55 =	vld [tilespmem:$0x18B10]  }
0x5a: {  	v56 =	vld [tilespmem:$0x18F10]  }
0x5b: {  	v57 =	vld [tilespmem:$0x18D10];
	_ =	sdelay $0x3  }
0x5c: {  	v4 =	vshll.u32 v55, $0x2  }
0x5d: {  	[tilespmem:$0x19310] =	vst v57;
	v1 =	vadd.s32 v4, v56  }
0x5e: {  	[tilespmem:$0x19110] =	vst v1;
	v58 =	vpop (erf)  }
0x5f: {  	[tilespmem:$0x19500] =	vst v58  }
0x60: {  	v0 =	vld.idx.msk [tilespmem:v55+s29+$0x0], $0xffff  }
0x61: {  	v1 =	vld.idx.msk [tilespmem:v57+s30+$0x0], $0xffff;
	_ =	sdelay $0x4  }
0x62: {  	v0 =	vadd.f32 v1, v0;
	_ =	sdelay $0x1  }
0x63: {  	v0 =	vsub.f32 $0.0e+00, v0;
	_ =	sdelay $0x1  }
0x64: {  	v0 =	vmul.f32 $1.442695020e+00, v0;
	_ =	sdelay $0x1  }
0x65: {  	(erf) = vpow2.f32 v0;
	_ =	sdelay $0x8  }
0x66: {  	v0 =	vpop (erf)  }
0x67: {  	v0 =	vadd.f32 $1.000000000e+00, v0;
	_ =	sdelay $0x1  }
0x68: {  	(erf) = vrcp.f32 v0  }
0x69: {  	v59 =	vld [tilespmem:$0x18B20]  }
0x6a: {  	v60 =	vld [tilespmem:$0x18F20]  }
0x6b: {  	v61 =	vld [tilespmem:$0x18D20];
	_ =	sdelay $0x3  }
0x6c: {  	v63 =	vshll.u32 v59, $0x2  }
0x6d: {  	[tilespmem:$0x19320] =	vst v61;
	v1 =	vadd.s32 v63, v60  }
0x6e: {  	[tilespmem:$0x19120] =	vst v1;
	v62 =	vpop (erf)  }
0x6f: {  	[tilespmem:$0x19510] =	vst v62  }
0x70: {  	v0 =	vld.idx.msk [tilespmem:v59+s29+$0x0], $0xffff  }
0x71: {  	v1 =	vld.idx.msk [tilespmem:v61+s30+$0x0], $0xffff;
	_ =	sdelay $0x4  }
0x72: {  	v0 =	vadd.f32 v1, v0;
	_ =	sdelay $0x1  }
0x73: {  	v0 =	vsub.f32 $0.0e+00, v0;
	_ =	sdelay $0x1  }
0x74: {  	v0 =	vmul.f32 $1.442695020e+00, v0;
	_ =	sdelay $0x1  }
0x75: {  	(erf) = vpow2.f32 v0;
	_ =	sdelay $0x8  }
0x76: {  	v0 =	vpop (erf)  }
0x77: {  	v0 =	vadd.f32 $1.000000000e+00, v0;
	_ =	sdelay $0x1  }
0x78: {  	(erf) = vrcp.f32 v0;
	_ =	sdelay $0x8  }
0x79: {  	v0 =	vpop (erf)  }
0x7a: {  	s0 =	simm.s32 $0x0;
	s23 =	simm.s32 $0x19100;
	[tilespmem:$0x19520] =	vst v0  }
0x7b: {  	[tilespmem:s12], [sflag:$0x4] =	stream.indirect.gather [hbm4b:s6+s9], $0x80, s23, s9, $0xb8;
	[tilespmem:$0x1DE00] =	vst v63  }
.LBB2_2:
0x7c: {  	p1 =	seq.s32 s0, $0x0  }
0x7d: {  	s4 =	simm.s32 @!p1 $0x8  }
0x7e: {  	_ =	swait.ge @!p1 [sflag:s4], $0x1800  }
0x7f: {  	[sflag:s4] =	ssyncset.done @!p1 $0x0  }
0x80: {  	[sflag:s4] =	ssyncadd.s32 @!p1 $0xFFFFE800  }
0x81: {  	_ =	swait.ge [sflag:s13], $0x30  }
0x82: {  	[sflag:s13] =	ssyncset.done $0x0  }
0x83: {  	[sflag:s13] =	ssyncadd.s32 $0xFFFFFFD0  }
0x84: {  	_ =	swait.ge [sflag:s13], $0x30  }
0x85: {  	[sflag:s13] =	ssyncset.done $0x0  }
0x86: {  	[sflag:s13] =	ssyncadd.s32 $0xFFFFFFD0  }
0x87: {  	_ =	swait.ge [sflag:s13], $0x30  }
0x88: {  	[sflag:s13] =	ssyncset.done $0x0  }
0x89: {  	[sflag:s13] =	ssyncadd.s32 $0xFFFFFFD0  }
0x8a: {  	v0 =	vld [tilespmem:$0x18B80]  }
0x8b: {  	v1 =	vld [tilespmem:$0x18F80]  }
0x8c: {  	v2 =	vld [tilespmem:$0x18D80];
	_ =	sdelay $0x3  }
0x8d: {  	v3 =	vshll.u32 v0, $0x2  }
0x8e: {  	[tilespmem:$0x19380] =	vst v2;
	v1 =	vadd.s32 v3, v1  }
0x8f: {  	[tilespmem:$0x19180] =	vst v1  }
0x90: {  	v0 =	vld.idx.msk [tilespmem:v0+s29+$0x0], $0xffff  }
0x91: {  	v1 =	vld.idx.msk [tilespmem:v2+s30+$0x0], $0xffff;
	_ =	sdelay $0x4  }
0x92: {  	v0 =	vadd.f32 v1, v0;
	_ =	sdelay $0x1  }
0x93: {  	v0 =	vsub.f32 $0.0e+00, v0;
	_ =	sdelay $0x1  }
0x94: {  	v0 =	vmul.f32 $1.442695020e+00, v0;
	_ =	sdelay $0x1  }
0x95: {  	(erf) = vpow2.f32 v0;
	_ =	sdelay $0x8  }
0x96: {  	v0 =	vpop (erf)  }
0x97: {  	v0 =	vadd.f32 $1.000000000e+00, v0;
	_ =	sdelay $0x1  }
0x98: {  	(erf) = vrcp.f32 v0  }
0x99: {  	v2 =	vld [tilespmem:$0x18D90]  }
0x9a: {  	v0 =	vld [tilespmem:$0x18B90]  }
0x9b: {  	v1 =	vld [tilespmem:$0x18F90];
	_ =	sdelay $0x3  }
0x9c: {  	v4 =	vshll.u32 v0, $0x2  }
0x9d: {  	[tilespmem:$0x19390] =	vst v2;
	v1 =	vadd.s32 v4, v1  }
0x9e: {  	[tilespmem:$0x19190] =	vst v1;
	v3 =	vpop (erf)  }
0x9f: {  	[tilespmem:$0x19530] =	vst v3  }
0xa0: {  	v0 =	vld.idx.msk [tilespmem:v0+s29+$0x0], $0xffff  }
0xa1: {  	v1 =	vld.idx.msk [tilespmem:v2+s30+$0x0], $0xffff;
	_ =	sdelay $0x4  }
0xa2: {  	v0 =	vadd.f32 v1, v0;
	_ =	sdelay $0x1  }
0xa3: {  	v0 =	vsub.f32 $0.0e+00, v0;
	_ =	sdelay $0x1  }
0xa4: {  	v0 =	vmul.f32 $1.442695020e+00, v0;
	_ =	sdelay $0x1  }
0xa5: {  	(erf) = vpow2.f32 v0;
	_ =	sdelay $0x8  }
0xa6: {  	v0 =	vpop (erf)  }
0xa7: {  	v0 =	vadd.f32 $1.000000000e+00, v0;
	_ =	sdelay $0x1  }
0xa8: {  	(erf) = vrcp.f32 v0  }
0xa9: {  	v2 =	vld [tilespmem:$0x18DA0]  }
0xaa: {  	v0 =	vld [tilespmem:$0x18BA0]  }
0xab: {  	v1 =	vld [tilespmem:$0x18FA0];
	_ =	sdelay $0x3  }
0xac: {  	v4 =	vshll.u32 v0, $0x2  }
0xad: {  	[tilespmem:$0x193A0] =	vst v2;
	v1 =	vadd.s32 v4, v1  }
0xae: {  	[tilespmem:$0x191A0] =	vst v1;
	v3 =	vpop (erf)  }
0xaf: {  	[tilespmem:$0x19540] =	vst v3  }
0xb0: {  	v0 =	vld.idx.msk [tilespmem:v0+s29+$0x0], $0xffff  }
0xb1: {  	v1 =	vld.idx.msk [tilespmem:v2+s30+$0x0], $0xffff;
	_ =	sdelay $0x4  }
0xb2: {  	v0 =	vadd.f32 v1, v0;
	_ =	sdelay $0x1  }
0xb3: {  	v0 =	vsub.f32 $0.0e+00, v0;
	_ =	sdelay $0x1  }
0xb4: {  	v0 =	vmul.f32 $1.442695020e+00, v0;
	_ =	sdelay $0x1  }
0xb5: {  	(erf) = vpow2.f32 v0;
	_ =	sdelay $0x8  }
0xb6: {  	v0 =	vpop (erf)  }
0xb7: {  	v0 =	vadd.f32 $1.000000000e+00, v0;
	_ =	sdelay $0x1  }
0xb8: {  	(erf) = vrcp.f32 v0;
	_ =	sdelay $0x8  }
0xb9: {  	p0 =	seq.s32 s0, $0x45;
	v0 =	vpop (erf)  }
0xba: {  	s10 =	simm.s32 $0x19180;
	s4 =	smul.u32 @!p0 $0x90, s0;
	[tilespmem:$0x19550] =	vst v0  }
0xbb: {  	[tilespmem:s15], [sflag:$0x5] =	stream.indirect.gather [hbm4b:s6+s9], $0x80, s10, s9, $0xb8;
	[tilespmem:$0x1DE00] =	vst v63  }
0xbc: {  	s10 =	sadd.s32 @!p0 s4, s21  }
0xbd: {  	s20 =	simm.s32 $0x0;
	s10 =	sshrl.u32 @!p0 s10, $0x3  }
0xbe: {  	s18 =	simm.s32 @!p0 $0x0;
	s23 =	simm.s32 @!p0 $0x18B00;
	s14 =	sadd.s32 @!p0 s2, s10  }
0xbf: {  	[tilespmem:s23], [sflag:$0x1] =	stream.linear.gather @!p0 [hbm4b:s14+s18], $0x30, $0x38;
	[tilespmem:$0x1DE00] =	vst v63  }
0xc0: {  	v0 =	vmov s20;
	s14 =	sadd.s32 @!p0 s8, s10;
	s23 =	simm.s32 @!p0 $0x18D00  }
0xc1: {  	v0 =	vand.u32 $0xFFFFFFFE, v0;
	[tilespmem:s23], [sflag:$0x1] =	stream.linear.gather @!p0 [hbm4b:s14+s18], $0x30, $0x38;
	[tilespmem:$0x1DE00] =	vst v63  }
0xc2: {  	v1 =	vbroadcast v0, $0x0;
	s10 =	sadd.s32 @!p0 s1, s10;
	s14 =	simm.s32 @!p0 $0x18F00  }
0xc3: {  	[tilespmem:s14], [sflag:$0x1] =	stream.linear.gather @!p0 [hbm4b:s10+s18], $0x30, $0x38;
	[tilespmem:$0x1DE00] =	vst v63  }
0xc4: {  	_ =	swait.ge [sflag:s16], $0x1800  }
0xc5: {  	[sflag:s16] =	ssyncset.done $0x0  }
0xc6: {  	s10 =	simm.s32 $0x19680;
	[sflag:s16] =	ssyncadd.s32 $0xFFFFE800  }
0xc7: {  	v4 =	vld [tilespmem:s10+$0xFFFFFFF0]  }
0xc8: {  	v5 =	vld.idx.msk [tilespmem:v1+s17+$0x0], $0xffff  }
0xc9: {  	v6 =	vld [tilespmem:s10+$0xFFFFFF80]  }
0xca: {  	v7 =	vld [tilespmem:s10+$0xFFFFFFA0]  }
0xcb: {  	v3 =	vld [tilespmem:s10+$0xFFFFFFB0]  }
0xcc: {  	v2 =	vld [tilespmem:s10+$0xFFFFFFD0]  }
0xcd: {  	v8 =	vld [tilespmem:s10+$0xFFFFFFE0];
	v4 =	vmul.f32 v4, v5  }
0xce: {  	v9 =	vld [tilespmem:s10+$0xFFFFFF90];
	v6 =	vmul.f32 v6, v5  }
0xcf: {  	v10 =	vld [tilespmem:s10+$0xFFFFFFC0];
	v7 =	vmul.f32 v7, v5;
	[tilespmem:s10+$0xFFFFFFF0] =	vst v4  }
0xd0: {  	v3 =	vmul.f32 v3, v5;
	[tilespmem:s10+$0xFFFFFF80] =	vst v6  }
0xd1: {  	s23 =	simm.s32 $0x1;
	v2 =	vmul.f32 v2, v5;
	[tilespmem:s10+$0xFFFFFFA0] =	vst v7  }
0xd2: {  	v4 =	vmul.f32 v8, v5;
	[tilespmem:s10+$0xFFFFFFB0] =	vst v3;
	v6 =	vmov s23  }
0xd3: {  	v0 =	vld [tilespmem:s10+$0x0];
	v3 =	vmul.f32 v9, v5;
	[tilespmem:s10+$0xFFFFFFD0] =	vst v2  }
0xd4: {  	v1 =	vld [tilespmem:s10+$0x10];
	v2 =	vmul.f32 v10, v5;
	[tilespmem:s10+$0xFFFFFFE0] =	vst v4  }
0xd5: {  	[tilespmem:s10+$0xFFFFFF90] =	vst v3;
	v4 =	vld [tilespmem:s10+$0x20]  }
0xd6: {  	[tilespmem:s10+$0xFFFFFFC0] =	vst v2;
	v3 =	vld [tilespmem:s10+$0x70]  }
0xd7: {  	s14 =	simm.s32 $0x19680;
	s23 =	simm.s32 $0x3;
	v2 =	vld.idx.msk [tilespmem:v6+s17+$0x0], $0xffff  }
.LBB2_3:
0xd8: {  	p2 =	sne.s32 s23, $0x2F  }
0xd9: {  	v5 =	vld [tilespmem:s10+$0x50];
	s14 =	sadd.s32 $0x100, s14;
	s18 =	smov.u32 s23;
	s23 =	sadd.s32 $0x2, s23  }
0xda: {  	v6 =	vld [tilespmem:s10+$0x30]  }
0xdb: {  	v7 =	vld [tilespmem:s10+$0x40]  }
0xdc: {  	v8 =	vld [tilespmem:s10+$0x60];
	_ =	sdelay $0x1  }
0xdd: {  	v0 =	vmul.f32 v0, v2;
	v1 =	vmul.f32 v1, v2  }
0xde: {  	s20 =	sadd.s32 $0xFFFFFFFF, s18;
	v4 =	vmul.f32 v4, v2;
	v6 =	vmul.f32 v6, v2  }
0xdf: {  	v9 =	vmov s20;
	v5 =	vmul.f32 v5, v2;
	[tilespmem:s10+$0x0] =	vst v0;
	v7 =	vmul.f32 v7, v2  }
0xe0: {  	v9 =	vand.u32 $0xFFFFFFFE, v9;
	v0 =	vld [tilespmem:s14+$0x0];
	[tilespmem:s10+$0x20] =	vst v4;
	v4 =	vmul.f32 v8, v2;
	v2 =	vmul.f32 v3, v2  }
0xe1: {  	v3 =	vbroadcast v9, $0x0;
	[tilespmem:s10+$0x10] =	vst v1  }
0xe2: {  	[tilespmem:s10+$0x30] =	vst v6  }
0xe3: {  	v6 =	vld [tilespmem:s14+$0xFFFFFFD0];
	[tilespmem:s10+$0x70] =	vst v2  }
0xe4: {  	v2 =	vld [tilespmem:s14+$0xFFFFFFB0];
	[tilespmem:s10+$0x50] =	vst v5  }
0xe5: {  	v5 =	vld [tilespmem:s14+$0xFFFFFFE0];
	[tilespmem:s10+$0x60] =	vst v4  }
0xe6: {  	v4 =	vld [tilespmem:s14+$0xFFFFFFF0];
	[tilespmem:s10+$0x40] =	vst v7;
	s10 =	smov.u32 s14  }
0xe7: {  	v3 =	vld.idx.msk [tilespmem:v3+s17+$0x0], $0xffff  }
0xe8: {  	v7 =	vld [tilespmem:s14+$0xFFFFFF80]  }
0xe9: {  	v8 =	vld [tilespmem:s14+$0xFFFFFFA0]  }
0xea: {  	v9 =	vld [tilespmem:s14+$0xFFFFFF90]  }
0xeb: {  	v10 =	vld [tilespmem:s14+$0xFFFFFFC0]  }
0xec: {  	v1 =	vld [tilespmem:s14+$0x10]  }
0xed: {  	v4 =	vmul.f32 v4, v3;
	v7 =	vmul.f32 v7, v3  }
0xee: {  	v5 =	vmul.f32 v5, v3;
	v8 =	vmul.f32 v8, v3  }
0xef: {  	v2 =	vmul.f32 v2, v3;
	v9 =	vmul.f32 v9, v3;
	[tilespmem:s14+$0xFFFFFFF0] =	vst v4  }
0xf0: {  	[tilespmem:s14+$0xFFFFFF80] =	vst v7;
	v7 =	vmul.f32 v10, v3;
	v3 =	vmul.f32 v6, v3  }
0xf1: {  	[tilespmem:s14+$0xFFFFFFA0] =	vst v8  }
0xf2: {  	[tilespmem:s14+$0xFFFFFFB0] =	vst v2;
	v2 =	vmov s18  }
.Ltmp0:
0xf3: {  	[tilespmem:s14+$0xFFFFFFD0] =	vst v3;
	(pc) =	sbr.rel @p2 .LBB2_3-.Ltmp0, $4  }
0xf4: {  	[tilespmem:s14+$0xFFFFFFE0] =	vst v5  }
0xf5: {  	[tilespmem:s14+$0xFFFFFF90] =	vst v9;
	v4 =	vld [tilespmem:s14+$0x20]  }
0xf6: {  	[tilespmem:s14+$0xFFFFFFC0] =	vst v7;
	v3 =	vld [tilespmem:s14+$0x70]  }
0xf7: {  	v2 =	vld.idx.msk [tilespmem:v2+s17+$0x0], $0xffff  }
0xf8: {  	_ =	sdelay $0x2  }
0xf9: {  	v5 =	vld [tilespmem:s10+$0x30]  }
0xfa: {  	v6 =	vld [tilespmem:s10+$0x50];
	v0 =	vmul.f32 v0, v2  }
0xfb: {  	v7 =	vld [tilespmem:s10+$0x60];
	v4 =	vmul.f32 v4, v2  }
0xfc: {  	v8 =	vld [tilespmem:s10+$0x40];
	v1 =	vmul.f32 v1, v2;
	[tilespmem:s10+$0x0] =	vst v0  }
0xfd: {  	v3 =	vmul.f32 v3, v2;
	[tilespmem:s10+$0x20] =	vst v4  }
0xfe: {  	v0 =	vmul.f32 v5, v2;
	[tilespmem:s10+$0x10] =	vst v1  }
0xff: {  	v1 =	vmul.f32 v6, v2;
	[tilespmem:s10+$0x70] =	vst v3  }
0x100: {  	[tilespmem:s10+$0x30] =	vst v0;
	v0 =	vmul.f32 v7, v2  }
0x101: {  	v2 =	vmul.f32 v8, v2;
	[tilespmem:s10+$0x50] =	vst v1  }
0x102: {  	[tilespmem:s10+$0x60] =	vst v0  }
0x103: {  	s14 =	simm.s32 $0x19300;
	[tilespmem:s10+$0x40] =	vst v2;
	s10 =	simm.s32 @!p1 $0x9  }
0x104: {  	[spmem:s3] =	stream.indirect.scatter.add.f32 [tilespmem:s12], [sflag:$0x7], $0x80, s14, s9, $0xb8;
	[tilespmem:$0x1DE00] =	vst v63  }
0x105: {  	_ =	swait.ge @!p1 [sflag:s10], $0x1800  }
0x106: {  	[sflag:s10] =	ssyncset.done @!p1 $0x0  }
0x107: {  	[sflag:s10] =	ssyncadd.s32 @!p1 $0xFFFFE800  }
0x108: {  	_ =	swait.ge [sflag:s19], $0x30  }
0x109: {  	[sflag:s19] =	ssyncset.done $0x0  }
0x10a: {  	[sflag:s19] =	ssyncadd.s32 $0xFFFFFFD0  }
0x10b: {  	_ =	swait.ge [sflag:s19], $0x30  }
0x10c: {  	[sflag:s19] =	ssyncset.done $0x0  }
0x10d: {  	[sflag:s19] =	ssyncadd.s32 $0xFFFFFFD0  }
0x10e: {  	_ =	swait.ge [sflag:s19], $0x30  }
0x10f: {  	[sflag:s19] =	ssyncset.done $0x0  }
0x110: {  	[sflag:s19] =	ssyncadd.s32 $0xFFFFFFD0  }
0x111: {  	v0 =	vld [tilespmem:$0x18C00]  }
0x112: {  	v1 =	vld [tilespmem:$0x19000]  }
0x113: {  	v2 =	vld [tilespmem:$0x18E00];
	_ =	sdelay $0x3  }
0x114: {  	v3 =	vshll.u32 v0, $0x2  }
0x115: {  	[tilespmem:$0x19400] =	vst v2;
	v1 =	vadd.s32 v3, v1  }
0x116: {  	[tilespmem:$0x19200] =	vst v1  }
0x117: {  	v0 =	vld.idx.msk [tilespmem:v0+s29+$0x0], $0xffff  }
0x118: {  	v1 =	vld.idx.msk [tilespmem:v2+s30+$0x0], $0xffff;
	_ =	sdelay $0x4  }
0x119: {  	v0 =	vadd.f32 v1, v0;
	_ =	sdelay $0x1  }
0x11a: {  	v0 =	vsub.f32 $0.0e+00, v0;
	_ =	sdelay $0x1  }
0x11b: {  	v0 =	vmul.f32 $1.442695020e+00, v0;
	_ =	sdelay $0x1  }
0x11c: {  	(erf) = vpow2.f32 v0;
	_ =	sdelay $0x8  }
0x11d: {  	v0 =	vpop (erf)  }
0x11e: {  	v0 =	vadd.f32 $1.000000000e+00, v0;
	_ =	sdelay $0x1  }
0x11f: {  	(erf) = vrcp.f32 v0  }
0x120: {  	v2 =	vld [tilespmem:$0x18E10]  }
0x121: {  	v0 =	vld [tilespmem:$0x18C10]  }
0x122: {  	v1 =	vld [tilespmem:$0x19010];
	_ =	sdelay $0x3  }
0x123: {  	v4 =	vshll.u32 v0, $0x2  }
0x124: {  	[tilespmem:$0x19410] =	vst v2;
	v1 =	vadd.s32 v4, v1  }
0x125: {  	[tilespmem:$0x19210] =	vst v1;
	v3 =	vpop (erf)  }
0x126: {  	[tilespmem:$0x19560] =	vst v3  }
0x127: {  	v0 =	vld.idx.msk [tilespmem:v0+s29+$0x0], $0xffff  }
0x128: {  	v1 =	vld.idx.msk [tilespmem:v2+s30+$0x0], $0xffff;
	_ =	sdelay $0x4  }
0x129: {  	v0 =	vadd.f32 v1, v0;
	_ =	sdelay $0x1  }
0x12a: {  	v0 =	vsub.f32 $0.0e+00, v0;
	_ =	sdelay $0x1  }
0x12b: {  	v0 =	vmul.f32 $1.442695020e+00, v0;
	_ =	sdelay $0x1  }
0x12c: {  	(erf) = vpow2.f32 v0;
	_ =	sdelay $0x8  }
0x12d: {  	v0 =	vpop (erf)  }
0x12e: {  	v0 =	vadd.f32 $1.000000000e+00, v0;
	_ =	sdelay $0x1  }
0x12f: {  	(erf) = vrcp.f32 v0  }
0x130: {  	v2 =	vld [tilespmem:$0x18E20]  }
0x131: {  	v0 =	vld [tilespmem:$0x18C20]  }
0x132: {  	v1 =	vld [tilespmem:$0x19020];
	_ =	sdelay $0x3  }
0x133: {  	v4 =	vshll.u32 v0, $0x2  }
0x134: {  	[tilespmem:$0x19420] =	vst v2;
	v1 =	vadd.s32 v4, v1  }
0x135: {  	[tilespmem:$0x19220] =	vst v1;
	v3 =	vpop (erf)  }
0x136: {  	[tilespmem:$0x19570] =	vst v3  }
0x137: {  	v0 =	vld.idx.msk [tilespmem:v0+s29+$0x0], $0xffff  }
0x138: {  	v1 =	vld.idx.msk [tilespmem:v2+s30+$0x0], $0xffff;
	_ =	sdelay $0x4  }
0x139: {  	v0 =	vadd.f32 v1, v0;
	_ =	sdelay $0x1  }
0x13a: {  	v0 =	vsub.f32 $0.0e+00, v0;
	_ =	sdelay $0x1  }
0x13b: {  	v0 =	vmul.f32 $1.442695020e+00, v0;
	_ =	sdelay $0x1  }
0x13c: {  	(erf) = vpow2.f32 v0;
	_ =	sdelay $0x8  }
0x13d: {  	v0 =	vpop (erf)  }
0x13e: {  	v0 =	vadd.f32 $1.000000000e+00, v0;
	_ =	sdelay $0x1  }
0x13f: {  	(erf) = vrcp.f32 v0;
	_ =	sdelay $0x8  }
0x140: {  	s4 =	sadd.s32 @!p0 s4, s22;
	v0 =	vpop (erf)  }
0x141: {  	s18 =	simm.s32 $0x19200;
	s20 =	simm.s32 $0x30;
	s4 =	sshrl.u32 @!p0 s4, $0x3;
	[tilespmem:$0x19580] =	vst v0  }
0x142: {  	[tilespmem:s24], [sflag:$0x6] =	stream.indirect.gather [hbm4b:s6+s9], $0x80, s18, s9, $0xb8;
	[tilespmem:$0x1DE00] =	vst v63  }
0x143: {  	s14 =	simm.s32 @!p0 $0x0;
	s10 =	sadd.s32 @!p0 s2, s4;
	s18 =	simm.s32 @!p0 $0x18B80  }
0x144: {  	[tilespmem:s18], [sflag:$0x2] =	stream.linear.gather @!p0 [hbm4b:s10+s14], $0x30, $0x38;
	[tilespmem:$0x1DE00] =	vst v63  }
0x145: {  	v0 =	vmov s20;
	s10 =	sadd.s32 @!p0 s8, s4;
	s18 =	simm.s32 @!p0 $0x18D80  }
0x146: {  	v0 =	vand.u32 $0xFFFFFFFE, v0;
	[tilespmem:s18], [sflag:$0x2] =	stream.linear.gather @!p0 [hbm4b:s10+s14], $0x30, $0x38;
	[tilespmem:$0x1DE00] =	vst v63  }
0x147: {  	v1 =	vbroadcast v0, $0x0;
	s4 =	sadd.s32 @!p0 s1, s4;
	s10 =	simm.s32 @!p0 $0x18F80  }
0x148: {  	[tilespmem:s10], [sflag:$0x2] =	stream.linear.gather @!p0 [hbm4b:s4+s14], $0x30, $0x38;
	[tilespmem:$0x1DE00] =	vst v63  }
0x149: {  	_ =	swait.ge [sflag:s25], $0x1800  }
0x14a: {  	[sflag:s25] =	ssyncset.done $0x0  }
0x14b: {  	s4 =	simm.s32 $0x1AEF0;
	[sflag:s25] =	ssyncadd.s32 $0xFFFFE800  }
0x14c: {  	v4 =	vld [tilespmem:s4+$0xFFFFFF80]  }
0x14d: {  	v5 =	vld.idx.msk [tilespmem:v1+s17+$0x0], $0xffff  }
0x14e: {  	v6 =	vld [tilespmem:s4+$0xFFFFFF10]  }
0x14f: {  	v7 =	vld [tilespmem:s4+$0xFFFFFF30]  }
0x150: {  	v3 =	vld [tilespmem:s4+$0xFFFFFF40]  }
0x151: {  	v2 =	vld [tilespmem:s4+$0xFFFFFF60]  }
0x152: {  	v63 =	vld [tilespmem:s4+$0xFFFFFF70];
	v4 =	vmul.f32 v4, v5  }
0x153: {  	v9 =	vld [tilespmem:s4+$0xFFFFFF20];
	v6 =	vmul.f32 v6, v5  }
0x154: {  	v10 =	vld [tilespmem:s4+$0xFFFFFF50];
	v7 =	vmul.f32 v7, v5;
	[tilespmem:s4+$0xFFFFFF80] =	vst v4  }
0x155: {  	v3 =	vmul.f32 v3, v5;
	[tilespmem:s4+$0xFFFFFF10] =	vst v6  }
0x156: {  	s23 =	simm.s32 $0x31;
	v2 =	vmul.f32 v2, v5;
	[tilespmem:s4+$0xFFFFFF30] =	vst v7  }
0x157: {  	v4 =	vmul.f32 v63, v5;
	[tilespmem:s4+$0xFFFFFF40] =	vst v3;
	v3 =	vmov s23  }
0x158: {  	v0 =	vld [tilespmem:s4+$0xFFFFFF90];
	v6 =	vmul.f32 v9, v5;
	[tilespmem:s4+$0xFFFFFF60] =	vst v2  }
0x159: {  	v1 =	vld [tilespmem:s4+$0xFFFFFFA0];
	v5 =	vmul.f32 v10, v5;
	[tilespmem:s4+$0xFFFFFF70] =	vst v4  }
0x15a: {  	v2 =	vld [tilespmem:s4+$0xFFFFFFF0];
	[tilespmem:s4+$0xFFFFFF20] =	vst v6  }
0x15b: {  	[tilespmem:s4+$0xFFFFFF50] =	vst v5;
	v4 =	vld [tilespmem:s4+$0xFFFFFFB0]  }
0x15c: {  	s10 =	simm.s32 $0x33;
	s14 =	simm.s32 $0x1AEF0;
	v3 =	vld.idx.msk [tilespmem:v3+s17+$0x0], $0xffff  }
.LBB2_5:
0x15d: {  	p1 =	sne.s32 s10, $0x5F  }
0x15e: {  	v5 =	vld [tilespmem:s4+$0xFFFFFFE0];
	s14 =	sadd.s32 $0x100, s14;
	s18 =	smov.u32 s10;
	s10 =	sadd.s32 $0x2, s10  }
0x15f: {  	v6 =	vld [tilespmem:s4+$0xFFFFFFC0]  }
0x160: {  	v7 =	vld [tilespmem:s4+$0xFFFFFFD0]  }
0x161: {  	v8 =	vld [tilespmem:s4+$0x0];
	_ =	sdelay $0x1  }
0x162: {  	v0 =	vmul.f32 v0, v3;
	v1 =	vmul.f32 v1, v3  }
0x163: {  	s20 =	sadd.s32 $0xFFFFFFFF, s18;
	v4 =	vmul.f32 v4, v3;
	v6 =	vmul.f32 v6, v3  }
0x164: {  	v9 =	vmov s20;
	v5 =	vmul.f32 v5, v3;
	[tilespmem:s4+$0xFFFFFF90] =	vst v0;
	v7 =	vmul.f32 v7, v3  }
0x165: {  	v9 =	vand.u32 $0xFFFFFFFE, v9;
	v2 =	vmul.f32 v2, v3;
	v0 =	vld [tilespmem:s14+$0xFFFFFF90];
	[tilespmem:s4+$0xFFFFFFB0] =	vst v4;
	v3 =	vmul.f32 v8, v3  }
0x166: {  	v4 =	vbroadcast v9, $0x0;
	[tilespmem:s4+$0xFFFFFFA0] =	vst v1  }
0x167: {  	[tilespmem:s4+$0xFFFFFFC0] =	vst v6  }
0x168: {  	v6 =	vld [tilespmem:s14+$0xFFFFFF60];
	[tilespmem:s4+$0x0] =	vst v3  }
0x169: {  	v3 =	vld [tilespmem:s14+$0xFFFFFF40];
	[tilespmem:s4+$0xFFFFFFE0] =	vst v5  }
0x16a: {  	v5 =	vld [tilespmem:s14+$0xFFFFFF70];
	[tilespmem:s4+$0xFFFFFFF0] =	vst v2  }
0x16b: {  	v2 =	vld [tilespmem:s14+$0xFFFFFF80];
	[tilespmem:s4+$0xFFFFFFD0] =	vst v7;
	s4 =	smov.u32 s14  }
0x16c: {  	v4 =	vld.idx.msk [tilespmem:v4+s17+$0x0], $0xffff  }
0x16d: {  	v7 =	vld [tilespmem:s14+$0xFFFFFF10]  }
0x16e: {  	v8 =	vld [tilespmem:s14+$0xFFFFFF30]  }
0x16f: {  	v9 =	vld [tilespmem:s14+$0xFFFFFF20]  }
0x170: {  	v10 =	vld [tilespmem:s14+$0xFFFFFF50]  }
0x171: {  	v1 =	vld [tilespmem:s14+$0xFFFFFFA0]  }
0x172: {  	v2 =	vmul.f32 v2, v4;
	v7 =	vmul.f32 v7, v4  }
0x173: {  	v5 =	vmul.f32 v5, v4;
	v8 =	vmul.f32 v8, v4  }
0x174: {  	v3 =	vmul.f32 v3, v4;
	v9 =	vmul.f32 v9, v4;
	[tilespmem:s14+$0xFFFFFF80] =	vst v2  }
0x175: {  	v2 =	vmul.f32 v6, v4;
	[tilespmem:s14+$0xFFFFFF10] =	vst v7;
	v7 =	vmul.f32 v10, v4  }
0x176: {  	[tilespmem:s14+$0xFFFFFF30] =	vst v8  }
0x177: {  	[tilespmem:s14+$0xFFFFFF40] =	vst v3;
	v3 =	vmov s18  }
.Ltmp1:
0x178: {  	[tilespmem:s14+$0xFFFFFF60] =	vst v2;
	(pc) =	sbr.rel @p1 .LBB2_5-.Ltmp1, $4  }
0x179: {  	[tilespmem:s14+$0xFFFFFF70] =	vst v5  }
0x17a: {  	[tilespmem:s14+$0xFFFFFF20] =	vst v9;
	v2 =	vld [tilespmem:s14+$0xFFFFFFF0]  }
0x17b: {  	[tilespmem:s14+$0xFFFFFF50] =	vst v7;
	v4 =	vld [tilespmem:s14+$0xFFFFFFB0]  }
0x17c: {  	v3 =	vld.idx.msk [tilespmem:v3+s17+$0x0], $0xffff  }
0x17d: {  	_ =	sdelay $0x2  }
0x17e: {  	v5 =	vld [tilespmem:s4+$0xFFFFFFC0]  }
0x17f: {  	v6 =	vld [tilespmem:s4+$0x0];
	v0 =	vmul.f32 v0, v3  }
0x180: {  	v7 =	vld [tilespmem:s4+$0xFFFFFFE0];
	v4 =	vmul.f32 v4, v3  }
0x181: {  	v8 =	vld [tilespmem:s4+$0xFFFFFFD0];
	v1 =	vmul.f32 v1, v3;
	[tilespmem:s4+$0xFFFFFF90] =	vst v0  }
0x182: {  	v62 =	vmul.f32 v2, v3;
	[tilespmem:s4+$0xFFFFFFB0] =	vst v4  }
0x183: {  	v59 =	vmul.f32 v5, v3;
	[tilespmem:s4+$0xFFFFFFA0] =	vst v1  }
0x184: {  	v60 =	vmul.f32 v6, v3;
	[tilespmem:s4+$0xFFFFFFF0] =	vst v62  }
0x185: {  	v61 =	vmul.f32 v7, v3;
	[tilespmem:s4+$0xFFFFFFC0] =	vst v59  }
0x186: {  	v63 =	vmul.f32 v8, v3;
	[tilespmem:s4+$0x0] =	vst v60  }
0x187: {  	[tilespmem:s4+$0xFFFFFFE0] =	vst v61  }
.Ltmp2:
0x188: {  	[tilespmem:s4+$0xFFFFFFD0] =	vst v63;
	(pc) =	sbr.rel @p0 .LBB2_8-.Ltmp2, $4  }
0x189: {  	[spmem:s3] =	stream.indirect.scatter.add.f32 [tilespmem:s15], [sflag:$0x8], $0x80, s26, s9, $0xb8;
	[tilespmem:$0x1DE00] =	vst v63  }
0x18a: {  	_ =	swait.ge [sflag:s11], $0x1800  }
0x18b: {  	[sflag:s11] =	ssyncset.done $0x0  }
0x18c: {  	[sflag:s11] =	ssyncadd.s32 $0xFFFFE800  }
0x18d: {  	_ =	swait.ge [sflag:s7], $0x30  }
0x18e: {  	[sflag:s7] =	ssyncset.done $0x0  }
0x18f: {  	[sflag:s7] =	ssyncadd.s32 $0xFFFFFFD0  }
0x190: {  	_ =	swait.ge [sflag:s7], $0x30  }
0x191: {  	[sflag:s7] =	ssyncset.done $0x0  }
0x192: {  	[sflag:s7] =	ssyncadd.s32 $0xFFFFFFD0  }
0x193: {  	_ =	swait.ge [sflag:s7], $0x30  }
0x194: {  	[sflag:s7] =	ssyncset.done $0x0  }
0x195: {  	[sflag:s7] =	ssyncadd.s32 $0xFFFFFFD0  }
0x196: {  	v0 =	vld [tilespmem:$0x18B00]  }
0x197: {  	v1 =	vld [tilespmem:$0x18F00]  }
0x198: {  	v2 =	vld [tilespmem:$0x18D00];
	_ =	sdelay $0x3  }
0x199: {  	v3 =	vshll.u32 v0, $0x2  }
0x19a: {  	[tilespmem:$0x19300] =	vst v2;
	v1 =	vadd.s32 v3, v1  }
0x19b: {  	[tilespmem:$0x19100] =	vst v1  }
0x19c: {  	v0 =	vld.idx.msk [tilespmem:v0+s29+$0x0], $0xffff  }
0x19d: {  	v1 =	vld.idx.msk [tilespmem:v2+s30+$0x0], $0xffff;
	_ =	sdelay $0x4  }
0x19e: {  	v0 =	vadd.f32 v1, v0;
	_ =	sdelay $0x1  }
0x19f: {  	v0 =	vsub.f32 $0.0e+00, v0;
	_ =	sdelay $0x1  }
0x1a0: {  	v0 =	vmul.f32 $1.442695020e+00, v0;
	_ =	sdelay $0x1  }
0x1a1: {  	(erf) = vpow2.f32 v0;
	_ =	sdelay $0x8  }
0x1a2: {  	v0 =	vpop (erf)  }
0x1a3: {  	v0 =	vadd.f32 $1.000000000e+00, v0;
	_ =	sdelay $0x1  }
0x1a4: {  	(erf) = vrcp.f32 v0  }
0x1a5: {  	v55 =	vld [tilespmem:$0x18B10]  }
0x1a6: {  	v56 =	vld [tilespmem:$0x18F10]  }
0x1a7: {  	v57 =	vld [tilespmem:$0x18D10];
	_ =	sdelay $0x3  }
0x1a8: {  	v4 =	vshll.u32 v55, $0x2  }
0x1a9: {  	[tilespmem:$0x19310] =	vst v57;
	v1 =	vadd.s32 v4, v56  }
0x1aa: {  	[tilespmem:$0x19110] =	vst v1;
	v58 =	vpop (erf)  }
0x1ab: {  	[tilespmem:$0x19500] =	vst v58  }
0x1ac: {  	v0 =	vld.idx.msk [tilespmem:v55+s29+$0x0], $0xffff  }
0x1ad: {  	v1 =	vld.idx.msk [tilespmem:v57+s30+$0x0], $0xffff;
	_ =	sdelay $0x4  }
0x1ae: {  	v0 =	vadd.f32 v1, v0;
	_ =	sdelay $0x1  }
0x1af: {  	v0 =	vsub.f32 $0.0e+00, v0;
	_ =	sdelay $0x1  }
0x1b0: {  	v0 =	vmul.f32 $1.442695020e+00, v0;
	_ =	sdelay $0x1  }
0x1b1: {  	(erf) = vpow2.f32 v0;
	_ =	sdelay $0x8  }
0x1b2: {  	v0 =	vpop (erf)  }
0x1b3: {  	v0 =	vadd.f32 $1.000000000e+00, v0;
	_ =	sdelay $0x1  }
0x1b4: {  	(erf) = vrcp.f32 v0  }
0x1b5: {  	v59 =	vld [tilespmem:$0x18B20]  }
0x1b6: {  	v60 =	vld [tilespmem:$0x18F20]  }
0x1b7: {  	v61 =	vld [tilespmem:$0x18D20];
	_ =	sdelay $0x3  }
0x1b8: {  	v63 =	vshll.u32 v59, $0x2  }
0x1b9: {  	[tilespmem:$0x19320] =	vst v61;
	v1 =	vadd.s32 v63, v60  }
0x1ba: {  	[tilespmem:$0x19120] =	vst v1;
	v62 =	vpop (erf)  }
0x1bb: {  	[tilespmem:$0x19510] =	vst v62  }
0x1bc: {  	v0 =	vld.idx.msk [tilespmem:v59+s29+$0x0], $0xffff  }
0x1bd: {  	v1 =	vld.idx.msk [tilespmem:v61+s30+$0x0], $0xffff;
	_ =	sdelay $0x4  }
0x1be: {  	v0 =	vadd.f32 v1, v0;
	_ =	sdelay $0x1  }
0x1bf: {  	v0 =	vsub.f32 $0.0e+00, v0;
	_ =	sdelay $0x1  }
0x1c0: {  	v0 =	vmul.f32 $1.442695020e+00, v0;
	_ =	sdelay $0x1  }
0x1c1: {  	(erf) = vpow2.f32 v0;
	_ =	sdelay $0x8  }
0x1c2: {  	v0 =	vpop (erf)  }
0x1c3: {  	v0 =	vadd.f32 $1.000000000e+00, v0;
	_ =	sdelay $0x1  }
0x1c4: {  	(erf) = vrcp.f32 v0;
	_ =	sdelay $0x6  }
0x1c5: {  	s4 =	smul.u32 $0x90, s0  }
0x1c6: {  	s20 =	rddreg [dreg:$0x11]  }
0x1c7: {  	s4 =	sadd.s32 s4, s20;
	v0 =	vpop (erf)  }
0x1c8: {  	s10 =	simm.s32 $0x19100;
	s4 =	sshrl.u32 s4, $0x3;
	[tilespmem:$0x19520] =	vst v0  }
0x1c9: {  	[tilespmem:s12], [sflag:$0x4] =	stream.indirect.gather [hbm4b:s6+s9], $0x80, s10, s9, $0xb8;
	[tilespmem:$0x1DE00] =	vst v63  }
0x1ca: {  	s14 =	simm.s32 $0x18C00;
	s23 =	sadd.s32 s2, s4  }
0x1cb: {  	[tilespmem:s14], [sflag:$0x3] =	stream.linear.gather [hbm4b:s23+s5], $0x30, $0x38;
	[tilespmem:$0x1DE00] =	vst v63  }
0x1cc: {  	s20 =	simm.s32 $0x18E00;
	s18 =	sadd.s32 s8, s4  }
0x1cd: {  	[tilespmem:s20], [sflag:$0x3] =	stream.linear.gather [hbm4b:s18+s5], $0x30, $0x38;
	[tilespmem:$0x1DE00] =	vst v63  }
0x1ce: {  	s4 =	sadd.s32 s1, s4;
	s23 =	simm.s32 $0x19000  }
0x1cf: {  	[tilespmem:s23], [sflag:$0x3] =	stream.linear.gather [hbm4b:s4+s5], $0x30, $0x38;
	[tilespmem:$0x1DE00] =	vst v63  }
.LBB2_8:
0x1d0: {  	s4 =	simm.s32 $0x60  }
0x1d1: {  	v0 =	vmov s4  }
0x1d2: {  	v0 =	vand.u32 $0xFFFFFFFE, v0  }
0x1d3: {  	v1 =	vbroadcast v0, $0x0;
	_ =	sdelay $0x1  }
0x1d4: {  	_ =	swait.ge [sflag:s28], $0x1800  }
0x1d5: {  	[sflag:s28] =	ssyncset.done $0x0  }
0x1d6: {  	s4 =	simm.s32 $0x1C6F0;
	[sflag:s28] =	ssyncadd.s32 $0xFFFFE800  }
0x1d7: {  	v4 =	vld [tilespmem:s4+$0xFFFFFF80]  }
0x1d8: {  	v5 =	vld.idx.msk [tilespmem:v1+s17+$0x0], $0xffff  }
0x1d9: {  	v6 =	vld [tilespmem:s4+$0xFFFFFF10]  }
0x1da: {  	v7 =	vld [tilespmem:s4+$0xFFFFFF30]  }
0x1db: {  	v3 =	vld [tilespmem:s4+$0xFFFFFF40]  }
0x1dc: {  	v2 =	vld [tilespmem:s4+$0xFFFFFF60]  }
0x1dd: {  	v9 =	vld [tilespmem:s4+$0xFFFFFF20];
	v4 =	vmul.f32 v4, v5  }
0x1de: {  	v8 =	vld [tilespmem:s4+$0xFFFFFF70];
	v6 =	vmul.f32 v6, v5  }
0x1df: {  	v10 =	vld [tilespmem:s4+$0xFFFFFF50];
	v7 =	vmul.f32 v7, v5;
	[tilespmem:s4+$0xFFFFFF80] =	vst v4  }
0x1e0: {  	v3 =	vmul.f32 v3, v5;
	[tilespmem:s4+$0xFFFFFF10] =	vst v6  }
0x1e1: {  	s10 =	simm.s32 $0x61;
	v2 =	vmul.f32 v2, v5;
	[tilespmem:s4+$0xFFFFFF30] =	vst v7  }
0x1e2: {  	v4 =	vmul.f32 v9, v5;
	[tilespmem:s4+$0xFFFFFF40] =	vst v3;
	v3 =	vmov s10  }
0x1e3: {  	v0 =	vld [tilespmem:s4+$0xFFFFFF90];
	v6 =	vmul.f32 v8, v5;
	[tilespmem:s4+$0xFFFFFF60] =	vst v2  }
0x1e4: {  	v1 =	vld [tilespmem:s4+$0xFFFFFFA0];
	v5 =	vmul.f32 v10, v5;
	[tilespmem:s4+$0xFFFFFF20] =	vst v4  }
0x1e5: {  	v2 =	vld [tilespmem:s4+$0xFFFFFFF0];
	[tilespmem:s4+$0xFFFFFF70] =	vst v6  }
0x1e6: {  	[tilespmem:s4+$0xFFFFFF50] =	vst v5;
	v4 =	vld [tilespmem:s4+$0xFFFFFFC0]  }
0x1e7: {  	s14 =	simm.s32 $0x1C6F0;
	s10 =	simm.s32 $0x62;
	v3 =	vld.idx.msk [tilespmem:v3+s17+$0x0], $0xffff  }
.LBB2_9:
0x1e8: {  	p0 =	sne.s32 s10, $0x8E  }
0x1e9: {  	v5 =	vld [tilespmem:s4+$0xFFFFFFB0];
	s14 =	sadd.s32 $0x100, s14;
	s18 =	smov.u32 s10;
	s10 =	sadd.s32 $0x2, s10  }
0x1ea: {  	v6 =	vld [tilespmem:s4+$0xFFFFFFD0]  }
0x1eb: {  	v7 =	vld [tilespmem:s4+$0xFFFFFFE0]  }
0x1ec: {  	v8 =	vld [tilespmem:s4+$0x0];
	_ =	sdelay $0x1  }
0x1ed: {  	v0 =	vmul.f32 v0, v3;
	v1 =	vmul.f32 v1, v3  }
0x1ee: {  	v4 =	vmul.f32 v4, v3;
	v5 =	vmul.f32 v5, v3  }
0x1ef: {  	v9 =	vmov s18;
	v6 =	vmul.f32 v6, v3;
	[tilespmem:s4+$0xFFFFFF90] =	vst v0;
	v7 =	vmul.f32 v7, v3  }
0x1f0: {  	v9 =	vand.u32 $0xFFFFFFFE, v9;
	v2 =	vmul.f32 v2, v3;
	v0 =	vld [tilespmem:s14+$0xFFFFFF90];
	[tilespmem:s4+$0xFFFFFFC0] =	vst v4;
	v3 =	vmul.f32 v8, v3  }
0x1f1: {  	v4 =	vbroadcast v9, $0x0;
	[tilespmem:s4+$0xFFFFFFA0] =	vst v1  }
0x1f2: {  	[tilespmem:s4+$0x0] =	vst v3  }
0x1f3: {  	v3 =	vld [tilespmem:s14+$0xFFFFFF60];
	[tilespmem:s4+$0xFFFFFFB0] =	vst v5  }
0x1f4: {  	v5 =	vld [tilespmem:s14+$0xFFFFFF40];
	[tilespmem:s4+$0xFFFFFFF0] =	vst v2  }
0x1f5: {  	v2 =	vld [tilespmem:s14+$0xFFFFFF70];
	[tilespmem:s4+$0xFFFFFFD0] =	vst v6  }
0x1f6: {  	v6 =	vld [tilespmem:s14+$0xFFFFFF80];
	[tilespmem:s4+$0xFFFFFFE0] =	vst v7;
	s4 =	smov.u32 s14  }
0x1f7: {  	v4 =	vld.idx.msk [tilespmem:v4+s17+$0x0], $0xffff  }
0x1f8: {  	v7 =	vld [tilespmem:s14+$0xFFFFFF10]  }
0x1f9: {  	v8 =	vld [tilespmem:s14+$0xFFFFFF30]  }
0x1fa: {  	v9 =	vld [tilespmem:s14+$0xFFFFFF20]  }
0x1fb: {  	v10 =	vld [tilespmem:s14+$0xFFFFFF50]  }
0x1fc: {  	v1 =	vld [tilespmem:s14+$0xFFFFFFA0]  }
0x1fd: {  	v6 =	vmul.f32 v6, v4;
	v7 =	vmul.f32 v7, v4  }
0x1fe: {  	v2 =	vmul.f32 v2, v4;
	v8 =	vmul.f32 v8, v4  }
0x1ff: {  	v5 =	vmul.f32 v5, v4;
	v9 =	vmul.f32 v9, v4;
	[tilespmem:s14+$0xFFFFFF80] =	vst v6  }
0x200: {  	v3 =	vmul.f32 v3, v4;
	[tilespmem:s14+$0xFFFFFF10] =	vst v7;
	v6 =	vmul.f32 v10, v4  }
0x201: {  	s18 =	sadd.s32 $0x1, s18;
	[tilespmem:s14+$0xFFFFFF30] =	vst v8  }
0x202: {  	[tilespmem:s14+$0xFFFFFF40] =	vst v5;
	v5 =	vmov s18  }
.Ltmp3:
0x203: {  	[tilespmem:s14+$0xFFFFFF60] =	vst v3;
	(pc) =	sbr.rel @p0 .LBB2_9-.Ltmp3, $4  }
0x204: {  	[tilespmem:s14+$0xFFFFFF20] =	vst v9  }
0x205: {  	[tilespmem:s14+$0xFFFFFF70] =	vst v2;
	v2 =	vld [tilespmem:s14+$0xFFFFFFF0]  }
0x206: {  	[tilespmem:s14+$0xFFFFFF50] =	vst v6;
	v4 =	vld [tilespmem:s14+$0xFFFFFFC0]  }
0x207: {  	v3 =	vld.idx.msk [tilespmem:v5+s17+$0x0], $0xffff  }
0x208: {  	_ =	sdelay $0x2  }
0x209: {  	v5 =	vld [tilespmem:s4+$0x0]  }
0x20a: {  	v6 =	vld [tilespmem:s4+$0xFFFFFFB0];
	v0 =	vmul.f32 v0, v3  }
0x20b: {  	v7 =	vld [tilespmem:s4+$0xFFFFFFD0];
	v4 =	vmul.f32 v4, v3  }
0x20c: {  	v8 =	vld [tilespmem:s4+$0xFFFFFFE0];
	v1 =	vmul.f32 v1, v3;
	[tilespmem:s4+$0xFFFFFF90] =	vst v0  }
0x20d: {  	v61 =	vmul.f32 v2, v3;
	[tilespmem:s4+$0xFFFFFFC0] =	vst v4  }
0x20e: {  	s0 =	sadd.s32 $0x1, s0;
	v59 =	vmul.f32 v5, v3;
	[tilespmem:s4+$0xFFFFFFA0] =	vst v1  }
0x20f: {  	p0 =	sne.s32 s0, $0x46;
	v60 =	vmul.f32 v6, v3;
	[tilespmem:s4+$0xFFFFFFF0] =	vst v61  }
.Ltmp4:
0x210: {  	v62 =	vmul.f32 v7, v3;
	[tilespmem:s4+$0x0] =	vst v59;
	(pc) =	sbr.rel @p0 .LBB2_2-.Ltmp4, $4  }
0x211: {  	v63 =	vmul.f32 v8, v3;
	[tilespmem:s4+$0xFFFFFFB0] =	vst v60  }
0x212: {  	[tilespmem:s4+$0xFFFFFFD0] =	vst v62  }
0x213: {  	[tilespmem:s4+$0xFFFFFFE0] =	vst v63  }
0x214: {  	[spmem:s3] =	stream.indirect.scatter.add.f32 [tilespmem:s24], [sflag:$0x9], $0x80, s31, s9, $0xb8;
	[tilespmem:$0x1DE00] =	vst v63  }
0x215: {  	s0 =	simm.s32 $0x8  }
0x216: {  	_ =	swait.ge [sflag:s0], $0x1800  }
0x217: {  	[sflag:s0] =	ssyncset.done $0x0  }
0x218: {  	s18 =	simm.s32 $0x9;
	[sflag:s0] =	ssyncadd.s32 $0xFFFFE800  }
0x219: {  	_ =	swait.ge [sflag:s18], $0x1800  }
0x21a: {  	[sflag:s18] =	ssyncset.done $0x0  }
0x21b: {  	[sflag:s18] =	ssyncadd.s32 $0xFFFFE800  }
0x21c: {  	[bflag:$0x0] =	sbarrier.arrive $0xFFFF  }
0x21d: {  	s14 =	rddreg [dreg:$0x7]  }
0x21e: {  	s20 =	rddreg [dreg:$0x12]  }
0x21f: {  	s4 =	rddreg [dreg:$0x16]  }
0x220: {  	[hbm:s20], [sflag:s14] =	dma.local [spmem:s4], $0x2780  }
0x221: {  	s4 =	simm.s32 $0xA  }
0x222: {  	_ =	swait.ge [sflag:s4], $0x2780  }
0x223: {  	s10 =	rddreg [dreg:$0x15]  }
0x224: {  	s23 =	rddreg [dreg:$0x13];
	s10 =	sadd.s32 $0x1, s10  }
0x225: {  	p0 =	sne.s32 s10, s23  }
.Ltmp5:
0x226: {  	_ = 	snop;
	(pc) =	sbr.rel @p0 .LBB2_1-.Ltmp5, $3  }
0x227: {  	_ =	sdelay $0x1  }
0x228: {  	[sflag:s4] =	ssyncset.done $0x0  }
0x229: {  	[sflag:s4] =	ssyncadd.s32 $0xFFFFD880  }
0x22a: {  	_ =	sfence.sel $0x180000  }
0x22b: {  	[bflag:$0x0] =	sbarrier.arrive $0xFFFF  }
0x22c: {  	_ =	strace $0x90000047  }
0x22d: {  	s0 =	stileid.u32;
	[bflag:$0x2] =	sbarrier.arrive $0xFFFF  }
0x22e: {  	p0 =	sne.s32 s0, $0x0;
	s0 =	rddreg [dreg:$0x3]  }
0x22f: {  	s0 =	sadd.s32 @!p0 $0x100000, s0  }
0x230: {  	[sflag:s0] =	ssyncadd.tile.s32 @!p0 $0x1;
	_ =	shalt  }
.Lfunc_end2:
_tile_overlayer_lowered:
.L_overlay_start_2:
0x231: {  	(tag) =	ssettag $0x2  }
0x232: {  	s0 =	rddreg [dreg:$0x0];
	s2 =	stileid.u32  }
0x233: {  	s1 =	rddreg [dreg:$0x1];
	p0 =	sne.s32 s2, $0x0  }
0x234: {  	s3 =	rddreg [dreg:$0x2];
	[bflag:$0x3] =	sbarrier.arrive $0xFFFF;
	s2 =	simm.s32 @!p0 $0x1C0A  }
0x235: {  	[timem:s3], [sflag:s2] =	dma.local @!p0 [hbm:s0], s1  }
0x236: {  	s0 =	simm.s32 @!p0 $0xA  }
0x237: {  	_ =	swait.ge @!p0 [sflag:s0], s1  }
0x238: {  	s1 =	ssub.s32 @!p0 $0x0, s1;
	[sflag:s0] =	ssyncset.done @!p0 $0x0  }
0x239: {  	[sflag:s0] =	ssyncadd.s32 @!p0 s1  }
0x23a: {  	[bflag:$0x3] =	sbarrier.arrive $0xFFFF  }
0x23b: {  	_ =	shalt  }

</sc_bundles>
